<compile_context>
chip_gen: v7x
topology: tpu7x:2x2x1
jax: 0.10.2.dev20260603
libtpu: 0.0.44.dev20260713+nightly
codegen_flags: <defaults>
</compile_context>

<pallas_src>
import functools

import jax
import jax.numpy as jnp
from jax import lax
from jax.experimental import pallas as pl
from jax.experimental.pallas import tpu as pltpu
from jax.experimental.pallas import tpu_sc as plsc

N = 10000
D = 128
E = 320000

NC = 2
NS = 16
NW = NC * NS
C = 128
HB = 16
BPW = 5
NBLK = NW * BPW
E_PAD = NBLK * HB * C
CHUNKS = 80
EPW = CHUNKS * C

N_PAD = 10112
RPT = N_PAD // NS

_mesh = plsc.VectorSubcoreMesh(
    core_axis_name="c", subcore_axis_name="s", num_cores=NC, num_subcores=NS
)


@functools.partial(
    pl.kernel,
    out_type=jax.ShapeDtypeStruct((NC * N_PAD,), jnp.float32),
    mesh=_mesh,
    scratch_types=[
        pltpu.VMEM((HB, C), jnp.int32),
        pltpu.VMEM((C,), jnp.float32),
        pltpu.VMEM((RPT,), jnp.float32),
        pltpu.VMEM_SHARED((N_PAD,), jnp.float32),
    ],
)
def _sc_degree(dst_hbm, ones_hbm, zeros_hbm, out, dst_blk, ones_v, stage_v, acc_sh):
    cid = lax.axis_index("c")
    sid = lax.axis_index("s")
    r0 = sid * RPT
    pltpu.sync_copy(zeros_hbm.at[pl.ds(r0, RPT)], stage_v)
    pltpu.sync_copy(stage_v, acc_sh.at[pl.ds(r0, RPT)])
    pltpu.sync_copy(ones_hbm, ones_v)
    plsc.subcore_barrier()
    gbase = (sid * NC + cid) * BPW

    def blk_body(b, carry):
        pltpu.sync_copy(dst_hbm.at[gbase + b], dst_blk)

        def chunk(j, carry2):
            pltpu.sync_copy(ones_v, acc_sh.at[dst_blk.at[j]], add=True)
            return carry2

        lax.fori_loop(0, HB, chunk, 0)
        return carry

    lax.fori_loop(0, BPW, blk_body, 0)
    plsc.subcore_barrier()
    pltpu.sync_copy(acc_sh.at[pl.ds(r0, RPT)], stage_v)
    pltpu.sync_copy(stage_v, out.at[pl.ds(cid * N_PAD + r0, RPT)])


@functools.partial(
    pl.kernel,
    out_type=jax.ShapeDtypeStruct((NC, N_PAD, D), jnp.float32),
    mesh=_mesh,
    scratch_types=[
        pltpu.VMEM((HB, C), jnp.int32),
        pltpu.VMEM((HB, C), jnp.int32),
        pltpu.VMEM((C, D), jnp.float32),
        pltpu.VMEM((C, D), jnp.float32),
        pltpu.VMEM_SHARED((N_PAD, D), jnp.float32),
        pltpu.SemaphoreType.DMA,
        pltpu.SemaphoreType.DMA,
    ],
)
def _sc_aggregate(h_hbm, src_hbm, dst_hbm, zeros_hbm, out,
                  src_blk, dst_blk, rows_a, rows_b, acc_sh, sem_a, sem_b):
    cid = lax.axis_index("c")
    sid = lax.axis_index("s")
    r0 = sid * RPT
    pltpu.sync_copy(zeros_hbm.at[pl.ds(r0, RPT)], acc_sh.at[pl.ds(r0, RPT)])
    plsc.subcore_barrier()

    def start_gather(j, rows_v, sem):
        pltpu.async_copy(h_hbm.at[src_blk.at[j]], rows_v, sem)

    def wait_gather(j, rows_v, sem):
        pltpu.make_async_copy(h_hbm.at[src_blk.at[j]], rows_v, sem).wait()

    def scatter(j, rows_v):
        pltpu.sync_copy(rows_v, acc_sh.at[dst_blk.at[j]], add=True)

    gbase = (sid * NC + cid) * BPW

    def blk_body(b, carry):
        g = gbase + b
        pltpu.sync_copy(src_hbm.at[g], src_blk)
        pltpu.sync_copy(dst_hbm.at[g], dst_blk)
        start_gather(0, rows_a, sem_a)

        def body(m, carry2):
            ja = 2 * m
            start_gather(ja + 1, rows_b, sem_b)
            wait_gather(ja, rows_a, sem_a)
            scatter(ja, rows_a)
            start_gather(ja + 2, rows_a, sem_a)
            wait_gather(ja + 1, rows_b, sem_b)
            scatter(ja + 1, rows_b)
            return carry2

        lax.fori_loop(0, HB // 2 - 1, body, 0)
        start_gather(HB - 1, rows_b, sem_b)
        wait_gather(HB - 2, rows_a, sem_a)
        scatter(HB - 2, rows_a)
        wait_gather(HB - 1, rows_b, sem_b)
        scatter(HB - 1, rows_b)
        return carry

    lax.fori_loop(0, BPW, blk_body, 0)
    plsc.subcore_barrier()
    pltpu.sync_copy(acc_sh.at[pl.ds(r0, RPT)], out.at[cid, pl.ds(r0, RPT)])


R = 1000


def _tc_first_body(x_ref, w_ref, d0_ref, d1_ref, h_ref, dis_ref):
    deg = d0_ref[...] + d1_ref[...] + 1.0
    dis = lax.rsqrt(deg)
    h = jnp.dot(x_ref[...], w_ref[...], preferred_element_type=jnp.float32)
    h_ref[...] = h * dis
    dis_ref[...] = dis


def _tc_mid_body(a_ref, h1_ref, dis_ref, b1_ref, w2_ref, h2_ref):
    dis = dis_ref[...]
    z = (a_ref[0] + a_ref[1] + h1_ref[...]) * dis + b1_ref[...]
    z = jnp.maximum(z, 0.0)
    h2_ref[...] = jnp.dot(z, w2_ref[...], preferred_element_type=jnp.float32) * dis


def _tc_last_body(c_ref, h2_ref, dis_ref, b2_ref, out_ref):
    out_ref[...] = (c_ref[0] + c_ref[1] + h2_ref[...]) * dis_ref[...] \
        + b2_ref[...]


_row_blk = pl.BlockSpec((R, D), lambda i: (i, 0))
_acc_blk = pl.BlockSpec((NC, R, D), lambda i: (0, i, 0))
_dis_blk = pl.BlockSpec((R, 1), lambda i: (i, 0))
_mat_blk = pl.BlockSpec((D, D), lambda i: (0, 0))
_bias_blk = pl.BlockSpec((1, D), lambda i: (0, 0))

_tc_first = pl.pallas_call(
    _tc_first_body,
    grid=(N // R,),
    in_specs=[_row_blk, _mat_blk, _dis_blk, _dis_blk],
    out_specs=(_row_blk, _dis_blk),
    out_shape=(
        jax.ShapeDtypeStruct((N, D), jnp.float32),
        jax.ShapeDtypeStruct((N, 1), jnp.float32),
    ),
)

_tc_mid = pl.pallas_call(
    _tc_mid_body,
    grid=(N // R,),
    in_specs=[_acc_blk, _row_blk, _dis_blk, _bias_blk, _mat_blk],
    out_specs=_row_blk,
    out_shape=jax.ShapeDtypeStruct((N, D), jnp.float32),
)

_tc_last = pl.pallas_call(
    _tc_last_body,
    grid=(N // R,),
    in_specs=[_acc_blk, _row_blk, _dis_blk, _bias_blk],
    out_specs=_row_blk,
    out_shape=jax.ShapeDtypeStruct((N, D), jnp.float32),
)


def kernel(x, edge_index, W1, b1, W2, b2):
    src = edge_index[0].astype(jnp.int32)
    dst = edge_index[1].astype(jnp.int32)
    pad = E_PAD - E
    pad_i = jnp.arange(pad, dtype=jnp.int32)
    src_p = jnp.concatenate([src, pad_i % N])
    dst_p = jnp.concatenate([dst, N + pad_i % (N_PAD - N)])
    src4 = src_p.reshape(NBLK, HB, C)
    dst4 = dst_p.reshape(NBLK, HB, C)

    ones1 = jnp.ones((C,), jnp.float32)
    zeros1 = jnp.zeros((N_PAD,), jnp.float32)
    zerosD = jnp.zeros((N_PAD, D), jnp.float32)

    deg = _sc_degree(dst4, ones1, zeros1).reshape(NC, N_PAD)
    h1, dis = _tc_first(x, W1, deg[0, :N].reshape(N, 1),
                        deg[1, :N].reshape(N, 1))
    a = _sc_aggregate(h1, src4, dst4, zerosD)
    h2 = _tc_mid(a, h1, dis, b1.reshape(1, D), W2)
    c = _sc_aggregate(h2, src4, dst4, zerosD)
    return _tc_last(c, h2, dis, b2.reshape(1, D))

# --- scband reference (transcript-rebuilt; emitter-appended) ---
"""Pipeline reference for scband-gcn-12438225289268 (READ-ONLY COPY).

The authoritative reference and input builder live on the scoring server;
editing this copy changes nothing except your own understanding.
"""

import jax, jax.numpy as jnp
import numpy as np

N_NODES = 10000
D_IN = 128
D_HID = 128
D_OUT = 128
N_EDGES = 320000


def glorot(key, fan_in, fan_out):
    limit = float(np.sqrt(6.0 / (fan_in + fan_out)))
    return jax.random.uniform(key, (fan_in, fan_out), minval=-limit, maxval=limit, dtype=jnp.float32)


def setup_inputs(seed: int = 0) -> dict:
    key = jax.random.key(seed)
    k_x, k_e, k_w1, k_w2 = jax.random.split(key, 4)
    x = jax.random.normal(k_x, (N_NODES, D_IN), dtype=jnp.float32)
    edge_index = jax.random.randint(k_e, (2, N_EDGES), 0, N_NODES, dtype=jnp.int64)
    W1 = glorot(k_w1, D_IN, D_HID)
    b1 = jnp.zeros((D_HID,), dtype=jnp.float32)
    W2 = glorot(k_w2, D_HID, D_OUT)
    b2 = jnp.zeros((D_OUT,), dtype=jnp.float32)
    return {"x": x, "edge_index": edge_index, "W1": W1, "b1": b1, "W2": W2, "b2": b2}


def gcn_conv(x, edge_index, W, b):
    n = x.shape[0]
    src = edge_index[0]
    dst = edge_index[1]
    # add self-loops (PyG GCNConv default)
    loop = jnp.arange(n, dtype=src.dtype)
    src = jnp.concatenate([src, loop])
    dst = jnp.concatenate([dst, loop])
    # symmetric normalization deg^{-1/2} A deg^{-1/2}
    deg = jnp.zeros((n,), dtype=jnp.float32).at[dst].add(1.0)
    deg_inv_sqrt = jnp.where(deg > 0, 1.0 / jnp.sqrt(deg), 0.0)
    norm = deg_inv_sqrt[src] * deg_inv_sqrt[dst]
    # transform then gather + scatter-add aggregate
    h = x @ W
    msg = h[src] * norm[:, None]
    out = jax.ops.segment_sum(msg, dst, num_segments=n)
    return out + b


def reference(x, edge_index, W1, b1, W2, b2):
    # layer_num = 2: one hidden GCNConv + ReLU (+ dropout, identity at eval), then output GCNConv
    z = gcn_conv(x, edge_index, W1, b1)
    z = jax.nn.relu(z)
    # F.dropout with training=False -> identity
    z = gcn_conv(z, edge_index, W2, b2)
    return z

if __name__ == "__main__":
    import jax
    _d = setup_inputs()
    print(jax.jit(kernel)(*tuple(_d.values())))

</pallas_src>

<mosaic_0001>
#map = affine_map<(d0, d1) -> (0, 0, 0)>
#map1 = affine_map<(d0, d1) -> (0)>
module attributes {stable_mosaic.version = 14 : i64} {
  func.func @_sc_degree(%arg0: i32, %arg1: i32, %arg2: memref<160x16x128xi32, #tpu.memory_space<hbm>>, %arg3: memref<128xf32, #tpu.memory_space<hbm>>, %arg4: memref<10112xf32, #tpu.memory_space<hbm>>, %arg5: memref<20224xf32, #tpu.memory_space<hbm>>, %arg6: memref<16x128xi32, #tpu.memory_space<vmem>>, %arg7: memref<128xf32, #tpu.memory_space<vmem>>, %arg8: memref<632xf32, #tpu.memory_space<vmem>>, %arg9: memref<10112xf32, #tpu.memory_space<vmem_shared>>) attributes {dimension_semantics = [#tpu.dimension_semantics<core_parallel>, #tpu.dimension_semantics<subcore_parallel>], iteration_bounds = array<i64: 2, 16>, scalar_prefetch = 0 : i64, scratch_operands = 4 : i64, tpu.core_type = #tpu.core_type<sc_vector_subcore>, window_params = [{transform_indices = #map}, {transform_indices = #map1}, {transform_indices = #map1}, {transform_indices = #map1}]} {
    %mul3A = arith.constant 632 : i32
    %mul3A_0 = arith.muli %arg1, %mul3A : i32
    "tpu.region"() ({
      %run_scoped3A = tpu.sem_alloc : memref<!tpu.dma_semaphore, #tpu.memory_space<semaphore_mem>>
      %dma_start3A = tpu.memref_slice %arg4[%mul3A_0] : memref<10112xf32, #tpu.memory_space<hbm>> -> memref<632xf32, #tpu.memory_space<hbm>>
      %dma_start3A_14 = tpu.memref_slice %arg4[%mul3A_0] : memref<10112xf32, #tpu.memory_space<hbm>> -> memref<632xf32, #tpu.memory_space<hbm>>
      tpu.enqueue_dma source(%dma_start3A_14 : memref<632xf32, #tpu.memory_space<hbm>>) target(%arg8 : memref<632xf32, #tpu.memory_space<vmem>>) target_semaphore(%run_scoped3A : memref<!tpu.dma_semaphore, #tpu.memory_space<semaphore_mem>>)
      %dma_wait3A = tpu.memref_slice %arg4[%mul3A_0] : memref<10112xf32, #tpu.memory_space<hbm>> -> memref<632xf32, #tpu.memory_space<hbm>>
      %dma_wait3A_15 = tpu.memref_slice %arg4[%mul3A_0] : memref<10112xf32, #tpu.memory_space<hbm>> -> memref<632xf32, #tpu.memory_space<hbm>>
      tpu.wait_dma2 semaphore(%run_scoped3A : memref<!tpu.dma_semaphore, #tpu.memory_space<semaphore_mem>>) src(%dma_wait3A_15 : memref<632xf32, #tpu.memory_space<hbm>>) dst(%arg8 : memref<632xf32, #tpu.memory_space<vmem>>)
      tpu.yield
    }) : () -> ()
    "tpu.region"() ({
      %run_scoped3A = tpu.sem_alloc : memref<!tpu.dma_semaphore, #tpu.memory_space<semaphore_mem>>
      %dma_start3A = tpu.memref_slice %arg9[%mul3A_0] : memref<10112xf32, #tpu.memory_space<vmem_shared>> -> memref<632xf32, #tpu.memory_space<vmem_shared>>
      %dma_start3A_14 = tpu.memref_slice %arg9[%mul3A_0] : memref<10112xf32, #tpu.memory_space<vmem_shared>> -> memref<632xf32, #tpu.memory_space<vmem_shared>>
      tpu.enqueue_dma source(%arg8 : memref<632xf32, #tpu.memory_space<vmem>>) target(%dma_start3A_14 : memref<632xf32, #tpu.memory_space<vmem_shared>>) target_semaphore(%run_scoped3A : memref<!tpu.dma_semaphore, #tpu.memory_space<semaphore_mem>>)
      %dma_wait3A = tpu.memref_slice %arg9[%mul3A_0] : memref<10112xf32, #tpu.memory_space<vmem_shared>> -> memref<632xf32, #tpu.memory_space<vmem_shared>>
      %dma_wait3A_15 = tpu.memref_slice %arg9[%mul3A_0] : memref<10112xf32, #tpu.memory_space<vmem_shared>> -> memref<632xf32, #tpu.memory_space<vmem_shared>>
      tpu.wait_dma2 semaphore(%run_scoped3A : memref<!tpu.dma_semaphore, #tpu.memory_space<semaphore_mem>>) src(%arg8 : memref<632xf32, #tpu.memory_space<vmem>>) dst(%dma_wait3A_15 : memref<632xf32, #tpu.memory_space<vmem_shared>>)
      tpu.yield
    }) : () -> ()
    "tpu.region"() ({
      %run_scoped3A = tpu.sem_alloc : memref<!tpu.dma_semaphore, #tpu.memory_space<semaphore_mem>>
      tpu.enqueue_dma source(%arg3 : memref<128xf32, #tpu.memory_space<hbm>>) target(%arg7 : memref<128xf32, #tpu.memory_space<vmem>>) target_semaphore(%run_scoped3A : memref<!tpu.dma_semaphore, #tpu.memory_space<semaphore_mem>>)
      tpu.wait_dma2 semaphore(%run_scoped3A : memref<!tpu.dma_semaphore, #tpu.memory_space<semaphore_mem>>) src(%arg3 : memref<128xf32, #tpu.memory_space<hbm>>) dst(%arg7 : memref<128xf32, #tpu.memory_space<vmem>>)
      tpu.yield
    }) : () -> ()
    %barrier3A = arith.constant 0 : index
    tpu.barrier barrier_id(%barrier3A)
    %mul3A_1 = arith.constant 2 : i32
    %mul3A_2 = arith.muli %arg1, %mul3A_1 : i32
    %add3A = arith.addi %mul3A_2, %arg0 : i32
    %mul3A_3 = arith.constant 5 : i32
    %mul3A_4 = arith.muli %add3A, %mul3A_3 : i32
    %scan3A = arith.constant 0 : i32
    %scan3A_5 = arith.constant 0 : i32
    %scan3A_6 = arith.constant 5 : i32
    %scan3A_7 = arith.addi %scan3A_5, %scan3A_6 : i32
    %scan3A_8 = arith.constant 1 : i32
    scf.for %scan3A_14 = %scan3A_5 to %scan3A_7 step %scan3A_8  : i32 {
      %add3A_15 = arith.addi %mul3A_4, %scan3A_14 : i32
      "tpu.region"() ({
        %run_scoped3A = tpu.sem_alloc : memref<!tpu.dma_semaphore, #tpu.memory_space<semaphore_mem>>
        %dma_start3A = arith.constant 0 : i32
        %dma_start3A_22 = arith.constant 0 : i32
        %dma_start3A_23 = tpu.memref_slice %arg2[%add3A_15, %dma_start3A, %dma_start3A_22] : memref<160x16x128xi32, #tpu.memory_space<hbm>> -> memref<1x16x128xi32, #tpu.memory_space<hbm>>
        %dma_start3A_24 = tpu.memref_squeeze %dma_start3A_23 : memref<1x16x128xi32, #tpu.memory_space<hbm>> -> memref<16x128xi32, #tpu.memory_space<hbm>>
        %dma_start3A_25 = arith.constant 0 : i32
        %dma_start3A_26 = arith.constant 0 : i32
        %dma_start3A_27 = tpu.memref_slice %arg2[%add3A_15, %dma_start3A_25, %dma_start3A_26] : memref<160x16x128xi32, #tpu.memory_space<hbm>> -> memref<1x16x128xi32, #tpu.memory_space<hbm>>
        %dma_start3A_28 = tpu.memref_squeeze %dma_start3A_27 : memref<1x16x128xi32, #tpu.memory_space<hbm>> -> memref<16x128xi32, #tpu.memory_space<hbm>>
        tpu.enqueue_dma source(%dma_start3A_28 : memref<16x128xi32, #tpu.memory_space<hbm>>) target(%arg6 : memref<16x128xi32, #tpu.memory_space<vmem>>) target_semaphore(%run_scoped3A : memref<!tpu.dma_semaphore, #tpu.memory_space<semaphore_mem>>)
        %dma_wait3A = arith.constant 0 : i32
        %dma_wait3A_29 = arith.constant 0 : i32
        %dma_wait3A_30 = tpu.memref_slice %arg2[%add3A_15, %dma_wait3A, %dma_wait3A_29] : memref<160x16x128xi32, #tpu.memory_space<hbm>> -> memref<1x16x128xi32, #tpu.memory_space<hbm>>
        %dma_wait3A_31 = tpu.memref_squeeze %dma_wait3A_30 : memref<1x16x128xi32, #tpu.memory_space<hbm>> -> memref<16x128xi32, #tpu.memory_space<hbm>>
        %dma_wait3A_32 = arith.constant 0 : i32
        %dma_wait3A_33 = arith.constant 0 : i32
        %dma_wait3A_34 = tpu.memref_slice %arg2[%add3A_15, %dma_wait3A_32, %dma_wait3A_33] : memref<160x16x128xi32, #tpu.memory_space<hbm>> -> memref<1x16x128xi32, #tpu.memory_space<hbm>>
        %dma_wait3A_35 = tpu.memref_squeeze %dma_wait3A_34 : memref<1x16x128xi32, #tpu.memory_space<hbm>> -> memref<16x128xi32, #tpu.memory_space<hbm>>
        tpu.wait_dma2 semaphore(%run_scoped3A : memref<!tpu.dma_semaphore, #tpu.memory_space<semaphore_mem>>) src(%dma_wait3A_35 : memref<16x128xi32, #tpu.memory_space<hbm>>) dst(%arg6 : memref<16x128xi32, #tpu.memory_space<vmem>>)
        tpu.yield
      }) : () -> ()
      %scan3A_16 = arith.constant 0 : i32
      %scan3A_17 = arith.constant 0 : i32
      %scan3A_18 = arith.constant 16 : i32
      %scan3A_19 = arith.addi %scan3A_17, %scan3A_18 : i32
      %scan3A_20 = arith.constant 1 : i32
      scf.for %scan3A_22 = %scan3A_17 to %scan3A_19 step %scan3A_20  : i32 {
        "tpu.region"() ({
          %run_scoped3A = tpu.sem_alloc : memref<!tpu.dma_semaphore, #tpu.memory_space<semaphore_mem>>
          %dma_start3A = arith.constant 0 : i32
          %dma_start3A_23 = tpu.memref_slice %arg6[%scan3A_22, %dma_start3A] : memref<16x128xi32, #tpu.memory_space<vmem>> -> memref<1x128xi32, #tpu.memory_space<vmem>>
          %dma_start3A_24 = tpu.memref_squeeze %dma_start3A_23 : memref<1x128xi32, #tpu.memory_space<vmem>> -> memref<128xi32, #tpu.memory_space<vmem>>
          %dma_start3A_25 = arith.constant 0 : i32
          %dma_start3A_26 = tpu.memref_slice %arg9[%dma_start3A_25] : memref<10112xf32, #tpu.memory_space<vmem_shared>> -> memref<10112xf32, #tpu.memory_space<vmem_shared>>
          tpu.enqueue_indirect_dma source(%arg7 : memref<128xf32, #tpu.memory_space<vmem>>) target(%dma_start3A_26 : memref<10112xf32, #tpu.memory_space<vmem_shared>>) offsets(%dma_start3A_24 : memref<128xi32, #tpu.memory_space<vmem>>) semaphore(%run_scoped3A : memref<!tpu.dma_semaphore, #tpu.memory_space<semaphore_mem>>) {add = true}
          %dma_wait3A = arith.constant 0 : i32
          %dma_wait3A_27 = tpu.memref_slice %arg6[%scan3A_22, %dma_wait3A] : memref<16x128xi32, #tpu.memory_space<vmem>> -> memref<1x128xi32, #tpu.memory_space<vmem>>
          %dma_wait3A_28 = tpu.memref_squeeze %dma_wait3A_27 : memref<1x128xi32, #tpu.memory_space<vmem>> -> memref<128xi32, #tpu.memory_space<vmem>>
          %dma_wait3A_29 = arith.constant 0 : i32
          %dma_wait3A_30 = tpu.memref_slice %arg9[%dma_wait3A_29] : memref<10112xf32, #tpu.memory_space<vmem_shared>> -> memref<10112xf32, #tpu.memory_space<vmem_shared>>
          tpu.wait_indirect_dma semaphore(%run_scoped3A : memref<!tpu.dma_semaphore, #tpu.memory_space<semaphore_mem>>) src(%arg7 : memref<128xf32, #tpu.memory_space<vmem>>) dst(%dma_wait3A_30 : memref<10112xf32, #tpu.memory_space<vmem_shared>>)
          tpu.yield
        }) : () -> ()
      }
      %scan3A_21 = arith.constant 16 : i32
    }
    %scan3A_9 = arith.constant 5 : i32
    %barrier3A_10 = arith.constant 0 : index
    tpu.barrier barrier_id(%barrier3A_10)
    "tpu.region"() ({
      %run_scoped3A = tpu.sem_alloc : memref<!tpu.dma_semaphore, #tpu.memory_space<semaphore_mem>>
      %dma_start3A = tpu.memref_slice %arg9[%mul3A_0] : memref<10112xf32, #tpu.memory_space<vmem_shared>> -> memref<632xf32, #tpu.memory_space<vmem_shared>>
      %dma_start3A_14 = tpu.memref_slice %arg9[%mul3A_0] : memref<10112xf32, #tpu.memory_space<vmem_shared>> -> memref<632xf32, #tpu.memory_space<vmem_shared>>
      tpu.enqueue_dma source(%dma_start3A_14 : memref<632xf32, #tpu.memory_space<vmem_shared>>) target(%arg8 : memref<632xf32, #tpu.memory_space<vmem>>) target_semaphore(%run_scoped3A : memref<!tpu.dma_semaphore, #tpu.memory_space<semaphore_mem>>)
      %dma_wait3A = tpu.memref_slice %arg9[%mul3A_0] : memref<10112xf32, #tpu.memory_space<vmem_shared>> -> memref<632xf32, #tpu.memory_space<vmem_shared>>
      %dma_wait3A_15 = tpu.memref_slice %arg9[%mul3A_0] : memref<10112xf32, #tpu.memory_space<vmem_shared>> -> memref<632xf32, #tpu.memory_space<vmem_shared>>
      tpu.wait_dma2 semaphore(%run_scoped3A : memref<!tpu.dma_semaphore, #tpu.memory_space<semaphore_mem>>) src(%dma_wait3A_15 : memref<632xf32, #tpu.memory_space<vmem_shared>>) dst(%arg8 : memref<632xf32, #tpu.memory_space<vmem>>)
      tpu.yield
    }) : () -> ()
    %mul3A_11 = arith.constant 10112 : i32
    %mul3A_12 = arith.muli %arg0, %mul3A_11 : i32
    %add3A_13 = arith.addi %mul3A_12, %mul3A_0 : i32
    "tpu.region"() ({
      %run_scoped3A = tpu.sem_alloc : memref<!tpu.dma_semaphore, #tpu.memory_space<semaphore_mem>>
      %dma_start3A = tpu.memref_slice %arg5[%add3A_13] : memref<20224xf32, #tpu.memory_space<hbm>> -> memref<632xf32, #tpu.memory_space<hbm>>
      %dma_start3A_14 = tpu.memref_slice %arg5[%add3A_13] : memref<20224xf32, #tpu.memory_space<hbm>> -> memref<632xf32, #tpu.memory_space<hbm>>
      tpu.enqueue_dma source(%arg8 : memref<632xf32, #tpu.memory_space<vmem>>) target(%dma_start3A_14 : memref<632xf32, #tpu.memory_space<hbm>>) target_semaphore(%run_scoped3A : memref<!tpu.dma_semaphore, #tpu.memory_space<semaphore_mem>>)
      %dma_wait3A = tpu.memref_slice %arg5[%add3A_13] : memref<20224xf32, #tpu.memory_space<hbm>> -> memref<632xf32, #tpu.memory_space<hbm>>
      %dma_wait3A_15 = tpu.memref_slice %arg5[%add3A_13] : memref<20224xf32, #tpu.memory_space<hbm>> -> memref<632xf32, #tpu.memory_space<hbm>>
      tpu.wait_dma2 semaphore(%run_scoped3A : memref<!tpu.dma_semaphore, #tpu.memory_space<semaphore_mem>>) src(%arg8 : memref<632xf32, #tpu.memory_space<vmem>>) dst(%dma_wait3A_15 : memref<632xf32, #tpu.memory_space<hbm>>)
      tpu.yield
    }) : () -> ()
    return
  }
}

#map = affine_map<(d0, d1) -> (0, 0)>
#map1 = affine_map<(d0, d1) -> (0, 0, 0)>
module attributes {stable_mosaic.version = 14 : i64} {
  func.func @_sc_aggregate(%arg0: i32, %arg1: i32, %arg2: memref<10000x128xf32, #tpu.memory_space<hbm>>, %arg3: memref<160x16x128xi32, #tpu.memory_space<hbm>>, %arg4: memref<160x16x128xi32, #tpu.memory_space<hbm>>, %arg5: memref<10112x128xf32, #tpu.memory_space<hbm>>, %arg6: memref<2x10112x128xf32, #tpu.memory_space<hbm>>, %arg7: memref<16x128xi32, #tpu.memory_space<vmem>>, %arg8: memref<16x128xi32, #tpu.memory_space<vmem>>, %arg9: memref<128x128xf32, #tpu.memory_space<vmem>>, %arg10: memref<128x128xf32, #tpu.memory_space<vmem>>, %arg11: memref<10112x128xf32, #tpu.memory_space<vmem_shared>>, %arg12: memref<!tpu.dma_semaphore, #tpu.memory_space<semaphore_mem>>, %arg13: memref<!tpu.dma_semaphore, #tpu.memory_space<semaphore_mem>>) attributes {dimension_semantics = [#tpu.dimension_semantics<core_parallel>, #tpu.dimension_semantics<subcore_parallel>], iteration_bounds = array<i64: 2, 16>, scalar_prefetch = 0 : i64, scratch_operands = 7 : i64, tpu.core_type = #tpu.core_type<sc_vector_subcore>, window_params = [{transform_indices = #map}, {transform_indices = #map1}, {transform_indices = #map1}, {transform_indices = #map}, {transform_indices = #map1}]} {
    %mul3A = arith.constant 632 : i32
    %mul3A_0 = arith.muli %arg1, %mul3A : i32
    "tpu.region"() ({
      %run_scoped3A = tpu.sem_alloc : memref<!tpu.dma_semaphore, #tpu.memory_space<semaphore_mem>>
      %dma_start3A = arith.constant 0 : i32
      %dma_start3A_11 = tpu.memref_slice %arg11[%mul3A_0, %dma_start3A] : memref<10112x128xf32, #tpu.memory_space<vmem_shared>> -> memref<632x128xf32, #tpu.memory_space<vmem_shared>>
      %dma_start3A_12 = arith.constant 0 : i32
      %dma_start3A_13 = tpu.memref_slice %arg5[%mul3A_0, %dma_start3A_12] : memref<10112x128xf32, #tpu.memory_space<hbm>> -> memref<632x128xf32, #tpu.memory_space<hbm>>
      tpu.enqueue_dma source(%dma_start3A_13 : memref<632x128xf32, #tpu.memory_space<hbm>>) target(%dma_start3A_11 : memref<632x128xf32, #tpu.memory_space<vmem_shared>>) target_semaphore(%run_scoped3A : memref<!tpu.dma_semaphore, #tpu.memory_space<semaphore_mem>>)
      %dma_wait3A = arith.constant 0 : i32
      %dma_wait3A_14 = tpu.memref_slice %arg11[%mul3A_0, %dma_wait3A] : memref<10112x128xf32, #tpu.memory_space<vmem_shared>> -> memref<632x128xf32, #tpu.memory_space<vmem_shared>>
      %dma_wait3A_15 = arith.constant 0 : i32
      %dma_wait3A_16 = tpu.memref_slice %arg5[%mul3A_0, %dma_wait3A_15] : memref<10112x128xf32, #tpu.memory_space<hbm>> -> memref<632x128xf32, #tpu.memory_space<hbm>>
      tpu.wait_dma2 semaphore(%run_scoped3A : memref<!tpu.dma_semaphore, #tpu.memory_space<semaphore_mem>>) src(%dma_wait3A_16 : memref<632x128xf32, #tpu.memory_space<hbm>>) dst(%dma_wait3A_14 : memref<632x128xf32, #tpu.memory_space<vmem_shared>>)
      tpu.yield
    }) : () -> ()
    %barrier3A = arith.constant 0 : index
    tpu.barrier barrier_id(%barrier3A)
    %mul3A_1 = arith.constant 2 : i32
    %mul3A_2 = arith.muli %arg1, %mul3A_1 : i32
    %add3A = arith.addi %mul3A_2, %arg0 : i32
    %mul3A_3 = arith.constant 5 : i32
    %mul3A_4 = arith.muli %add3A, %mul3A_3 : i32
    %scan3A = arith.constant 0 : i32
    %scan3A_5 = arith.constant 0 : i32
    %scan3A_6 = arith.constant 5 : i32
    %scan3A_7 = arith.addi %scan3A_5, %scan3A_6 : i32
    %scan3A_8 = arith.constant 1 : i32
    scf.for %scan3A_11 = %scan3A_5 to %scan3A_7 step %scan3A_8  : i32 {
      %add3A_12 = arith.addi %mul3A_4, %scan3A_11 : i32
      "tpu.region"() ({
        %run_scoped3A_46 = tpu.sem_alloc : memref<!tpu.dma_semaphore, #tpu.memory_space<semaphore_mem>>
        %dma_start3A_47 = arith.constant 0 : i32
        %dma_start3A_48 = arith.constant 0 : i32
        %dma_start3A_49 = tpu.memref_slice %arg3[%add3A_12, %dma_start3A_47, %dma_start3A_48] : memref<160x16x128xi32, #tpu.memory_space<hbm>> -> memref<1x16x128xi32, #tpu.memory_space<hbm>>
        %dma_start3A_50 = tpu.memref_squeeze %dma_start3A_49 : memref<1x16x128xi32, #tpu.memory_space<hbm>> -> memref<16x128xi32, #tpu.memory_space<hbm>>
        %dma_start3A_51 = arith.constant 0 : i32
        %dma_start3A_52 = arith.constant 0 : i32
        %dma_start3A_53 = tpu.memref_slice %arg3[%add3A_12, %dma_start3A_51, %dma_start3A_52] : memref<160x16x128xi32, #tpu.memory_space<hbm>> -> memref<1x16x128xi32, #tpu.memory_space<hbm>>
        %dma_start3A_54 = tpu.memref_squeeze %dma_start3A_53 : memref<1x16x128xi32, #tpu.memory_space<hbm>> -> memref<16x128xi32, #tpu.memory_space<hbm>>
        tpu.enqueue_dma source(%dma_start3A_54 : memref<16x128xi32, #tpu.memory_space<hbm>>) target(%arg7 : memref<16x128xi32, #tpu.memory_space<vmem>>) target_semaphore(%run_scoped3A_46 : memref<!tpu.dma_semaphore, #tpu.memory_space<semaphore_mem>>)
        %dma_wait3A_55 = arith.constant 0 : i32
        %dma_wait3A_56 = arith.constant 0 : i32
        %dma_wait3A_57 = tpu.memref_slice %arg3[%add3A_12, %dma_wait3A_55, %dma_wait3A_56] : memref<160x16x128xi32, #tpu.memory_space<hbm>> -> memref<1x16x128xi32, #tpu.memory_space<hbm>>
        %dma_wait3A_58 = tpu.memref_squeeze %dma_wait3A_57 : memref<1x16x128xi32, #tpu.memory_space<hbm>> -> memref<16x128xi32, #tpu.memory_space<hbm>>
        %dma_wait3A_59 = arith.constant 0 : i32
        %dma_wait3A_60 = arith.constant 0 : i32
        %dma_wait3A_61 = tpu.memref_slice %arg3[%add3A_12, %dma_wait3A_59, %dma_wait3A_60] : memref<160x16x128xi32, #tpu.memory_space<hbm>> -> memref<1x16x128xi32, #tpu.memory_space<hbm>>
        %dma_wait3A_62 = tpu.memref_squeeze %dma_wait3A_61 : memref<1x16x128xi32, #tpu.memory_space<hbm>> -> memref<16x128xi32, #tpu.memory_space<hbm>>
        tpu.wait_dma2 semaphore(%run_scoped3A_46 : memref<!tpu.dma_semaphore, #tpu.memory_space<semaphore_mem>>) src(%dma_wait3A_62 : memref<16x128xi32, #tpu.memory_space<hbm>>) dst(%arg7 : memref<16x128xi32, #tpu.memory_space<vmem>>)
        tpu.yield
      }) : () -> ()
      "tpu.region"() ({
        %run_scoped3A_46 = tpu.sem_alloc : memref<!tpu.dma_semaphore, #tpu.memory_space<semaphore_mem>>
        %dma_start3A_47 = arith.constant 0 : i32
        %dma_start3A_48 = arith.constant 0 : i32
        %dma_start3A_49 = tpu.memref_slice %arg4[%add3A_12, %dma_start3A_47, %dma_start3A_48] : memref<160x16x128xi32, #tpu.memory_space<hbm>> -> memref<1x16x128xi32, #tpu.memory_space<hbm>>
        %dma_start3A_50 = tpu.memref_squeeze %dma_start3A_49 : memref<1x16x128xi32, #tpu.memory_space<hbm>> -> memref<16x128xi32, #tpu.memory_space<hbm>>
        %dma_start3A_51 = arith.constant 0 : i32
        %dma_start3A_52 = arith.constant 0 : i32
        %dma_start3A_53 = tpu.memref_slice %arg4[%add3A_12, %dma_start3A_51, %dma_start3A_52] : memref<160x16x128xi32, #tpu.memory_space<hbm>> -> memref<1x16x128xi32, #tpu.memory_space<hbm>>
        %dma_start3A_54 = tpu.memref_squeeze %dma_start3A_53 : memref<1x16x128xi32, #tpu.memory_space<hbm>> -> memref<16x128xi32, #tpu.memory_space<hbm>>
        tpu.enqueue_dma source(%dma_start3A_54 : memref<16x128xi32, #tpu.memory_space<hbm>>) target(%arg8 : memref<16x128xi32, #tpu.memory_space<vmem>>) target_semaphore(%run_scoped3A_46 : memref<!tpu.dma_semaphore, #tpu.memory_space<semaphore_mem>>)
        %dma_wait3A_55 = arith.constant 0 : i32
        %dma_wait3A_56 = arith.constant 0 : i32
        %dma_wait3A_57 = tpu.memref_slice %arg4[%add3A_12, %dma_wait3A_55, %dma_wait3A_56] : memref<160x16x128xi32, #tpu.memory_space<hbm>> -> memref<1x16x128xi32, #tpu.memory_space<hbm>>
        %dma_wait3A_58 = tpu.memref_squeeze %dma_wait3A_57 : memref<1x16x128xi32, #tpu.memory_space<hbm>> -> memref<16x128xi32, #tpu.memory_space<hbm>>
        %dma_wait3A_59 = arith.constant 0 : i32
        %dma_wait3A_60 = arith.constant 0 : i32
        %dma_wait3A_61 = tpu.memref_slice %arg4[%add3A_12, %dma_wait3A_59, %dma_wait3A_60] : memref<160x16x128xi32, #tpu.memory_space<hbm>> -> memref<1x16x128xi32, #tpu.memory_space<hbm>>
        %dma_wait3A_62 = tpu.memref_squeeze %dma_wait3A_61 : memref<1x16x128xi32, #tpu.memory_space<hbm>> -> memref<16x128xi32, #tpu.memory_space<hbm>>
        tpu.wait_dma2 semaphore(%run_scoped3A_46 : memref<!tpu.dma_semaphore, #tpu.memory_space<semaphore_mem>>) src(%dma_wait3A_62 : memref<16x128xi32, #tpu.memory_space<hbm>>) dst(%arg8 : memref<16x128xi32, #tpu.memory_space<vmem>>)
        tpu.yield
      }) : () -> ()
      %dma_start3A = arith.constant 0 : i32
      %dma_start3A_13 = arith.constant 0 : i32
      %dma_start3A_14 = tpu.memref_slice %arg7[%dma_start3A, %dma_start3A_13] : memref<16x128xi32, #tpu.memory_space<vmem>> -> memref<1x128xi32, #tpu.memory_space<vmem>>
      %dma_start3A_15 = tpu.memref_squeeze %dma_start3A_14 : memref<1x128xi32, #tpu.memory_space<vmem>> -> memref<128xi32, #tpu.memory_space<vmem>>
      %dma_start3A_16 = arith.constant 0 : i32
      %dma_start3A_17 = arith.constant 0 : i32
      %dma_start3A_18 = tpu.memref_slice %arg2[%dma_start3A_16, %dma_start3A_17] : memref<10000x128xf32, #tpu.memory_space<hbm>> -> memref<10000x128xf32, #tpu.memory_space<hbm>>
      tpu.enqueue_indirect_dma source(%dma_start3A_18 : memref<10000x128xf32, #tpu.memory_space<hbm>>) target(%arg9 : memref<128x128xf32, #tpu.memory_space<vmem>>) offsets(%dma_start3A_15 : memref<128xi32, #tpu.memory_space<vmem>>) semaphore(%arg12 : memref<!tpu.dma_semaphore, #tpu.memory_space<semaphore_mem>>)
      %scan3A_19 = arith.constant 0 : i32
      %scan3A_20 = arith.constant 0 : i32
      %scan3A_21 = arith.constant 7 : i32
      %scan3A_22 = arith.addi %scan3A_20, %scan3A_21 : i32
      %scan3A_23 = arith.constant 1 : i32
      scf.for %scan3A_46 = %scan3A_20 to %scan3A_22 step %scan3A_23  : i32 {
        %mul3A_47 = arith.constant 2 : i32
        %mul3A_48 = arith.muli %mul3A_47, %scan3A_46 : i32
        %add3A_49 = arith.constant 1 : i32
        %add3A_50 = arith.addi %mul3A_48, %add3A_49 : i32
        %dma_start3A_51 = arith.constant 0 : i32
        %dma_start3A_52 = tpu.memref_slice %arg7[%add3A_50, %dma_start3A_51] : memref<16x128xi32, #tpu.memory_space<vmem>> -> memref<1x128xi32, #tpu.memory_space<vmem>>
        %dma_start3A_53 = tpu.memref_squeeze %dma_start3A_52 : memref<1x128xi32, #tpu.memory_space<vmem>> -> memref<128xi32, #tpu.memory_space<vmem>>
        %dma_start3A_54 = arith.constant 0 : i32
        %dma_start3A_55 = arith.constant 0 : i32
        %dma_start3A_56 = tpu.memref_slice %arg2[%dma_start3A_54, %dma_start3A_55] : memref<10000x128xf32, #tpu.memory_space<hbm>> -> memref<10000x128xf32, #tpu.memory_space<hbm>>
        tpu.enqueue_indirect_dma source(%dma_start3A_56 : memref<10000x128xf32, #tpu.memory_space<hbm>>) target(%arg10 : memref<128x128xf32, #tpu.memory_space<vmem>>) offsets(%dma_start3A_53 : memref<128xi32, #tpu.memory_space<vmem>>) semaphore(%arg13 : memref<!tpu.dma_semaphore, #tpu.memory_space<semaphore_mem>>)
        %dma_wait3A_57 = arith.constant 0 : i32
        %dma_wait3A_58 = tpu.memref_slice %arg7[%mul3A_48, %dma_wait3A_57] : memref<16x128xi32, #tpu.memory_space<vmem>> -> memref<1x128xi32, #tpu.memory_space<vmem>>
        %dma_wait3A_59 = tpu.memref_squeeze %dma_wait3A_58 : memref<1x128xi32, #tpu.memory_space<vmem>> -> memref<128xi32, #tpu.memory_space<vmem>>
        %dma_wait3A_60 = arith.constant 0 : i32
        %dma_wait3A_61 = arith.constant 0 : i32
        %dma_wait3A_62 = tpu.memref_slice %arg2[%dma_wait3A_60, %dma_wait3A_61] : memref<10000x128xf32, #tpu.memory_space<hbm>> -> memref<10000x128xf32, #tpu.memory_space<hbm>>
        tpu.wait_indirect_dma semaphore(%arg12 : memref<!tpu.dma_semaphore, #tpu.memory_space<semaphore_mem>>) src(%dma_wait3A_62 : memref<10000x128xf32, #tpu.memory_space<hbm>>) dst(%arg9 : memref<128x128xf32, #tpu.memory_space<vmem>>)
        "tpu.region"() ({
          %run_scoped3A_81 = tpu.sem_alloc : memref<!tpu.dma_semaphore, #tpu.memory_space<semaphore_mem>>
          %dma_start3A_82 = arith.constant 0 : i32
          %dma_start3A_83 = tpu.memref_slice %arg8[%mul3A_48, %dma_start3A_82] : memref<16x128xi32, #tpu.memory_space<vmem>> -> memref<1x128xi32, #tpu.memory_space<vmem>>
          %dma_start3A_84 = tpu.memref_squeeze %dma_start3A_83 : memref<1x128xi32, #tpu.memory_space<vmem>> -> memref<128xi32, #tpu.memory_space<vmem>>
          %dma_start3A_85 = arith.constant 0 : i32
          %dma_start3A_86 = arith.constant 0 : i32
          %dma_start3A_87 = tpu.memref_slice %arg11[%dma_start3A_85, %dma_start3A_86] : memref<10112x128xf32, #tpu.memory_space<vmem_shared>> -> memref<10112x128xf32, #tpu.memory_space<vmem_shared>>
          tpu.enqueue_indirect_dma source(%arg9 : memref<128x128xf32, #tpu.memory_space<vmem>>) target(%dma_start3A_87 : memref<10112x128xf32, #tpu.memory_space<vmem_shared>>) offsets(%dma_start3A_84 : memref<128xi32, #tpu.memory_space<vmem>>) semaphore(%run_scoped3A_81 : memref<!tpu.dma_semaphore, #tpu.memory_space<semaphore_mem>>) {add = true}
          %dma_wait3A_88 = arith.constant 0 : i32
          %dma_wait3A_89 = tpu.memref_slice %arg8[%mul3A_48, %dma_wait3A_88] : memref<16x128xi32, #tpu.memory_space<vmem>> -> memref<1x128xi32, #tpu.memory_space<vmem>>
          %dma_wait3A_90 = tpu.memref_squeeze %dma_wait3A_89 : memref<1x128xi32, #tpu.memory_space<vmem>> -> memref<128xi32, #tpu.memory_space<vmem>>
          %dma_wait3A_91 = arith.constant 0 : i32
          %dma_wait3A_92 = arith.constant 0 : i32
          %dma_wait3A_93 = tpu.memref_slice %arg11[%dma_wait3A_91, %dma_wait3A_92] : memref<10112x128xf32, #tpu.memory_space<vmem_shared>> -> memref<10112x128xf32, #tpu.memory_space<vmem_shared>>
          tpu.wait_indirect_dma semaphore(%run_scoped3A_81 : memref<!tpu.dma_semaphore, #tpu.memory_space<semaphore_mem>>) src(%arg9 : memref<128x128xf32, #tpu.memory_space<vmem>>) dst(%dma_wait3A_93 : memref<10112x128xf32, #tpu.memory_space<vmem_shared>>)
          tpu.yield
        }) : () -> ()
        %add3A_63 = arith.constant 2 : i32
        %add3A_64 = arith.addi %mul3A_48, %add3A_63 : i32
        %dma_start3A_65 = arith.constant 0 : i32
        %dma_start3A_66 = tpu.memref_slice %arg7[%add3A_64, %dma_start3A_65] : memref<16x128xi32, #tpu.memory_space<vmem>> -> memref<1x128xi32, #tpu.memory_space<vmem>>
        %dma_start3A_67 = tpu.memref_squeeze %dma_start3A_66 : memref<1x128xi32, #tpu.memory_space<vmem>> -> memref<128xi32, #tpu.memory_space<vmem>>
        %dma_start3A_68 = arith.constant 0 : i32
        %dma_start3A_69 = arith.constant 0 : i32
        %dma_start3A_70 = tpu.memref_slice %arg2[%dma_start3A_68, %dma_start3A_69] : memref<10000x128xf32, #tpu.memory_space<hbm>> -> memref<10000x128xf32, #tpu.memory_space<hbm>>
        tpu.enqueue_indirect_dma source(%dma_start3A_70 : memref<10000x128xf32, #tpu.memory_space<hbm>>) target(%arg9 : memref<128x128xf32, #tpu.memory_space<vmem>>) offsets(%dma_start3A_67 : memref<128xi32, #tpu.memory_space<vmem>>) semaphore(%arg12 : memref<!tpu.dma_semaphore, #tpu.memory_space<semaphore_mem>>)
        %add3A_71 = arith.constant 1 : i32
        %add3A_72 = arith.addi %mul3A_48, %add3A_71 : i32
        %dma_wait3A_73 = arith.constant 0 : i32
        %dma_wait3A_74 = tpu.memref_slice %arg7[%add3A_72, %dma_wait3A_73] : memref<16x128xi32, #tpu.memory_space<vmem>> -> memref<1x128xi32, #tpu.memory_space<vmem>>
        %dma_wait3A_75 = tpu.memref_squeeze %dma_wait3A_74 : memref<1x128xi32, #tpu.memory_space<vmem>> -> memref<128xi32, #tpu.memory_space<vmem>>
        %dma_wait3A_76 = arith.constant 0 : i32
        %dma_wait3A_77 = arith.constant 0 : i32
        %dma_wait3A_78 = tpu.memref_slice %arg2[%dma_wait3A_76, %dma_wait3A_77] : memref<10000x128xf32, #tpu.memory_space<hbm>> -> memref<10000x128xf32, #tpu.memory_space<hbm>>
        tpu.wait_indirect_dma semaphore(%arg13 : memref<!tpu.dma_semaphore, #tpu.memory_space<semaphore_mem>>) src(%dma_wait3A_78 : memref<10000x128xf32, #tpu.memory_space<hbm>>) dst(%arg10 : memref<128x128xf32, #tpu.memory_space<vmem>>)
        %add3A_79 = arith.constant 1 : i32
        %add3A_80 = arith.addi %mul3A_48, %add3A_79 : i32
        "tpu.region"() ({
          %run_scoped3A_81 = tpu.sem_alloc : memref<!tpu.dma_semaphore, #tpu.memory_space<semaphore_mem>>
          %dma_start3A_82 = arith.constant 0 : i32
          %dma_start3A_83 = tpu.memref_slice %arg8[%add3A_80, %dma_start3A_82] : memref<16x128xi32, #tpu.memory_space<vmem>> -> memref<1x128xi32, #tpu.memory_space<vmem>>
          %dma_start3A_84 = tpu.memref_squeeze %dma_start3A_83 : memref<1x128xi32, #tpu.memory_space<vmem>> -> memref<128xi32, #tpu.memory_space<vmem>>
          %dma_start3A_85 = arith.constant 0 : i32
          %dma_start3A_86 = arith.constant 0 : i32
          %dma_start3A_87 = tpu.memref_slice %arg11[%dma_start3A_85, %dma_start3A_86] : memref<10112x128xf32, #tpu.memory_space<vmem_shared>> -> memref<10112x128xf32, #tpu.memory_space<vmem_shared>>
          tpu.enqueue_indirect_dma source(%arg10 : memref<128x128xf32, #tpu.memory_space<vmem>>) target(%dma_start3A_87 : memref<10112x128xf32, #tpu.memory_space<vmem_shared>>) offsets(%dma_start3A_84 : memref<128xi32, #tpu.memory_space<vmem>>) semaphore(%run_scoped3A_81 : memref<!tpu.dma_semaphore, #tpu.memory_space<semaphore_mem>>) {add = true}
          %dma_wait3A_88 = arith.constant 0 : i32
          %dma_wait3A_89 = tpu.memref_slice %arg8[%add3A_80, %dma_wait3A_88] : memref<16x128xi32, #tpu.memory_space<vmem>> -> memref<1x128xi32, #tpu.memory_space<vmem>>
          %dma_wait3A_90 = tpu.memref_squeeze %dma_wait3A_89 : memref<1x128xi32, #tpu.memory_space<vmem>> -> memref<128xi32, #tpu.memory_space<vmem>>
          %dma_wait3A_91 = arith.constant 0 : i32
          %dma_wait3A_92 = arith.constant 0 : i32
          %dma_wait3A_93 = tpu.memref_slice %arg11[%dma_wait3A_91, %dma_wait3A_92] : memref<10112x128xf32, #tpu.memory_space<vmem_shared>> -> memref<10112x128xf32, #tpu.memory_space<vmem_shared>>
          tpu.wait_indirect_dma semaphore(%run_scoped3A_81 : memref<!tpu.dma_semaphore, #tpu.memory_space<semaphore_mem>>) src(%arg10 : memref<128x128xf32, #tpu.memory_space<vmem>>) dst(%dma_wait3A_93 : memref<10112x128xf32, #tpu.memory_space<vmem_shared>>)
          tpu.yield
        }) : () -> ()
      }
      %scan3A_24 = arith.constant 7 : i32
      %dma_start3A_25 = arith.constant 15 : i32
      %dma_start3A_26 = arith.constant 0 : i32
      %dma_start3A_27 = tpu.memref_slice %arg7[%dma_start3A_25, %dma_start3A_26] : memref<16x128xi32, #tpu.memory_space<vmem>> -> memref<1x128xi32, #tpu.memory_space<vmem>>
      %dma_start3A_28 = tpu.memref_squeeze %dma_start3A_27 : memref<1x128xi32, #tpu.memory_space<vmem>> -> memref<128xi32, #tpu.memory_space<vmem>>
      %dma_start3A_29 = arith.constant 0 : i32
      %dma_start3A_30 = arith.constant 0 : i32
      %dma_start3A_31 = tpu.memref_slice %arg2[%dma_start3A_29, %dma_start3A_30] : memref<10000x128xf32, #tpu.memory_space<hbm>> -> memref<10000x128xf32, #tpu.memory_space<hbm>>
      tpu.enqueue_indirect_dma source(%dma_start3A_31 : memref<10000x128xf32, #tpu.memory_space<hbm>>) target(%arg10 : memref<128x128xf32, #tpu.memory_space<vmem>>) offsets(%dma_start3A_28 : memref<128xi32, #tpu.memory_space<vmem>>) semaphore(%arg13 : memref<!tpu.dma_semaphore, #tpu.memory_space<semaphore_mem>>)
      %dma_wait3A = arith.constant 14 : i32
      %dma_wait3A_32 = arith.constant 0 : i32
      %dma_wait3A_33 = tpu.memref_slice %arg7[%dma_wait3A, %dma_wait3A_32] : memref<16x128xi32, #tpu.memory_space<vmem>> -> memref<1x128xi32, #tpu.memory_space<vmem>>
      %dma_wait3A_34 = tpu.memref_squeeze %dma_wait3A_33 : memref<1x128xi32, #tpu.memory_space<vmem>> -> memref<128xi32, #tpu.memory_space<vmem>>
      %dma_wait3A_35 = arith.constant 0 : i32
      %dma_wait3A_36 = arith.constant 0 : i32
      %dma_wait3A_37 = tpu.memref_slice %arg2[%dma_wait3A_35, %dma_wait3A_36] : memref<10000x128xf32, #tpu.memory_space<hbm>> -> memref<10000x128xf32, #tpu.memory_space<hbm>>
      tpu.wait_indirect_dma semaphore(%arg12 : memref<!tpu.dma_semaphore, #tpu.memory_space<semaphore_mem>>) src(%dma_wait3A_37 : memref<10000x128xf32, #tpu.memory_space<hbm>>) dst(%arg9 : memref<128x128xf32, #tpu.memory_space<vmem>>)
      %run_scoped3A = arith.constant 14 : i32
      "tpu.region"() ({
        %run_scoped3A_46 = tpu.sem_alloc : memref<!tpu.dma_semaphore, #tpu.memory_space<semaphore_mem>>
        %dma_start3A_47 = arith.constant 0 : i32
        %dma_start3A_48 = tpu.memref_slice %arg8[%run_scoped3A, %dma_start3A_47] : memref<16x128xi32, #tpu.memory_space<vmem>> -> memref<1x128xi32, #tpu.memory_space<vmem>>
        %dma_start3A_49 = tpu.memref_squeeze %dma_start3A_48 : memref<1x128xi32, #tpu.memory_space<vmem>> -> memref<128xi32, #tpu.memory_space<vmem>>
        %dma_start3A_50 = arith.constant 0 : i32
        %dma_start3A_51 = arith.constant 0 : i32
        %dma_start3A_52 = tpu.memref_slice %arg11[%dma_start3A_50, %dma_start3A_51] : memref<10112x128xf32, #tpu.memory_space<vmem_shared>> -> memref<10112x128xf32, #tpu.memory_space<vmem_shared>>
        tpu.enqueue_indirect_dma source(%arg9 : memref<128x128xf32, #tpu.memory_space<vmem>>) target(%dma_start3A_52 : memref<10112x128xf32, #tpu.memory_space<vmem_shared>>) offsets(%dma_start3A_49 : memref<128xi32, #tpu.memory_space<vmem>>) semaphore(%run_scoped3A_46 : memref<!tpu.dma_semaphore, #tpu.memory_space<semaphore_mem>>) {add = true}
        %dma_wait3A_53 = arith.constant 0 : i32
        %dma_wait3A_54 = tpu.memref_slice %arg8[%run_scoped3A, %dma_wait3A_53] : memref<16x128xi32, #tpu.memory_space<vmem>> -> memref<1x128xi32, #tpu.memory_space<vmem>>
        %dma_wait3A_55 = tpu.memref_squeeze %dma_wait3A_54 : memref<1x128xi32, #tpu.memory_space<vmem>> -> memref<128xi32, #tpu.memory_space<vmem>>
        %dma_wait3A_56 = arith.constant 0 : i32
        %dma_wait3A_57 = arith.constant 0 : i32
        %dma_wait3A_58 = tpu.memref_slice %arg11[%dma_wait3A_56, %dma_wait3A_57] : memref<10112x128xf32, #tpu.memory_space<vmem_shared>> -> memref<10112x128xf32, #tpu.memory_space<vmem_shared>>
        tpu.wait_indirect_dma semaphore(%run_scoped3A_46 : memref<!tpu.dma_semaphore, #tpu.memory_space<semaphore_mem>>) src(%arg9 : memref<128x128xf32, #tpu.memory_space<vmem>>) dst(%dma_wait3A_58 : memref<10112x128xf32, #tpu.memory_space<vmem_shared>>)
        tpu.yield
      }) : () -> ()
      %dma_wait3A_38 = arith.constant 15 : i32
      %dma_wait3A_39 = arith.constant 0 : i32
      %dma_wait3A_40 = tpu.memref_slice %arg7[%dma_wait3A_38, %dma_wait3A_39] : memref<16x128xi32, #tpu.memory_space<vmem>> -> memref<1x128xi32, #tpu.memory_space<vmem>>
      %dma_wait3A_41 = tpu.memref_squeeze %dma_wait3A_40 : memref<1x128xi32, #tpu.memory_space<vmem>> -> memref<128xi32, #tpu.memory_space<vmem>>
      %dma_wait3A_42 = arith.constant 0 : i32
      %dma_wait3A_43 = arith.constant 0 : i32
      %dma_wait3A_44 = tpu.memref_slice %arg2[%dma_wait3A_42, %dma_wait3A_43] : memref<10000x128xf32, #tpu.memory_space<hbm>> -> memref<10000x128xf32, #tpu.memory_space<hbm>>
      tpu.wait_indirect_dma semaphore(%arg13 : memref<!tpu.dma_semaphore, #tpu.memory_space<semaphore_mem>>) src(%dma_wait3A_44 : memref<10000x128xf32, #tpu.memory_space<hbm>>) dst(%arg10 : memref<128x128xf32, #tpu.memory_space<vmem>>)
      %run_scoped3A_45 = arith.constant 15 : i32
      "tpu.region"() ({
        %run_scoped3A_46 = tpu.sem_alloc : memref<!tpu.dma_semaphore, #tpu.memory_space<semaphore_mem>>
        %dma_start3A_47 = arith.constant 0 : i32
        %dma_start3A_48 = tpu.memref_slice %arg8[%run_scoped3A_45, %dma_start3A_47] : memref<16x128xi32, #tpu.memory_space<vmem>> -> memref<1x128xi32, #tpu.memory_space<vmem>>
        %dma_start3A_49 = tpu.memref_squeeze %dma_start3A_48 : memref<1x128xi32, #tpu.memory_space<vmem>> -> memref<128xi32, #tpu.memory_space<vmem>>
        %dma_start3A_50 = arith.constant 0 : i32
        %dma_start3A_51 = arith.constant 0 : i32
        %dma_start3A_52 = tpu.memref_slice %arg11[%dma_start3A_50, %dma_start3A_51] : memref<10112x128xf32, #tpu.memory_space<vmem_shared>> -> memref<10112x128xf32, #tpu.memory_space<vmem_shared>>
        tpu.enqueue_indirect_dma source(%arg10 : memref<128x128xf32, #tpu.memory_space<vmem>>) target(%dma_start3A_52 : memref<10112x128xf32, #tpu.memory_space<vmem_shared>>) offsets(%dma_start3A_49 : memref<128xi32, #tpu.memory_space<vmem>>) semaphore(%run_scoped3A_46 : memref<!tpu.dma_semaphore, #tpu.memory_space<semaphore_mem>>) {add = true}
        %dma_wait3A_53 = arith.constant 0 : i32
        %dma_wait3A_54 = tpu.memref_slice %arg8[%run_scoped3A_45, %dma_wait3A_53] : memref<16x128xi32, #tpu.memory_space<vmem>> -> memref<1x128xi32, #tpu.memory_space<vmem>>
        %dma_wait3A_55 = tpu.memref_squeeze %dma_wait3A_54 : memref<1x128xi32, #tpu.memory_space<vmem>> -> memref<128xi32, #tpu.memory_space<vmem>>
        %dma_wait3A_56 = arith.constant 0 : i32
        %dma_wait3A_57 = arith.constant 0 : i32
        %dma_wait3A_58 = tpu.memref_slice %arg11[%dma_wait3A_56, %dma_wait3A_57] : memref<10112x128xf32, #tpu.memory_space<vmem_shared>> -> memref<10112x128xf32, #tpu.memory_space<vmem_shared>>
        tpu.wait_indirect_dma semaphore(%run_scoped3A_46 : memref<!tpu.dma_semaphore, #tpu.memory_space<semaphore_mem>>) src(%arg10 : memref<128x128xf32, #tpu.memory_space<vmem>>) dst(%dma_wait3A_58 : memref<10112x128xf32, #tpu.memory_space<vmem_shared>>)
        tpu.yield
      }) : () -> ()
    }
    %scan3A_9 = arith.constant 5 : i32
    %barrier3A_10 = arith.constant 0 : index
    tpu.barrier barrier_id(%barrier3A_10)
    "tpu.region"() ({
      %run_scoped3A = tpu.sem_alloc : memref<!tpu.dma_semaphore, #tpu.memory_space<semaphore_mem>>
      %dma_start3A = arith.constant 0 : i32
      %dma_start3A_11 = tpu.memref_slice %arg6[%arg0, %mul3A_0, %dma_start3A] : memref<2x10112x128xf32, #tpu.memory_space<hbm>> -> memref<1x632x128xf32, #tpu.memory_space<hbm>>
      %dma_start3A_12 = tpu.memref_squeeze %dma_start3A_11 : memref<1x632x128xf32, #tpu.memory_space<hbm>> -> memref<632x128xf32, #tpu.memory_space<hbm>>
      %dma_start3A_13 = arith.constant 0 : i32
      %dma_start3A_14 = tpu.memref_slice %arg11[%mul3A_0, %dma_start3A_13] : memref<10112x128xf32, #tpu.memory_space<vmem_shared>> -> memref<632x128xf32, #tpu.memory_space<vmem_shared>>
      tpu.enqueue_dma source(%dma_start3A_14 : memref<632x128xf32, #tpu.memory_space<vmem_shared>>) target(%dma_start3A_12 : memref<632x128xf32, #tpu.memory_space<hbm>>) target_semaphore(%run_scoped3A : memref<!tpu.dma_semaphore, #tpu.memory_space<semaphore_mem>>)
      %dma_wait3A = arith.constant 0 : i32
      %dma_wait3A_15 = tpu.memref_slice %arg6[%arg0, %mul3A_0, %dma_wait3A] : memref<2x10112x128xf32, #tpu.memory_space<hbm>> -> memref<1x632x128xf32, #tpu.memory_space<hbm>>
      %dma_wait3A_16 = tpu.memref_squeeze %dma_wait3A_15 : memref<1x632x128xf32, #tpu.memory_space<hbm>> -> memref<632x128xf32, #tpu.memory_space<hbm>>
      %dma_wait3A_17 = arith.constant 0 : i32
      %dma_wait3A_18 = tpu.memref_slice %arg11[%mul3A_0, %dma_wait3A_17] : memref<10112x128xf32, #tpu.memory_space<vmem_shared>> -> memref<632x128xf32, #tpu.memory_space<vmem_shared>>
      tpu.wait_dma2 semaphore(%run_scoped3A : memref<!tpu.dma_semaphore, #tpu.memory_space<semaphore_mem>>) src(%dma_wait3A_18 : memref<632x128xf32, #tpu.memory_space<vmem_shared>>) dst(%dma_wait3A_16 : memref<632x128xf32, #tpu.memory_space<hbm>>)
      tpu.yield
    }) : () -> ()
    return
  }
}

#map = affine_map<(d0, d1) -> (0, 0)>
#map1 = affine_map<(d0, d1) -> (0, 0, 0)>
module attributes {stable_mosaic.version = 14 : i64} {
  func.func @_sc_aggregate(%arg0: i32, %arg1: i32, %arg2: memref<10000x128xf32, #tpu.memory_space<hbm>>, %arg3: memref<160x16x128xi32, #tpu.memory_space<hbm>>, %arg4: memref<160x16x128xi32, #tpu.memory_space<hbm>>, %arg5: memref<10112x128xf32, #tpu.memory_space<hbm>>, %arg6: memref<2x10112x128xf32, #tpu.memory_space<hbm>>, %arg7: memref<16x128xi32, #tpu.memory_space<vmem>>, %arg8: memref<16x128xi32, #tpu.memory_space<vmem>>, %arg9: memref<128x128xf32, #tpu.memory_space<vmem>>, %arg10: memref<128x128xf32, #tpu.memory_space<vmem>>, %arg11: memref<10112x128xf32, #tpu.memory_space<vmem_shared>>, %arg12: memref<!tpu.dma_semaphore, #tpu.memory_space<semaphore_mem>>, %arg13: memref<!tpu.dma_semaphore, #tpu.memory_space<semaphore_mem>>) attributes {dimension_semantics = [#tpu.dimension_semantics<core_parallel>, #tpu.dimension_semantics<subcore_parallel>], iteration_bounds = array<i64: 2, 16>, scalar_prefetch = 0 : i64, scratch_operands = 7 : i64, tpu.core_type = #tpu.core_type<sc_vector_subcore>, window_params = [{transform_indices = #map}, {transform_indices = #map1}, {transform_indices = #map1}, {transform_indices = #map}, {transform_indices = #map1}]} {
    %mul3A = arith.constant 632 : i32
    %mul3A_0 = arith.muli %arg1, %mul3A : i32
    "tpu.region"() ({
      %run_scoped3A = tpu.sem_alloc : memref<!tpu.dma_semaphore, #tpu.memory_space<semaphore_mem>>
      %dma_start3A = arith.constant 0 : i32
      %dma_start3A_11 = tpu.memref_slice %arg11[%mul3A_0, %dma_start3A] : memref<10112x128xf32, #tpu.memory_space<vmem_shared>> -> memref<632x128xf32, #tpu.memory_space<vmem_shared>>
      %dma_start3A_12 = arith.constant 0 : i32
      %dma_start3A_13 = tpu.memref_slice %arg5[%mul3A_0, %dma_start3A_12] : memref<10112x128xf32, #tpu.memory_space<hbm>> -> memref<632x128xf32, #tpu.memory_space<hbm>>
      tpu.enqueue_dma source(%dma_start3A_13 : memref<632x128xf32, #tpu.memory_space<hbm>>) target(%dma_start3A_11 : memref<632x128xf32, #tpu.memory_space<vmem_shared>>) target_semaphore(%run_scoped3A : memref<!tpu.dma_semaphore, #tpu.memory_space<semaphore_mem>>)
      %dma_wait3A = arith.constant 0 : i32
      %dma_wait3A_14 = tpu.memref_slice %arg11[%mul3A_0, %dma_wait3A] : memref<10112x128xf32, #tpu.memory_space<vmem_shared>> -> memref<632x128xf32, #tpu.memory_space<vmem_shared>>
      %dma_wait3A_15 = arith.constant 0 : i32
      %dma_wait3A_16 = tpu.memref_slice %arg5[%mul3A_0, %dma_wait3A_15] : memref<10112x128xf32, #tpu.memory_space<hbm>> -> memref<632x128xf32, #tpu.memory_space<hbm>>
      tpu.wait_dma2 semaphore(%run_scoped3A : memref<!tpu.dma_semaphore, #tpu.memory_space<semaphore_mem>>) src(%dma_wait3A_16 : memref<632x128xf32, #tpu.memory_space<hbm>>) dst(%dma_wait3A_14 : memref<632x128xf32, #tpu.memory_space<vmem_shared>>)
      tpu.yield
    }) : () -> ()
    %barrier3A = arith.constant 0 : index
    tpu.barrier barrier_id(%barrier3A)
    %mul3A_1 = arith.constant 2 : i32
    %mul3A_2 = arith.muli %arg1, %mul3A_1 : i32
    %add3A = arith.addi %mul3A_2, %arg0 : i32
    %mul3A_3 = arith.constant 5 : i32
    %mul3A_4 = arith.muli %add3A, %mul3A_3 : i32
    %scan3A = arith.constant 0 : i32
    %scan3A_5 = arith.constant 0 : i32
    %scan3A_6 = arith.constant 5 : i32
    %scan3A_7 = arith.addi %scan3A_5, %scan3A_6 : i32
    %scan3A_8 = arith.constant 1 : i32
    scf.for %scan3A_11 = %scan3A_5 to %scan3A_7 step %scan3A_8  : i32 {
      %add3A_12 = arith.addi %mul3A_4, %scan3A_11 : i32
      "tpu.region"() ({
        %run_scoped3A_46 = tpu.sem_alloc : memref<!tpu.dma_semaphore, #tpu.memory_space<semaphore_mem>>
        %dma_start3A_47 = arith.constant 0 : i32
        %dma_start3A_48 = arith.constant 0 : i32
        %dma_start3A_49 = tpu.memref_slice %arg3[%add3A_12, %dma_start3A_47, %dma_start3A_48] : memref<160x16x128xi32, #tpu.memory_space<hbm>> -> memref<1x16x128xi32, #tpu.memory_space<hbm>>
        %dma_start3A_50 = tpu.memref_squeeze %dma_start3A_49 : memref<1x16x128xi32, #tpu.memory_space<hbm>> -> memref<16x128xi32, #tpu.memory_space<hbm>>
        %dma_start3A_51 = arith.constant 0 : i32
        %dma_start3A_52 = arith.constant 0 : i32
        %dma_start3A_53 = tpu.memref_slice %arg3[%add3A_12, %dma_start3A_51, %dma_start3A_52] : memref<160x16x128xi32, #tpu.memory_space<hbm>> -> memref<1x16x128xi32, #tpu.memory_space<hbm>>
        %dma_start3A_54 = tpu.memref_squeeze %dma_start3A_53 : memref<1x16x128xi32, #tpu.memory_space<hbm>> -> memref<16x128xi32, #tpu.memory_space<hbm>>
        tpu.enqueue_dma source(%dma_start3A_54 : memref<16x128xi32, #tpu.memory_space<hbm>>) target(%arg7 : memref<16x128xi32, #tpu.memory_space<vmem>>) target_semaphore(%run_scoped3A_46 : memref<!tpu.dma_semaphore, #tpu.memory_space<semaphore_mem>>)
        %dma_wait3A_55 = arith.constant 0 : i32
        %dma_wait3A_56 = arith.constant 0 : i32
        %dma_wait3A_57 = tpu.memref_slice %arg3[%add3A_12, %dma_wait3A_55, %dma_wait3A_56] : memref<160x16x128xi32, #tpu.memory_space<hbm>> -> memref<1x16x128xi32, #tpu.memory_space<hbm>>
        %dma_wait3A_58 = tpu.memref_squeeze %dma_wait3A_57 : memref<1x16x128xi32, #tpu.memory_space<hbm>> -> memref<16x128xi32, #tpu.memory_space<hbm>>
        %dma_wait3A_59 = arith.constant 0 : i32
        %dma_wait3A_60 = arith.constant 0 : i32
        %dma_wait3A_61 = tpu.memref_slice %arg3[%add3A_12, %dma_wait3A_59, %dma_wait3A_60] : memref<160x16x128xi32, #tpu.memory_space<hbm>> -> memref<1x16x128xi32, #tpu.memory_space<hbm>>
        %dma_wait3A_62 = tpu.memref_squeeze %dma_wait3A_61 : memref<1x16x128xi32, #tpu.memory_space<hbm>> -> memref<16x128xi32, #tpu.memory_space<hbm>>
        tpu.wait_dma2 semaphore(%run_scoped3A_46 : memref<!tpu.dma_semaphore, #tpu.memory_space<semaphore_mem>>) src(%dma_wait3A_62 : memref<16x128xi32, #tpu.memory_space<hbm>>) dst(%arg7 : memref<16x128xi32, #tpu.memory_space<vmem>>)
        tpu.yield
      }) : () -> ()
      "tpu.region"() ({
        %run_scoped3A_46 = tpu.sem_alloc : memref<!tpu.dma_semaphore, #tpu.memory_space<semaphore_mem>>
        %dma_start3A_47 = arith.constant 0 : i32
        %dma_start3A_48 = arith.constant 0 : i32
        %dma_start3A_49 = tpu.memref_slice %arg4[%add3A_12, %dma_start3A_47, %dma_start3A_48] : memref<160x16x128xi32, #tpu.memory_space<hbm>> -> memref<1x16x128xi32, #tpu.memory_space<hbm>>
        %dma_start3A_50 = tpu.memref_squeeze %dma_start3A_49 : memref<1x16x128xi32, #tpu.memory_space<hbm>> -> memref<16x128xi32, #tpu.memory_space<hbm>>
        %dma_start3A_51 = arith.constant 0 : i32
        %dma_start3A_52 = arith.constant 0 : i32
        %dma_start3A_53 = tpu.memref_slice %arg4[%add3A_12, %dma_start3A_51, %dma_start3A_52] : memref<160x16x128xi32, #tpu.memory_space<hbm>> -> memref<1x16x128xi32, #tpu.memory_space<hbm>>
        %dma_start3A_54 = tpu.memref_squeeze %dma_start3A_53 : memref<1x16x128xi32, #tpu.memory_space<hbm>> -> memref<16x128xi32, #tpu.memory_space<hbm>>
        tpu.enqueue_dma source(%dma_start3A_54 : memref<16x128xi32, #tpu.memory_space<hbm>>) target(%arg8 : memref<16x128xi32, #tpu.memory_space<vmem>>) target_semaphore(%run_scoped3A_46 : memref<!tpu.dma_semaphore, #tpu.memory_space<semaphore_mem>>)
        %dma_wait3A_55 = arith.constant 0 : i32
        %dma_wait3A_56 = arith.constant 0 : i32
        %dma_wait3A_57 = tpu.memref_slice %arg4[%add3A_12, %dma_wait3A_55, %dma_wait3A_56] : memref<160x16x128xi32, #tpu.memory_space<hbm>> -> memref<1x16x128xi32, #tpu.memory_space<hbm>>
        %dma_wait3A_58 = tpu.memref_squeeze %dma_wait3A_57 : memref<1x16x128xi32, #tpu.memory_space<hbm>> -> memref<16x128xi32, #tpu.memory_space<hbm>>
        %dma_wait3A_59 = arith.constant 0 : i32
        %dma_wait3A_60 = arith.constant 0 : i32
        %dma_wait3A_61 = tpu.memref_slice %arg4[%add3A_12, %dma_wait3A_59, %dma_wait3A_60] : memref<160x16x128xi32, #tpu.memory_space<hbm>> -> memref<1x16x128xi32, #tpu.memory_space<hbm>>
        %dma_wait3A_62 = tpu.memref_squeeze %dma_wait3A_61 : memref<1x16x128xi32, #tpu.memory_space<hbm>> -> memref<16x128xi32, #tpu.memory_space<hbm>>
        tpu.wait_dma2 semaphore(%run_scoped3A_46 : memref<!tpu.dma_semaphore, #tpu.memory_space<semaphore_mem>>) src(%dma_wait3A_62 : memref<16x128xi32, #tpu.memory_space<hbm>>) dst(%arg8 : memref<16x128xi32, #tpu.memory_space<vmem>>)
        tpu.yield
      }) : () -> ()
      %dma_start3A = arith.constant 0 : i32
      %dma_start3A_13 = arith.constant 0 : i32
      %dma_start3A_14 = tpu.memref_slice %arg7[%dma_start3A, %dma_start3A_13] : memref<16x128xi32, #tpu.memory_space<vmem>> -> memref<1x128xi32, #tpu.memory_space<vmem>>
      %dma_start3A_15 = tpu.memref_squeeze %dma_start3A_14 : memref<1x128xi32, #tpu.memory_space<vmem>> -> memref<128xi32, #tpu.memory_space<vmem>>
      %dma_start3A_16 = arith.constant 0 : i32
      %dma_start3A_17 = arith.constant 0 : i32
      %dma_start3A_18 = tpu.memref_slice %arg2[%dma_start3A_16, %dma_start3A_17] : memref<10000x128xf32, #tpu.memory_space<hbm>> -> memref<10000x128xf32, #tpu.memory_space<hbm>>
      tpu.enqueue_indirect_dma source(%dma_start3A_18 : memref<10000x128xf32, #tpu.memory_space<hbm>>) target(%arg9 : memref<128x128xf32, #tpu.memory_space<vmem>>) offsets(%dma_start3A_15 : memref<128xi32, #tpu.memory_space<vmem>>) semaphore(%arg12 : memref<!tpu.dma_semaphore, #tpu.memory_space<semaphore_mem>>)
      %scan3A_19 = arith.constant 0 : i32
      %scan3A_20 = arith.constant 0 : i32
      %scan3A_21 = arith.constant 7 : i32
      %scan3A_22 = arith.addi %scan3A_20, %scan3A_21 : i32
      %scan3A_23 = arith.constant 1 : i32
      scf.for %scan3A_46 = %scan3A_20 to %scan3A_22 step %scan3A_23  : i32 {
        %mul3A_47 = arith.constant 2 : i32
        %mul3A_48 = arith.muli %mul3A_47, %scan3A_46 : i32
        %add3A_49 = arith.constant 1 : i32
        %add3A_50 = arith.addi %mul3A_48, %add3A_49 : i32
        %dma_start3A_51 = arith.constant 0 : i32
        %dma_start3A_52 = tpu.memref_slice %arg7[%add3A_50, %dma_start3A_51] : memref<16x128xi32, #tpu.memory_space<vmem>> -> memref<1x128xi32, #tpu.memory_space<vmem>>
        %dma_start3A_53 = tpu.memref_squeeze %dma_start3A_52 : memref<1x128xi32, #tpu.memory_space<vmem>> -> memref<128xi32, #tpu.memory_space<vmem>>
        %dma_start3A_54 = arith.constant 0 : i32
        %dma_start3A_55 = arith.constant 0 : i32
        %dma_start3A_56 = tpu.memref_slice %arg2[%dma_start3A_54, %dma_start3A_55] : memref<10000x128xf32, #tpu.memory_space<hbm>> -> memref<10000x128xf32, #tpu.memory_space<hbm>>
        tpu.enqueue_indirect_dma source(%dma_start3A_56 : memref<10000x128xf32, #tpu.memory_space<hbm>>) target(%arg10 : memref<128x128xf32, #tpu.memory_space<vmem>>) offsets(%dma_start3A_53 : memref<128xi32, #tpu.memory_space<vmem>>) semaphore(%arg13 : memref<!tpu.dma_semaphore, #tpu.memory_space<semaphore_mem>>)
        %dma_wait3A_57 = arith.constant 0 : i32
        %dma_wait3A_58 = tpu.memref_slice %arg7[%mul3A_48, %dma_wait3A_57] : memref<16x128xi32, #tpu.memory_space<vmem>> -> memref<1x128xi32, #tpu.memory_space<vmem>>
        %dma_wait3A_59 = tpu.memref_squeeze %dma_wait3A_58 : memref<1x128xi32, #tpu.memory_space<vmem>> -> memref<128xi32, #tpu.memory_space<vmem>>
        %dma_wait3A_60 = arith.constant 0 : i32
        %dma_wait3A_61 = arith.constant 0 : i32
        %dma_wait3A_62 = tpu.memref_slice %arg2[%dma_wait3A_60, %dma_wait3A_61] : memref<10000x128xf32, #tpu.memory_space<hbm>> -> memref<10000x128xf32, #tpu.memory_space<hbm>>
        tpu.wait_indirect_dma semaphore(%arg12 : memref<!tpu.dma_semaphore, #tpu.memory_space<semaphore_mem>>) src(%dma_wait3A_62 : memref<10000x128xf32, #tpu.memory_space<hbm>>) dst(%arg9 : memref<128x128xf32, #tpu.memory_space<vmem>>)
        "tpu.region"() ({
          %run_scoped3A_81 = tpu.sem_alloc : memref<!tpu.dma_semaphore, #tpu.memory_space<semaphore_mem>>
          %dma_start3A_82 = arith.constant 0 : i32
          %dma_start3A_83 = tpu.memref_slice %arg8[%mul3A_48, %dma_start3A_82] : memref<16x128xi32, #tpu.memory_space<vmem>> -> memref<1x128xi32, #tpu.memory_space<vmem>>
          %dma_start3A_84 = tpu.memref_squeeze %dma_start3A_83 : memref<1x128xi32, #tpu.memory_space<vmem>> -> memref<128xi32, #tpu.memory_space<vmem>>
          %dma_start3A_85 = arith.constant 0 : i32
          %dma_start3A_86 = arith.constant 0 : i32
          %dma_start3A_87 = tpu.memref_slice %arg11[%dma_start3A_85, %dma_start3A_86] : memref<10112x128xf32, #tpu.memory_space<vmem_shared>> -> memref<10112x128xf32, #tpu.memory_space<vmem_shared>>
          tpu.enqueue_indirect_dma source(%arg9 : memref<128x128xf32, #tpu.memory_space<vmem>>) target(%dma_start3A_87 : memref<10112x128xf32, #tpu.memory_space<vmem_shared>>) offsets(%dma_start3A_84 : memref<128xi32, #tpu.memory_space<vmem>>) semaphore(%run_scoped3A_81 : memref<!tpu.dma_semaphore, #tpu.memory_space<semaphore_mem>>) {add = true}
          %dma_wait3A_88 = arith.constant 0 : i32
          %dma_wait3A_89 = tpu.memref_slice %arg8[%mul3A_48, %dma_wait3A_88] : memref<16x128xi32, #tpu.memory_space<vmem>> -> memref<1x128xi32, #tpu.memory_space<vmem>>
          %dma_wait3A_90 = tpu.memref_squeeze %dma_wait3A_89 : memref<1x128xi32, #tpu.memory_space<vmem>> -> memref<128xi32, #tpu.memory_space<vmem>>
          %dma_wait3A_91 = arith.constant 0 : i32
          %dma_wait3A_92 = arith.constant 0 : i32
          %dma_wait3A_93 = tpu.memref_slice %arg11[%dma_wait3A_91, %dma_wait3A_92] : memref<10112x128xf32, #tpu.memory_space<vmem_shared>> -> memref<10112x128xf32, #tpu.memory_space<vmem_shared>>
          tpu.wait_indirect_dma semaphore(%run_scoped3A_81 : memref<!tpu.dma_semaphore, #tpu.memory_space<semaphore_mem>>) src(%arg9 : memref<128x128xf32, #tpu.memory_space<vmem>>) dst(%dma_wait3A_93 : memref<10112x128xf32, #tpu.memory_space<vmem_shared>>)
          tpu.yield
        }) : () -> ()
        %add3A_63 = arith.constant 2 : i32
        %add3A_64 = arith.addi %mul3A_48, %add3A_63 : i32
        %dma_start3A_65 = arith.constant 0 : i32
        %dma_start3A_66 = tpu.memref_slice %arg7[%add3A_64, %dma_start3A_65] : memref<16x128xi32, #tpu.memory_space<vmem>> -> memref<1x128xi32, #tpu.memory_space<vmem>>
        %dma_start3A_67 = tpu.memref_squeeze %dma_start3A_66 : memref<1x128xi32, #tpu.memory_space<vmem>> -> memref<128xi32, #tpu.memory_space<vmem>>
        %dma_start3A_68 = arith.constant 0 : i32
        %dma_start3A_69 = arith.constant 0 : i32
        %dma_start3A_70 = tpu.memref_slice %arg2[%dma_start3A_68, %dma_start3A_69] : memref<10000x128xf32, #tpu.memory_space<hbm>> -> memref<10000x128xf32, #tpu.memory_space<hbm>>
        tpu.enqueue_indirect_dma source(%dma_start3A_70 : memref<10000x128xf32, #tpu.memory_space<hbm>>) target(%arg9 : memref<128x128xf32, #tpu.memory_space<vmem>>) offsets(%dma_start3A_67 : memref<128xi32, #tpu.memory_space<vmem>>) semaphore(%arg12 : memref<!tpu.dma_semaphore, #tpu.memory_space<semaphore_mem>>)
        %add3A_71 = arith.constant 1 : i32
        %add3A_72 = arith.addi %mul3A_48, %add3A_71 : i32
        %dma_wait3A_73 = arith.constant 0 : i32
        %dma_wait3A_74 = tpu.memref_slice %arg7[%add3A_72, %dma_wait3A_73] : memref<16x128xi32, #tpu.memory_space<vmem>> -> memref<1x128xi32, #tpu.memory_space<vmem>>
        %dma_wait3A_75 = tpu.memref_squeeze %dma_wait3A_74 : memref<1x128xi32, #tpu.memory_space<vmem>> -> memref<128xi32, #tpu.memory_space<vmem>>
        %dma_wait3A_76 = arith.constant 0 : i32
        %dma_wait3A_77 = arith.constant 0 : i32
        %dma_wait3A_78 = tpu.memref_slice %arg2[%dma_wait3A_76, %dma_wait3A_77] : memref<10000x128xf32, #tpu.memory_space<hbm>> -> memref<10000x128xf32, #tpu.memory_space<hbm>>
        tpu.wait_indirect_dma semaphore(%arg13 : memref<!tpu.dma_semaphore, #tpu.memory_space<semaphore_mem>>) src(%dma_wait3A_78 : memref<10000x128xf32, #tpu.memory_space<hbm>>) dst(%arg10 : memref<128x128xf32, #tpu.memory_space<vmem>>)
        %add3A_79 = arith.constant 1 : i32
        %add3A_80 = arith.addi %mul3A_48, %add3A_79 : i32
        "tpu.region"() ({
          %run_scoped3A_81 = tpu.sem_alloc : memref<!tpu.dma_semaphore, #tpu.memory_space<semaphore_mem>>
          %dma_start3A_82 = arith.constant 0 : i32
          %dma_start3A_83 = tpu.memref_slice %arg8[%add3A_80, %dma_start3A_82] : memref<16x128xi32, #tpu.memory_space<vmem>> -> memref<1x128xi32, #tpu.memory_space<vmem>>
          %dma_start3A_84 = tpu.memref_squeeze %dma_start3A_83 : memref<1x128xi32, #tpu.memory_space<vmem>> -> memref<128xi32, #tpu.memory_space<vmem>>
          %dma_start3A_85 = arith.constant 0 : i32
          %dma_start3A_86 = arith.constant 0 : i32
          %dma_start3A_87 = tpu.memref_slice %arg11[%dma_start3A_85, %dma_start3A_86] : memref<10112x128xf32, #tpu.memory_space<vmem_shared>> -> memref<10112x128xf32, #tpu.memory_space<vmem_shared>>
          tpu.enqueue_indirect_dma source(%arg10 : memref<128x128xf32, #tpu.memory_space<vmem>>) target(%dma_start3A_87 : memref<10112x128xf32, #tpu.memory_space<vmem_shared>>) offsets(%dma_start3A_84 : memref<128xi32, #tpu.memory_space<vmem>>) semaphore(%run_scoped3A_81 : memref<!tpu.dma_semaphore, #tpu.memory_space<semaphore_mem>>) {add = true}
          %dma_wait3A_88 = arith.constant 0 : i32
          %dma_wait3A_89 = tpu.memref_slice %arg8[%add3A_80, %dma_wait3A_88] : memref<16x128xi32, #tpu.memory_space<vmem>> -> memref<1x128xi32, #tpu.memory_space<vmem>>
          %dma_wait3A_90 = tpu.memref_squeeze %dma_wait3A_89 : memref<1x128xi32, #tpu.memory_space<vmem>> -> memref<128xi32, #tpu.memory_space<vmem>>
          %dma_wait3A_91 = arith.constant 0 : i32
          %dma_wait3A_92 = arith.constant 0 : i32
          %dma_wait3A_93 = tpu.memref_slice %arg11[%dma_wait3A_91, %dma_wait3A_92] : memref<10112x128xf32, #tpu.memory_space<vmem_shared>> -> memref<10112x128xf32, #tpu.memory_space<vmem_shared>>
          tpu.wait_indirect_dma semaphore(%run_scoped3A_81 : memref<!tpu.dma_semaphore, #tpu.memory_space<semaphore_mem>>) src(%arg10 : memref<128x128xf32, #tpu.memory_space<vmem>>) dst(%dma_wait3A_93 : memref<10112x128xf32, #tpu.memory_space<vmem_shared>>)
          tpu.yield
        }) : () -> ()
      }
      %scan3A_24 = arith.constant 7 : i32
      %dma_start3A_25 = arith.constant 15 : i32
      %dma_start3A_26 = arith.constant 0 : i32
      %dma_start3A_27 = tpu.memref_slice %arg7[%dma_start3A_25, %dma_start3A_26] : memref<16x128xi32, #tpu.memory_space<vmem>> -> memref<1x128xi32, #tpu.memory_space<vmem>>
      %dma_start3A_28 = tpu.memref_squeeze %dma_start3A_27 : memref<1x128xi32, #tpu.memory_space<vmem>> -> memref<128xi32, #tpu.memory_space<vmem>>
      %dma_start3A_29 = arith.constant 0 : i32
      %dma_start3A_30 = arith.constant 0 : i32
      %dma_start3A_31 = tpu.memref_slice %arg2[%dma_start3A_29, %dma_start3A_30] : memref<10000x128xf32, #tpu.memory_space<hbm>> -> memref<10000x128xf32, #tpu.memory_space<hbm>>
      tpu.enqueue_indirect_dma source(%dma_start3A_31 : memref<10000x128xf32, #tpu.memory_space<hbm>>) target(%arg10 : memref<128x128xf32, #tpu.memory_space<vmem>>) offsets(%dma_start3A_28 : memref<128xi32, #tpu.memory_space<vmem>>) semaphore(%arg13 : memref<!tpu.dma_semaphore, #tpu.memory_space<semaphore_mem>>)
      %dma_wait3A = arith.constant 14 : i32
      %dma_wait3A_32 = arith.constant 0 : i32
      %dma_wait3A_33 = tpu.memref_slice %arg7[%dma_wait3A, %dma_wait3A_32] : memref<16x128xi32, #tpu.memory_space<vmem>> -> memref<1x128xi32, #tpu.memory_space<vmem>>
      %dma_wait3A_34 = tpu.memref_squeeze %dma_wait3A_33 : memref<1x128xi32, #tpu.memory_space<vmem>> -> memref<128xi32, #tpu.memory_space<vmem>>
      %dma_wait3A_35 = arith.constant 0 : i32
      %dma_wait3A_36 = arith.constant 0 : i32
      %dma_wait3A_37 = tpu.memref_slice %arg2[%dma_wait3A_35, %dma_wait3A_36] : memref<10000x128xf32, #tpu.memory_space<hbm>> -> memref<10000x128xf32, #tpu.memory_space<hbm>>
      tpu.wait_indirect_dma semaphore(%arg12 : memref<!tpu.dma_semaphore, #tpu.memory_space<semaphore_mem>>) src(%dma_wait3A_37 : memref<10000x128xf32, #tpu.memory_space<hbm>>) dst(%arg9 : memref<128x128xf32, #tpu.memory_space<vmem>>)
      %run_scoped3A = arith.constant 14 : i32
      "tpu.region"() ({
        %run_scoped3A_46 = tpu.sem_alloc : memref<!tpu.dma_semaphore, #tpu.memory_space<semaphore_mem>>
        %dma_start3A_47 = arith.constant 0 : i32
        %dma_start3A_48 = tpu.memref_slice %arg8[%run_scoped3A, %dma_start3A_47] : memref<16x128xi32, #tpu.memory_space<vmem>> -> memref<1x128xi32, #tpu.memory_space<vmem>>
        %dma_start3A_49 = tpu.memref_squeeze %dma_start3A_48 : memref<1x128xi32, #tpu.memory_space<vmem>> -> memref<128xi32, #tpu.memory_space<vmem>>
        %dma_start3A_50 = arith.constant 0 : i32
        %dma_start3A_51 = arith.constant 0 : i32
        %dma_start3A_52 = tpu.memref_slice %arg11[%dma_start3A_50, %dma_start3A_51] : memref<10112x128xf32, #tpu.memory_space<vmem_shared>> -> memref<10112x128xf32, #tpu.memory_space<vmem_shared>>
        tpu.enqueue_indirect_dma source(%arg9 : memref<128x128xf32, #tpu.memory_space<vmem>>) target(%dma_start3A_52 : memref<10112x128xf32, #tpu.memory_space<vmem_shared>>) offsets(%dma_start3A_49 : memref<128xi32, #tpu.memory_space<vmem>>) semaphore(%run_scoped3A_46 : memref<!tpu.dma_semaphore, #tpu.memory_space<semaphore_mem>>) {add = true}
        %dma_wait3A_53 = arith.constant 0 : i32
        %dma_wait3A_54 = tpu.memref_slice %arg8[%run_scoped3A, %dma_wait3A_53] : memref<16x128xi32, #tpu.memory_space<vmem>> -> memref<1x128xi32, #tpu.memory_space<vmem>>
        %dma_wait3A_55 = tpu.memref_squeeze %dma_wait3A_54 : memref<1x128xi32, #tpu.memory_space<vmem>> -> memref<128xi32, #tpu.memory_space<vmem>>
        %dma_wait3A_56 = arith.constant 0 : i32
        %dma_wait3A_57 = arith.constant 0 : i32
        %dma_wait3A_58 = tpu.memref_slice %arg11[%dma_wait3A_56, %dma_wait3A_57] : memref<10112x128xf32, #tpu.memory_space<vmem_shared>> -> memref<10112x128xf32, #tpu.memory_space<vmem_shared>>
        tpu.wait_indirect_dma semaphore(%run_scoped3A_46 : memref<!tpu.dma_semaphore, #tpu.memory_space<semaphore_mem>>) src(%arg9 : memref<128x128xf32, #tpu.memory_space<vmem>>) dst(%dma_wait3A_58 : memref<10112x128xf32, #tpu.memory_space<vmem_shared>>)
        tpu.yield
      }) : () -> ()
      %dma_wait3A_38 = arith.constant 15 : i32
      %dma_wait3A_39 = arith.constant 0 : i32
      %dma_wait3A_40 = tpu.memref_slice %arg7[%dma_wait3A_38, %dma_wait3A_39] : memref<16x128xi32, #tpu.memory_space<vmem>> -> memref<1x128xi32, #tpu.memory_space<vmem>>
      %dma_wait3A_41 = tpu.memref_squeeze %dma_wait3A_40 : memref<1x128xi32, #tpu.memory_space<vmem>> -> memref<128xi32, #tpu.memory_space<vmem>>
      %dma_wait3A_42 = arith.constant 0 : i32
      %dma_wait3A_43 = arith.constant 0 : i32
      %dma_wait3A_44 = tpu.memref_slice %arg2[%dma_wait3A_42, %dma_wait3A_43] : memref<10000x128xf32, #tpu.memory_space<hbm>> -> memref<10000x128xf32, #tpu.memory_space<hbm>>
      tpu.wait_indirect_dma semaphore(%arg13 : memref<!tpu.dma_semaphore, #tpu.memory_space<semaphore_mem>>) src(%dma_wait3A_44 : memref<10000x128xf32, #tpu.memory_space<hbm>>) dst(%arg10 : memref<128x128xf32, #tpu.memory_space<vmem>>)
      %run_scoped3A_45 = arith.constant 15 : i32
      "tpu.region"() ({
        %run_scoped3A_46 = tpu.sem_alloc : memref<!tpu.dma_semaphore, #tpu.memory_space<semaphore_mem>>
        %dma_start3A_47 = arith.constant 0 : i32
        %dma_start3A_48 = tpu.memref_slice %arg8[%run_scoped3A_45, %dma_start3A_47] : memref<16x128xi32, #tpu.memory_space<vmem>> -> memref<1x128xi32, #tpu.memory_space<vmem>>
        %dma_start3A_49 = tpu.memref_squeeze %dma_start3A_48 : memref<1x128xi32, #tpu.memory_space<vmem>> -> memref<128xi32, #tpu.memory_space<vmem>>
        %dma_start3A_50 = arith.constant 0 : i32
        %dma_start3A_51 = arith.constant 0 : i32
        %dma_start3A_52 = tpu.memref_slice %arg11[%dma_start3A_50, %dma_start3A_51] : memref<10112x128xf32, #tpu.memory_space<vmem_shared>> -> memref<10112x128xf32, #tpu.memory_space<vmem_shared>>
        tpu.enqueue_indirect_dma source(%arg10 : memref<128x128xf32, #tpu.memory_space<vmem>>) target(%dma_start3A_52 : memref<10112x128xf32, #tpu.memory_space<vmem_shared>>) offsets(%dma_start3A_49 : memref<128xi32, #tpu.memory_space<vmem>>) semaphore(%run_scoped3A_46 : memref<!tpu.dma_semaphore, #tpu.memory_space<semaphore_mem>>) {add = true}
        %dma_wait3A_53 = arith.constant 0 : i32
        %dma_wait3A_54 = tpu.memref_slice %arg8[%run_scoped3A_45, %dma_wait3A_53] : memref<16x128xi32, #tpu.memory_space<vmem>> -> memref<1x128xi32, #tpu.memory_space<vmem>>
        %dma_wait3A_55 = tpu.memref_squeeze %dma_wait3A_54 : memref<1x128xi32, #tpu.memory_space<vmem>> -> memref<128xi32, #tpu.memory_space<vmem>>
        %dma_wait3A_56 = arith.constant 0 : i32
        %dma_wait3A_57 = arith.constant 0 : i32
        %dma_wait3A_58 = tpu.memref_slice %arg11[%dma_wait3A_56, %dma_wait3A_57] : memref<10112x128xf32, #tpu.memory_space<vmem_shared>> -> memref<10112x128xf32, #tpu.memory_space<vmem_shared>>
        tpu.wait_indirect_dma semaphore(%run_scoped3A_46 : memref<!tpu.dma_semaphore, #tpu.memory_space<semaphore_mem>>) src(%arg10 : memref<128x128xf32, #tpu.memory_space<vmem>>) dst(%dma_wait3A_58 : memref<10112x128xf32, #tpu.memory_space<vmem_shared>>)
        tpu.yield
      }) : () -> ()
    }
    %scan3A_9 = arith.constant 5 : i32
    %barrier3A_10 = arith.constant 0 : index
    tpu.barrier barrier_id(%barrier3A_10)
    "tpu.region"() ({
      %run_scoped3A = tpu.sem_alloc : memref<!tpu.dma_semaphore, #tpu.memory_space<semaphore_mem>>
      %dma_start3A = arith.constant 0 : i32
      %dma_start3A_11 = tpu.memref_slice %arg6[%arg0, %mul3A_0, %dma_start3A] : memref<2x10112x128xf32, #tpu.memory_space<hbm>> -> memref<1x632x128xf32, #tpu.memory_space<hbm>>
      %dma_start3A_12 = tpu.memref_squeeze %dma_start3A_11 : memref<1x632x128xf32, #tpu.memory_space<hbm>> -> memref<632x128xf32, #tpu.memory_space<hbm>>
      %dma_start3A_13 = arith.constant 0 : i32
      %dma_start3A_14 = tpu.memref_slice %arg11[%mul3A_0, %dma_start3A_13] : memref<10112x128xf32, #tpu.memory_space<vmem_shared>> -> memref<632x128xf32, #tpu.memory_space<vmem_shared>>
      tpu.enqueue_dma source(%dma_start3A_14 : memref<632x128xf32, #tpu.memory_space<vmem_shared>>) target(%dma_start3A_12 : memref<632x128xf32, #tpu.memory_space<hbm>>) target_semaphore(%run_scoped3A : memref<!tpu.dma_semaphore, #tpu.memory_space<semaphore_mem>>)
      %dma_wait3A = arith.constant 0 : i32
      %dma_wait3A_15 = tpu.memref_slice %arg6[%arg0, %mul3A_0, %dma_wait3A] : memref<2x10112x128xf32, #tpu.memory_space<hbm>> -> memref<1x632x128xf32, #tpu.memory_space<hbm>>
      %dma_wait3A_16 = tpu.memref_squeeze %dma_wait3A_15 : memref<1x632x128xf32, #tpu.memory_space<hbm>> -> memref<632x128xf32, #tpu.memory_space<hbm>>
      %dma_wait3A_17 = arith.constant 0 : i32
      %dma_wait3A_18 = tpu.memref_slice %arg11[%mul3A_0, %dma_wait3A_17] : memref<10112x128xf32, #tpu.memory_space<vmem_shared>> -> memref<632x128xf32, #tpu.memory_space<vmem_shared>>
      tpu.wait_dma2 semaphore(%run_scoped3A : memref<!tpu.dma_semaphore, #tpu.memory_space<semaphore_mem>>) src(%dma_wait3A_18 : memref<632x128xf32, #tpu.memory_space<vmem_shared>>) dst(%dma_wait3A_16 : memref<632x128xf32, #tpu.memory_space<hbm>>)
      tpu.yield
    }) : () -> ()
    return
  }
}

module attributes {stable_mosaic.version = 14 : i64} {
  func.func @_tc_first_body(%arg0: i32, %arg1: memref<1000x128xf32, #tpu.memory_space<vmem>>, %arg2: memref<128x128xf32, #tpu.memory_space<vmem>>, %arg3: memref<1000x1xf32, #tpu.memory_space<vmem>>, %arg4: memref<1000x1xf32, #tpu.memory_space<vmem>>, %arg5: memref<1000x128xf32, #tpu.memory_space<vmem>>, %arg6: memref<1000x1xf32, #tpu.memory_space<vmem>>) attributes {dimension_semantics = [#tpu.dimension_semantics<arbitrary>], iteration_bounds = array<i64: 10>, scalar_prefetch = 0 : i64, scratch_operands = 0 : i64, tpu.core_type = #tpu.core_type<tc>, window_params = [{transform_indices = @transform_0, window_bounds = array<i64: 1000, 128>}, {pipeline_mode = #tpu.pipeline_mode<synchronous>, transform_indices = @transform_1, window_bounds = array<i64: 128, 128>}, {transform_indices = @transform_2, window_bounds = array<i64: 1000, 1>}, {transform_indices = @transform_3, window_bounds = array<i64: 1000, 1>}, {transform_indices = @transform_4, window_bounds = array<i64: 1000, 128>}, {transform_indices = @transform_5, window_bounds = array<i64: 1000, 1>}]} {
    %get3A = arith.constant 0 : index
    %get3A_0 = arith.constant 0 : index
    %get3A_1 = vector.load %arg3[%get3A, %get3A_0] : memref<1000x1xf32, #tpu.memory_space<vmem>>, vector<1000x1xf32>
    %get3A_2 = arith.constant 0 : index
    %get3A_3 = arith.constant 0 : index
    %get3A_4 = vector.load %arg4[%get3A_2, %get3A_3] : memref<1000x1xf32, #tpu.memory_space<vmem>>, vector<1000x1xf32>
    %add3A = arith.addf %get3A_1, %get3A_4 : vector<1000x1xf32>
    %add3A_5 = arith.constant 1.000000e+00 : f32
    %add3A_6 = vector.broadcast %add3A_5 : f32 to vector<1000x1xf32>
    %add3A_7 = arith.addf %add3A, %add3A_6 : vector<1000x1xf32>
    %rsqrt3A = math.rsqrt %add3A_7 : vector<1000x1xf32>
    %get3A_8 = arith.constant 0 : index
    %get3A_9 = arith.constant 0 : index
    %get3A_10 = vector.load %arg1[%get3A_8, %get3A_9] : memref<1000x128xf32, #tpu.memory_space<vmem>>, vector<1000x128xf32>
    %get3A_11 = arith.constant 0 : index
    %get3A_12 = arith.constant 0 : index
    %get3A_13 = vector.load %arg2[%get3A_11, %get3A_12] : memref<128x128xf32, #tpu.memory_space<vmem>>, vector<128x128xf32>
    %dot_general3A = arith.constant dense<0.000000e+00> : vector<1000x128xf32>
    %dot_general3A_14 = tpu.matmul %get3A_10, %get3A_13, %dot_general3A {dimension_numbers = #tpu.dot_dimension_numbers<[1], [0], [0], [1], [0, 0, 1, 1], [], []>, transpose_lhs_hint = false} : vector<1000x128xf32>, vector<128x128xf32>, vector<1000x128xf32> -> vector<1000x128xf32>
    %mul3A = vector.broadcast %rsqrt3A : vector<1000x1xf32> to vector<1000x128xf32>
    %mul3A_15 = arith.mulf %dot_general3A_14, %mul3A : vector<1000x128xf32>
    %swap3A = arith.constant 0 : index
    %swap3A_16 = arith.constant 0 : index
    %swap3A_17 = vector.load %arg5[%swap3A, %swap3A_16] : memref<1000x128xf32, #tpu.memory_space<vmem>>, vector<1000x128xf32>
    tpu.vector_store %arg5[%swap3A, %swap3A_16], %mul3A_15 {strides = array<i32>} : memref<1000x128xf32, #tpu.memory_space<vmem>>, vector<1000x128xf32>,
    %swap3A_18 = arith.constant 0 : index
    %swap3A_19 = arith.constant 0 : index
    %swap3A_20 = vector.load %arg6[%swap3A_18, %swap3A_19] : memref<1000x1xf32, #tpu.memory_space<vmem>>, vector<1000x1xf32>
    tpu.vector_store %arg6[%swap3A_18, %swap3A_19], %rsqrt3A {strides = array<i32>} : memref<1000x1xf32, #tpu.memory_space<vmem>>, vector<1000x1xf32>,
    return
  }
  func.func @transform_0(%arg0: i32) -> (i32, i32) {
    %c0_i32 = arith.constant 0 : i32
    %c0_i32_0 = arith.constant 0 : i32
    return %arg0, %c0_i32 : i32, i32
  }
  func.func @transform_1(%arg0: i32) -> (i32, i32) {
    %c0_i32 = arith.constant 0 : i32
    %c0_i32_0 = arith.constant 0 : i32
    %c0_i32_1 = arith.constant 0 : i32
    return %c0_i32, %c0_i32_0 : i32, i32
  }
  func.func @transform_2(%arg0: i32) -> (i32, i32) {
    %c0_i32 = arith.constant 0 : i32
    %c0_i32_0 = arith.constant 0 : i32
    return %arg0, %c0_i32 : i32, i32
  }
  func.func @transform_3(%arg0: i32) -> (i32, i32) {
    %c0_i32 = arith.constant 0 : i32
    %c0_i32_0 = arith.constant 0 : i32
    return %arg0, %c0_i32 : i32, i32
  }
  func.func @transform_4(%arg0: i32) -> (i32, i32) {
    %c0_i32 = arith.constant 0 : i32
    %c0_i32_0 = arith.constant 0 : i32
    return %arg0, %c0_i32 : i32, i32
  }
  func.func @transform_5(%arg0: i32) -> (i32, i32) {
    %c0_i32 = arith.constant 0 : i32
    %c0_i32_0 = arith.constant 0 : i32
    return %arg0, %c0_i32 : i32, i32
  }
}

module attributes {stable_mosaic.version = 14 : i64} {
  func.func @_tc_mid_body(%arg0: i32, %arg1: memref<2x1000x128xf32, #tpu.memory_space<vmem>>, %arg2: memref<1000x128xf32, #tpu.memory_space<vmem>>, %arg3: memref<1000x1xf32, #tpu.memory_space<vmem>>, %arg4: memref<1x128xf32, #tpu.memory_space<vmem>>, %arg5: memref<128x128xf32, #tpu.memory_space<vmem>>, %arg6: memref<1000x128xf32, #tpu.memory_space<vmem>>) attributes {dimension_semantics = [#tpu.dimension_semantics<arbitrary>], iteration_bounds = array<i64: 10>, scalar_prefetch = 0 : i64, scratch_operands = 0 : i64, tpu.core_type = #tpu.core_type<tc>, window_params = [{transform_indices = @transform_0, window_bounds = array<i64: 2, 1000, 128>}, {transform_indices = @transform_1, window_bounds = array<i64: 1000, 128>}, {transform_indices = @transform_2, window_bounds = array<i64: 1000, 1>}, {pipeline_mode = #tpu.pipeline_mode<synchronous>, transform_indices = @transform_3, window_bounds = array<i64: 1, 128>}, {pipeline_mode = #tpu.pipeline_mode<synchronous>, transform_indices = @transform_4, window_bounds = array<i64: 128, 128>}, {transform_indices = @transform_5, window_bounds = array<i64: 1000, 128>}]} {
    %get3A = arith.constant 0 : index
    %get3A_0 = arith.constant 0 : index
    %get3A_1 = vector.load %arg3[%get3A, %get3A_0] : memref<1000x1xf32, #tpu.memory_space<vmem>>, vector<1000x1xf32>
    %get3A_2 = arith.constant 0 : index
    %get3A_3 = arith.constant 0 : index
    %get3A_4 = arith.constant 0 : index
    %get3A_5 = vector.load %arg1[%get3A_2, %get3A_3, %get3A_4] : memref<2x1000x128xf32, #tpu.memory_space<vmem>>, vector<1x1000x128xf32>
    %get3A_6 = vector.shape_cast %get3A_5 : vector<1x1000x128xf32> to vector<1000x128xf32>
    %get3A_7 = arith.constant 1 : index
    %get3A_8 = arith.constant 0 : index
    %get3A_9 = arith.constant 0 : index
    %get3A_10 = vector.load %arg1[%get3A_7, %get3A_8, %get3A_9] : memref<2x1000x128xf32, #tpu.memory_space<vmem>>, vector<1x1000x128xf32>
    %get3A_11 = vector.shape_cast %get3A_10 : vector<1x1000x128xf32> to vector<1000x128xf32>
    %add3A = arith.addf %get3A_6, %get3A_11 : vector<1000x128xf32>
    %get3A_12 = arith.constant 0 : index
    %get3A_13 = arith.constant 0 : index
    %get3A_14 = vector.load %arg2[%get3A_12, %get3A_13] : memref<1000x128xf32, #tpu.memory_space<vmem>>, vector<1000x128xf32>
    %add3A_15 = arith.addf %add3A, %get3A_14 : vector<1000x128xf32>
    %mul3A = vector.broadcast %get3A_1 : vector<1000x1xf32> to vector<1000x128xf32>
    %mul3A_16 = arith.mulf %add3A_15, %mul3A : vector<1000x128xf32>
    %get3A_17 = arith.constant 0 : index
    %get3A_18 = arith.constant 0 : index
    %get3A_19 = vector.load %arg4[%get3A_17, %get3A_18] : memref<1x128xf32, #tpu.memory_space<vmem>>, vector<1x128xf32>
    %add3A_20 = vector.broadcast %get3A_19 : vector<1x128xf32> to vector<1000x128xf32>
    %add3A_21 = arith.addf %mul3A_16, %add3A_20 : vector<1000x128xf32>
    %max3A = arith.constant 0.000000e+00 : f32
    %max3A_22 = vector.broadcast %max3A : f32 to vector<1000x128xf32>
    %max3A_23 = arith.maximumf %add3A_21, %max3A_22 : vector<1000x128xf32>
    %get3A_24 = arith.constant 0 : index
    %get3A_25 = arith.constant 0 : index
    %get3A_26 = vector.load %arg5[%get3A_24, %get3A_25] : memref<128x128xf32, #tpu.memory_space<vmem>>, vector<128x128xf32>
    %dot_general3A = arith.constant dense<0.000000e+00> : vector<1000x128xf32>
    %dot_general3A_27 = tpu.matmul %max3A_23, %get3A_26, %dot_general3A {dimension_numbers = #tpu.dot_dimension_numbers<[1], [0], [0], [1], [0, 0, 1, 1], [], []>, transpose_lhs_hint = false} : vector<1000x128xf32>, vector<128x128xf32>, vector<1000x128xf32> -> vector<1000x128xf32>
    %mul3A_28 = vector.broadcast %get3A_1 : vector<1000x1xf32> to vector<1000x128xf32>
    %mul3A_29 = arith.mulf %dot_general3A_27, %mul3A_28 : vector<1000x128xf32>
    %swap3A = arith.constant 0 : index
    %swap3A_30 = arith.constant 0 : index
    %swap3A_31 = vector.load %arg6[%swap3A, %swap3A_30] : memref<1000x128xf32, #tpu.memory_space<vmem>>, vector<1000x128xf32>
    tpu.vector_store %arg6[%swap3A, %swap3A_30], %mul3A_29 {strides = array<i32>} : memref<1000x128xf32, #tpu.memory_space<vmem>>, vector<1000x128xf32>,
    return
  }
  func.func @transform_0(%arg0: i32) -> (i32, i32, i32) {
    %c0_i32 = arith.constant 0 : i32
    %c0_i32_0 = arith.constant 0 : i32
    %c0_i32_1 = arith.constant 0 : i32
    return %c0_i32, %arg0, %c0_i32_0 : i32, i32, i32
  }
  func.func @transform_1(%arg0: i32) -> (i32, i32) {
    %c0_i32 = arith.constant 0 : i32
    %c0_i32_0 = arith.constant 0 : i32
    return %arg0, %c0_i32 : i32, i32
  }
  func.func @transform_2(%arg0: i32) -> (i32, i32) {
    %c0_i32 = arith.constant 0 : i32
    %c0_i32_0 = arith.constant 0 : i32
    return %arg0, %c0_i32 : i32, i32
  }
  func.func @transform_3(%arg0: i32) -> (i32, i32) {
    %c0_i32 = arith.constant 0 : i32
    %c0_i32_0 = arith.constant 0 : i32
    %c0_i32_1 = arith.constant 0 : i32
    return %c0_i32, %c0_i32_0 : i32, i32
  }
  func.func @transform_4(%arg0: i32) -> (i32, i32) {
    %c0_i32 = arith.constant 0 : i32
    %c0_i32_0 = arith.constant 0 : i32
    %c0_i32_1 = arith.constant 0 : i32
    return %c0_i32, %c0_i32_0 : i32, i32
  }
  func.func @transform_5(%arg0: i32) -> (i32, i32) {
    %c0_i32 = arith.constant 0 : i32
    %c0_i32_0 = arith.constant 0 : i32
    return %arg0, %c0_i32 : i32, i32
  }
}

module attributes {stable_mosaic.version = 14 : i64} {
  func.func @_tc_last_body(%arg0: i32, %arg1: memref<2x1000x128xf32, #tpu.memory_space<vmem>>, %arg2: memref<1000x128xf32, #tpu.memory_space<vmem>>, %arg3: memref<1000x1xf32, #tpu.memory_space<vmem>>, %arg4: memref<1x128xf32, #tpu.memory_space<vmem>>, %arg5: memref<1000x128xf32, #tpu.memory_space<vmem>>) attributes {dimension_semantics = [#tpu.dimension_semantics<arbitrary>], iteration_bounds = array<i64: 10>, scalar_prefetch = 0 : i64, scratch_operands = 0 : i64, tpu.core_type = #tpu.core_type<tc>, window_params = [{transform_indices = @transform_0, window_bounds = array<i64: 2, 1000, 128>}, {transform_indices = @transform_1, window_bounds = array<i64: 1000, 128>}, {transform_indices = @transform_2, window_bounds = array<i64: 1000, 1>}, {pipeline_mode = #tpu.pipeline_mode<synchronous>, transform_indices = @transform_3, window_bounds = array<i64: 1, 128>}, {transform_indices = @transform_4, window_bounds = array<i64: 1000, 128>}]} {
    %get3A = arith.constant 0 : index
    %get3A_0 = arith.constant 0 : index
    %get3A_1 = arith.constant 0 : index
    %get3A_2 = vector.load %arg1[%get3A, %get3A_0, %get3A_1] : memref<2x1000x128xf32, #tpu.memory_space<vmem>>, vector<1x1000x128xf32>
    %get3A_3 = vector.shape_cast %get3A_2 : vector<1x1000x128xf32> to vector<1000x128xf32>
    %get3A_4 = arith.constant 1 : index
    %get3A_5 = arith.constant 0 : index
    %get3A_6 = arith.constant 0 : index
    %get3A_7 = vector.load %arg1[%get3A_4, %get3A_5, %get3A_6] : memref<2x1000x128xf32, #tpu.memory_space<vmem>>, vector<1x1000x128xf32>
    %get3A_8 = vector.shape_cast %get3A_7 : vector<1x1000x128xf32> to vector<1000x128xf32>
    %add3A = arith.addf %get3A_3, %get3A_8 : vector<1000x128xf32>
    %get3A_9 = arith.constant 0 : index
    %get3A_10 = arith.constant 0 : index
    %get3A_11 = vector.load %arg2[%get3A_9, %get3A_10] : memref<1000x128xf32, #tpu.memory_space<vmem>>, vector<1000x128xf32>
    %add3A_12 = arith.addf %add3A, %get3A_11 : vector<1000x128xf32>
    %get3A_13 = arith.constant 0 : index
    %get3A_14 = arith.constant 0 : index
    %get3A_15 = vector.load %arg3[%get3A_13, %get3A_14] : memref<1000x1xf32, #tpu.memory_space<vmem>>, vector<1000x1xf32>
    %mul3A = vector.broadcast %get3A_15 : vector<1000x1xf32> to vector<1000x128xf32>
    %mul3A_16 = arith.mulf %add3A_12, %mul3A : vector<1000x128xf32>
    %get3A_17 = arith.constant 0 : index
    %get3A_18 = arith.constant 0 : index
    %get3A_19 = vector.load %arg4[%get3A_17, %get3A_18] : memref<1x128xf32, #tpu.memory_space<vmem>>, vector<1x128xf32>
    %add3A_20 = vector.broadcast %get3A_19 : vector<1x128xf32> to vector<1000x128xf32>
    %add3A_21 = arith.addf %mul3A_16, %add3A_20 : vector<1000x128xf32>
    %swap3A = arith.constant 0 : index
    %swap3A_22 = arith.constant 0 : index
    %swap3A_23 = vector.load %arg5[%swap3A, %swap3A_22] : memref<1000x128xf32, #tpu.memory_space<vmem>>, vector<1000x128xf32>
    tpu.vector_store %arg5[%swap3A, %swap3A_22], %add3A_21 {strides = array<i32>} : memref<1000x128xf32, #tpu.memory_space<vmem>>, vector<1000x128xf32>,
    return
  }
  func.func @transform_0(%arg0: i32) -> (i32, i32, i32) {
    %c0_i32 = arith.constant 0 : i32
    %c0_i32_0 = arith.constant 0 : i32
    %c0_i32_1 = arith.constant 0 : i32
    return %c0_i32, %arg0, %c0_i32_0 : i32, i32, i32
  }
  func.func @transform_1(%arg0: i32) -> (i32, i32) {
    %c0_i32 = arith.constant 0 : i32
    %c0_i32_0 = arith.constant 0 : i32
    return %arg0, %c0_i32 : i32, i32
  }
  func.func @transform_2(%arg0: i32) -> (i32, i32) {
    %c0_i32 = arith.constant 0 : i32
    %c0_i32_0 = arith.constant 0 : i32
    return %arg0, %c0_i32 : i32, i32
  }
  func.func @transform_3(%arg0: i32) -> (i32, i32) {
    %c0_i32 = arith.constant 0 : i32
    %c0_i32_0 = arith.constant 0 : i32
    %c0_i32_1 = arith.constant 0 : i32
    return %c0_i32, %c0_i32_0 : i32, i32
  }
  func.func @transform_4(%arg0: i32) -> (i32, i32) {
    %c0_i32 = arith.constant 0 : i32
    %c0_i32_0 = arith.constant 0 : i32
    return %arg0, %c0_i32 : i32, i32
  }
}

</mosaic_0001>

<sc_bundles>
// kernel: kernel.11.cloned.1.call-start
scs
__scs_entry_jumppad:
0x0: {  	(pc) =	sbr.rel $0x88, $3  }
0x1: {  	(tag) =	ssettag $0x0;
	lr =	simm.s32 $0x1  }
0x2: {  	[smem:$0x3F9B] =	sst lr;
	_ =	strace $0xD0000000  }
0x3: {  	_ = 	snop  }
0x4: {  	_ = 	snop  }
0x5: {  	_ = 	snop  }
0x6: {  	_ = 	snop  }
0x7: {  	_ = 	snop  }
__scs_overlays_trampoline_lowered:
0x8: {  	[smem:$0x3FAA] =	sst s0  }
0x9: {  	[smem:$0x3FAB] =	sst s1  }
0xa: {  	[smem:$0x3FAC] =	sst s2  }
0xb: {  	[smem:$0x3FAD] =	sst s3  }
0xc: {  	[smem:$0x3FAE] =	sst s4  }
0xd: {  	[smem:$0x3FAF] =	sst s5  }
0xe: {  	[smem:$0x3FB0] =	sst s6  }
0xf: {  	[smem:$0x3FB1] =	sst s7  }
0x10: {  	[smem:$0x3FB2] =	sst s8  }
0x11: {  	[smem:$0x3FB3] =	sst s9;
	s0 =	simm.s32 @!p0 $0x0  }
0x12: {  	s1 =	sld [smem:$0x3F99];
	s0 =	simm.s32 @p0 $0x1  }
0x13: {  	[smem:$0x3FB4] =	sst s0;
	s0 =	simm.s32 @!p1 $0x0  }
0x14: {  	s2 =	sld [smem:$0x3F98];
	s0 =	simm.s32 @p1 $0x1  }
0x15: {  	[smem:$0x3FB5] =	sst s0;
	s0 =	simm.s32 @!p2 $0x0  }
0x16: {  	s3 =	sld [smem:$0x3FDB];
	s0 =	simm.s32 @p2 $0x1  }
0x17: {  	s4 =	simm.s32 $0x1BF5;
	[smem:$0x3FB7] =	sst s0  }
0x18: {  	s0 =	sld [smem:$0x3F9A];
	_ =	swait.ge [sflag:s4], $0x0  }
0x19: {  	s7 =	sld [smem:$0x3F9B]  }
0x1a: {  	s8 =	sadd.s32 $0xFFFFE003, lr  }
0x1b: {  	s9 =	sadd.s32 $0xFFFFFEF7, lr;
	s5 =	simm.s32 $0xFFFFFFFF;
	p2 =	slt.u32 s8, $0xFFFFF086  }
0x1c: {  	p1 =	slt.u32 s9, $0xF7A;
	s5 =	simm.s32 @!p2 $0x0  }
0x1d: {  	s5 =	simm.s32 @p1 $0x1;
	p0 =	seq.s32 s7, s2  }
0x1e: {  	s7 =	smul.u32 @!p0 $0xF7A, s2;
	p2 =	seq.s32 @!p0 s5, $0x0  }
0x1f: {  	s9 =	smul.u32 $0xF7A, s1;
	s8 =	simm.s32 @!p0 $0x1BF5;
	p2 =	por !p2, p0  }
0x20: {  	[sflag:s8] =	ssyncset.s32 @!p0 $0xFFFFF086;
	s6 =	sadd.s32 @!p0 s3, s7;
	s7 =	simm.s32 @!p0 $0x108  }
0x21: {  	s3 =	sadd.s32 s3, s9;
	s6 =	sadd.s32 @!p0 $0x88, s6;
	s7 =	simm.s32 @p2 $0x1082  }
0x22: {  	[simem:s7], [sflag:s8] =	dma.local @!p0 [hbm:s6], $0xF7A  }
0x23: {  	s9 =	sor.u32 $0xD0000000, s2;
	s6 =	simm.s32 $0x108;
	_ =	swait.ge @!p0 [sflag:s8], $0x0  }
0x24: {  	s3 =	sadd.s32 $0x88, s3;
	s6 =	simm.s32 @!p1 $0x1082;
	[sflag:s4] =	ssyncset.s32 $0xFFFFF086  }
0x25: {  	[simem:s6], [sflag:s4] =	dma.local [hbm:s3], $0xF7A  }
0x26: {  	[smem:$0x3F9B] =	sst s1;
	(tag) =	ssettag s2;
	_ =	strace s9  }
0x27: {  	s1 =	sld [smem:$0x3FAB]  }
0x28: {  	s2 =	sld [smem:$0x3FAC]  }
0x29: {  	s4 =	sld [smem:$0x3FAE]  }
0x2a: {  	p0 =	seq.s32 s5, $0x0;
	s5 =	sld [smem:$0x3FAF]  }
0x2b: {  	s6 =	sld [smem:$0x3FB0]  }
0x2c: {  	s7 =	sld [smem:$0x3FB1]  }
0x2d: {  	s3 =	simm.s32 $0x108;
	s8 =	sld [smem:$0x3FB2]  }
0x2e: {  	s3 =	simm.s32 @!p0 $0x1082;
	s9 =	sld [smem:$0x3FB3]  }
0x2f: {  	lr =	sadd.s32 s0, s3;
	s0 =	sld [smem:$0x3FAA]  }
0x30: {  	s3 =	sld [smem:$0x3FAD]  }
0x31: {  	[smem:$0x3FB6] =	sst s10  }
0x32: {  	s10 =	sld [smem:$0x3FB4];
	_ =	sdelay $0x3  }
0x33: {  	p0 =	seq.s32 s10, $0x1;
	s10 =	sld [smem:$0x3FB6];
	_ =	sdelay $0x3  }
0x34: {  	[smem:$0x3FB6] =	sst s10  }
0x35: {  	s10 =	sld [smem:$0x3FB5];
	_ =	sdelay $0x3  }
0x36: {  	p1 =	seq.s32 s10, $0x1;
	s10 =	sld [smem:$0x3FB6];
	_ =	sdelay $0x3  }
0x37: {  	[smem:$0x3FB6] =	sst s10  }
0x38: {  	s10 =	sld [smem:$0x3FB7]  }
0x39: {  	_ = 	snop;
	(pc) =	sbr.ind lr, $3  }
0x3a: {  	_ = 	snop  }
0x3b: {  	_ = 	snop  }
0x3c: {  	p2 =	seq.s32 s10, $0x1;
	s10 =	sld [smem:$0x3FB6]  }
0x3d: {  	_ =	shalt  }
0x3e: {  	_ =	shalt  }
0x3f: {  	_ =	shalt  }
0x40: {  	_ =	shalt  }
0x41: {  	_ =	shalt  }
0x42: {  	_ =	shalt  }
0x43: {  	_ =	shalt  }
0x44: {  	_ =	shalt  }
0x45: {  	_ =	shalt  }
0x46: {  	_ =	shalt  }
0x47: {  	_ =	shalt  }
0x48: {  	_ =	shalt  }
0x49: {  	_ =	shalt  }
0x4a: {  	_ =	shalt  }
0x4b: {  	_ =	shalt  }
0x4c: {  	_ =	shalt  }
0x4d: {  	_ =	shalt  }
0x4e: {  	_ =	shalt  }
0x4f: {  	_ =	shalt  }
0x50: {  	_ =	shalt  }
0x51: {  	_ =	shalt  }
0x52: {  	_ =	shalt  }
0x53: {  	_ =	shalt  }
0x54: {  	_ =	shalt  }
0x55: {  	_ =	shalt  }
0x56: {  	_ =	shalt  }
0x57: {  	_ =	shalt  }
0x58: {  	_ =	shalt  }
0x59: {  	_ =	shalt  }
0x5a: {  	_ =	shalt  }
0x5b: {  	_ =	shalt  }
0x5c: {  	_ =	shalt  }
0x5d: {  	_ =	shalt  }
0x5e: {  	_ =	shalt  }
0x5f: {  	_ =	shalt  }
0x60: {  	_ =	shalt  }
0x61: {  	_ =	shalt  }
0x62: {  	_ =	shalt  }
0x63: {  	_ =	shalt  }
0x64: {  	_ =	shalt  }
0x65: {  	_ =	shalt  }
0x66: {  	_ =	shalt  }
0x67: {  	_ =	shalt  }
0x68: {  	_ =	shalt  }
0x69: {  	_ =	shalt  }
0x6a: {  	_ =	shalt  }
0x6b: {  	_ =	shalt  }
0x6c: {  	_ =	shalt  }
0x6d: {  	_ =	shalt  }
0x6e: {  	_ =	shalt  }
0x6f: {  	_ =	shalt  }
0x70: {  	_ =	shalt  }
0x71: {  	_ =	shalt  }
0x72: {  	_ =	shalt  }
0x73: {  	_ =	shalt  }
0x74: {  	_ =	shalt  }
0x75: {  	_ =	shalt  }
0x76: {  	_ =	shalt  }
0x77: {  	_ =	shalt  }
0x78: {  	_ =	shalt  }
0x79: {  	_ =	shalt  }
0x7a: {  	_ =	shalt  }
0x7b: {  	_ =	shalt  }
0x7c: {  	_ =	shalt  }
0x7d: {  	_ =	shalt  }
0x7e: {  	_ =	shalt  }
0x7f: {  	_ =	shalt  }
0x80: {  	_ =	shalt  }
0x81: {  	_ =	shalt  }
0x82: {  	_ =	shalt  }
0x83: {  	_ =	shalt  }
0x84: {  	_ =	shalt  }
0x85: {  	_ =	shalt  }
0x86: {  	_ =	shalt  }
0x87: {  	_ =	shalt  }
.Lfunc_end0:
.L_simem_size_0:
called_computation.1_lowered:
.L_overlay_start_0:
0x88: {  	s2 =	sld [smem:$0x3FD9]  }
0x89: {  	s3 =	sld [smem:$0x3FFE];
	_ =	sdelay $0x1  }
0x8a: {  	s1 =	srdreg.scid  }
0x8b: {  	s0 =	sand.u32 $0x1, s1  }
0x8c: {  	s17 =	sshll.u32 s0, $0xA;
	s2 =	sadd.s32 s3, s2  }
0x8d: {  	s2 =	sadd.s32 s2, s17  }
0x8e: {  	[smem:$0x3FC2] =	sst s2  }
0x8f: {  	_ = 	snop  }
0x90: {  	s2 =	sld [smem:$0x3FD0];
	(tm) =	ssettm $0x1  }
0x91: {  	s18 =	sld [smem:$0x3FFB];
	_ =	sdelay $0x3  }
0x92: {  	_ =	strace s18  }
0x93: {  	s3 =	sld [smem:$0x3FFC];
	_ =	sdelay $0x3  }
0x94: {  	_ =	strace s3  }
0x95: {  	s3 =	sld [smem:$0x3FFD];
	_ =	sdelay $0x3  }
0x96: {  	_ =	strace s3  }
0x97: {  	_ =	strace $0x8FFFFFFF  }
0x98: {  	s19 =	sld [smem:$0x3FDB];
	_ =	sdelay $0x1  }
0x99: {  	s4 =	simm.s32 $_scs_section_size  }
0x9a: {  	s5 =	simm.s32 $_size__tile_overlayer_lowered;
	s6 =	simm.s32 $_tile_overlayer_lowered  }
0x9b: {  	s22 =	simm.s32 $0x1BFF;
	s21 =	sshll.u32 s6, $0x1;
	s3 =	sadd.s32 s4, s19  }
0x9c: {  	s7 =	simm.s32 $0x0;
	s20 =	sshll.u32 s5, $0x1;
	s5 =	sadd.s32 s21, s3  }
0x9d: {  	[timem:s7], [sflag:s22] =	dma.local [hbm:s5], s20  }
0x9e: {  	_ =	swait.ge [sflag:s22], s20  }
0x9f: {  	s4 =	ssub.s32 $0x0, s20;
	[sflag:s22] =	ssyncset.done $0x0  }
0xa0: {  	[sflag:s22] =	ssyncadd.s32 s4;
	_ =	sdelay $0x1  }
0xa1: {  	s23 =	simm.s32 $0x1B8B  }
0xa2: {  	_ =	swait.ge [sflag:s23], $0x1  }
0xa3: {  	[sflag:s23] =	ssyncset.done $0x0  }
0xa4: {  	s25 =	simm.s32 $0x1B8E;
	s24 =	sld [smem:$0x3FFE];
	[sflag:s23] =	ssyncadd.s32 $0xFFFFFFFF  }
0xa5: {  	s26 =	simm.s32 $execute0_lowered;
	[smem:$0x3FD2] =	sst s25  }
0xa6: {  	s5 =	sshll.u32 s26, $0x1;
	_ =	strace $0x80000049;
	[dreg:$0x1] =	wrdreg $0xFFFFFFFF  }
0xa7: {  	s28 =	simm.s32 $_size_execute0_lowered;
	s3 =	sadd.s32 s3, s5;
	[dreg:$0x0] =	wrdreg $0x0  }
0xa8: {  	s5 =	sshll.u32 s28, $0x1;
	[dreg:$0x2] =	wrdreg s3  }
0xa9: {  	[dreg:$0x3] =	wrdreg s5  }
0xaa: {  	[dreg:$0x4] =	wrdreg $0xC0  }
0xab: {  	_ =	task [dreg:s7], $0x5FFFF  }
0xac: {  	[dreg:$0x1] =	wrdreg $0xFFFFFFFF  }
0xad: {  	[dreg:$0x0] =	wrdreg $0x60  }
0xae: {  	[dreg:$0x2] =	wrdreg s2  }
0xaf: {  	[dreg:$0x3] =	wrdreg s24  }
0xb0: {  	[dreg:$0x4] =	wrdreg $0x90000  }
0xb1: {  	[dreg:$0x5] =	wrdreg $0x9  }
0xb2: {  	_ =	task.clear_ibuf [dreg:s7], $0x6FFFF;
	_ =	strace $0x90000049  }
0xb3: {  	s29 =	simm.s32 $0x9;
	_ =	strace $0x8000004B  }
0xb4: {  	_ =	swait.ge [sflag:s29], $0x1  }
0xb5: {  	[sflag:s29] =	ssyncadd.s32 $0xFFFFFFFF  }
0xb6: {  	_ =	strace $0x9000004B  }
0xb7: {  	_ =	sfence  }
0xb8: {  	s30 =	sld [smem:$0x0];
	_ =	sdelay $0x2  }
0xb9: {  	s31 =	sshll.u32 s1, $0xD;
	s1 =	sshrl.u32 s1, $0x2  }
0xba: {  	s3 =	sand.u32 $0x4000, s31;
	s1 =	sadd.s32 s1, s30  }
0xbb: {  	s0 =	sor.u32 s3, s0;
	s1 =	sshll.u32 s1, $0x11  }
0xbc: {  	s0 =	sor.u32 s1, s0  }
0xbd: {  	s0 =	sadd.s32 $0x8F2B, s0  }
0xbe: {  	[sflag:s0] =	ssyncadd.remote.s32 $0x1  }
0xbf: {  	_ =	sfence.sel $0xFFFF  }
0xc0: {  	[dreg:$0x0] =	wrdreg $0xFFFFFFFF;
	(pc) =	sbr.abs _section_cstart, $3  }
0xc1: {  	[dreg:$0x1] =	wrdreg $0xFFFFFFFF  }
0xc2: {  	_ =	task.clear_ibuf [dreg:s7], $0x2FFFF;
	_ =	strace $0x9FFFFFFF  }
0xc3: {  	(tm) =	ssettm $0x7FFFFFFF  }
tec
execute0_lowered:
.L_overlay_start_1:
0x0: {  	(tag) =	ssettag $0x1  }
0x1: {  	s2 =	rddreg [dreg:$0x0]  }
0x2: {  	s0 =	rddreg [dreg:$0x1]  }
0x3: {  	s3 =	rddreg [dreg:$0x2]  }
0x4: {  	s11 =	stileid.u32;
	s5 =	srdreg.scid;
	s4 =	simm.s32 $0x0  }
0x5: {  	s12 =	simm.s32 $0x100;
	s14 =	simm.s32 $0x880;
	s16 =	simm.s32 $0x180  }
0x6: {  	s17 =	simm.s32 $0x900;
	s18 =	simm.s32 $0x200;
	[smem:$0x7FF] =	sst s4  }
0x7: {  	s20 =	simm.s32 $0x980;
	_ =	strace $0x8000004A;
	[dreg:$0x6] =	wrdreg s12  }
0x8: {  	s21 =	simm.s32 $0x280;
	s22 =	simm.s32 $0xA00;
	[dreg:$0x7] =	wrdreg s14  }
0x9: {  	s23 =	simm.s32 $0x300;
	s24 =	simm.s32 $0xA80;
	[dreg:$0x8] =	wrdreg s16  }
0xa: {  	s25 =	simm.s32 $0x380;
	s28 =	simm.s32 $0x680;
	[dreg:$0x9] =	wrdreg s17  }
0xb: {  	s29 =	simm.s32 $0xE00;
	s30 =	simm.s32 $0x700;
	[dreg:$0xa] =	wrdreg s18  }
0xc: {  	s31 =	simm.s32 $0xE80;
	s1 =	smul.u32 $0xA00, s11;
	[dreg:$0xb] =	wrdreg s20  }
0xd: {  	s6 =	smul.u32 $0x13C00, s11;
	s5 =	sand.u32 $0x1, s5;
	[dreg:$0xc] =	wrdreg s21  }
0xe: {  	s10 =	smul.u32 $0x4F000, s11;
	s15 =	sshll.u32 s11, $0x6;
	[dreg:$0xd] =	wrdreg s22  }
0xf: {  	s11 =	simm.s32 $0x800;
	s7 =	smul.u32 $0x13C000, s5;
	[dreg:$0xe] =	wrdreg s23  }
0x10: {  	s26 =	smul.u32 $0x500, s5;
	s5 =	ssub.s32 $0x2, s5;
	[dreg:$0xf] =	wrdreg s24  }
0x11: {  	s12 =	simm.s32 $0x80;
	s14 =	simm.s32 $0x5000;
	[dreg:$0x10] =	wrdreg s25  }
0x12: {  	s16 =	simm.s32 $0x2;
	s17 =	simm.s32 $0x400;
	s18 =	simm.s32 $0xB80  }
0x13: {  	s20 =	simm.s32 $0xC00;
	s21 =	simm.s32 $0x500;
	s22 =	simm.s32 $0xC80  }
0x14: {  	s23 =	simm.s32 $0x580;
	s24 =	simm.s32 $0xD00;
	s25 =	simm.s32 $0x600  }
0x15: {  	s1 =	sadd.s32 s1, s0;
	s8 =	sshrl.u32 s6, $0x3;
	s9 =	sshrl.u32 s5, $0x1  }
0x16: {  	s6 =	sadd.s32 s6, s7;
	s8 =	sadd.s32 s8, s0;
	s1 =	sadd.s32 s26, s1  }
0x17: {  	s5 =	ssub.s32 s5, s9;
	s9 =	sshrl.u32 s10, $0x2;
	s26 =	simm.s32 $0xB00  }
0x18: {  	s6 =	sshrl.u32 s6, $0x3;
	s7 =	sadd.s32 $0x2400, s1;
	s1 =	sadd.s32 $0xC400, s1  }
0x19: {  	s10 =	sadd.s32 s9, s3;
	s13 =	sadd.s32 $0x16400, s8;
	[dreg:$0x11] =	wrdreg s26  }
0x1a: {  	s19 =	smax.u32 s5, $0x1;
	s26 =	simm.s32 $0xD80;
	[dreg:$0x4] =	wrdreg s7  }
0x1b: {  	s5 =	simm.s32 $0xF80;
	s9 =	simm.s32 $0x0;
	[dreg:$0x5] =	wrdreg s1  }
0x1c: {  	s0 =	sadd.s32 s6, s0;
	[dreg:$0x12] =	wrdreg s13;
	s7 =	sor.u32 $0x1C03, s15  }
0x1d: {  	[dreg:$0x15] =	wrdreg s19;
	s8 =	sshrl.u32 s10, $0x3;
	s10 =	simm.s32 $0x3  }
0x1e: {  	s13 =	simm.s32 $0x1000;
	s15 =	simm.s32 $0x1;
	[dreg:$0x13] =	wrdreg s7  }
0x1f: {  	s19 =	simm.s32 $0x480;
	s0 =	sadd.s32 $0x3DC00, s0;
	[dreg:$0x16] =	wrdreg s8  }
0x20: {  	s1 =	simm.s32 $0xF00;
	[dreg:$0x14] =	wrdreg s0;
	s0 =	simm.s32 $0x780  }
.LBB2_1:
0x21: {  	[dreg:$0x17] =	wrdreg s9  }
0x22: {  	s6 =	rddreg [dreg:$0x12]  }
0x23: {  	[spmem:s8], [sflag:s7] =	dma.local [hbm:s6], $0x2780  }
0x24: {  	_ =	swait.ge [sflag:s10], $0x2780  }
0x25: {  	[sflag:s10] =	ssyncset.done $0x0  }
0x26: {  	[sflag:s10] =	ssyncadd.s32 $0xFFFFD880  }
0x27: {  	[bflag:$0x0] =	sbarrier.arrive $0xFFFF  }
0x28: {  	s8 =	rddreg [dreg:$0x5]  }
0x29: {  	s6 =	sadd.s32 $0x0, s8  }
0x2a: {  	[tilespmem:s4], [sflag:$0x3] =	stream.linear.gather [hbm4b:s6+s4], $0x800, $0x38;
	[tilespmem:$0x1CC00] =	vst v63  }
0x2b: {  	_ =	swait.ge [sflag:s10], $0x800  }
0x2c: {  	s9 =	rddreg [dreg:$0x4];
	[sflag:s10] =	ssyncset.done $0x0  }
0x2d: {  	[sflag:s10] =	ssyncadd.s32 $0xFFFFF800;
	s6 =	sadd.s32 $0x0, s9  }
0x2e: {  	[tilespmem:s11], [sflag:$0x3] =	stream.linear.gather [hbm4b:s6+s4], $0x800, $0x38;
	[tilespmem:$0x1CC00] =	vst v63  }
0x2f: {  	_ =	swait.ge [sflag:s10], $0x800  }
0x30: {  	[sflag:s10] =	ssyncset.done $0x0  }
0x31: {  	[sflag:s10] =	ssyncadd.s32 $0xFFFFF800  }
0x32: {  	[tilespmem:s13], [sflag:$0x1] =	stream.indirect.gather [hbm4b:s2+s12], $0x80, s4, s12, $0xb8;
	[tilespmem:$0x1CC00] =	vst v63  }
0x33: {  	_ = 	snop  }
0x34: {  	[tilespmem:s14], [sflag:$0x2] =	stream.indirect.gather [hbm4b:s2+s12], $0x80, s12, s12, $0xb8;
	[tilespmem:$0x1CC00] =	vst v63  }
0x35: {  	_ =	swait.ge [sflag:s15], $0x4000  }
0x36: {  	[sflag:s15] =	ssyncset.done $0x0  }
0x37: {  	[sflag:s15] =	ssyncadd.s32 $0xFFFFC000  }
0x38: {  	[spmem:s3] =	stream.indirect.scatter.add.f32 [tilespmem:s13], [sflag:$0x3], $0x80, s11, s12, $0xb8;
	[tilespmem:$0x1CC00] =	vst v63  }
0x39: {  	_ =	swait.ge [sflag:s10], $0x4000  }
0x3a: {  	[sflag:s10] =	ssyncset.done $0x0  }
0x3b: {  	s7 =	rddreg [dreg:$0x6];
	[sflag:s10] =	ssyncadd.s32 $0xFFFFC000  }
0x3c: {  	[tilespmem:s13], [sflag:$0x1] =	stream.indirect.gather [hbm4b:s2+s12], $0x80, s7, s12, $0xb8;
	[tilespmem:$0x1CC00] =	vst v63  }
0x3d: {  	_ =	swait.ge [sflag:s16], $0x4000  }
0x3e: {  	[sflag:s16] =	ssyncset.done $0x0  }
0x3f: {  	s8 =	rddreg [dreg:$0x7];
	[sflag:s16] =	ssyncadd.s32 $0xFFFFC000  }
0x40: {  	[spmem:s3] =	stream.indirect.scatter.add.f32 [tilespmem:s14], [sflag:$0x3], $0x80, s8, s12, $0xb8;
	[tilespmem:$0x1CC00] =	vst v63  }
0x41: {  	_ =	swait.ge [sflag:s10], $0x4000  }
0x42: {  	[sflag:s10] =	ssyncset.done $0x0  }
0x43: {  	s9 =	rddreg [dreg:$0x8];
	[sflag:s10] =	ssyncadd.s32 $0xFFFFC000  }
0x44: {  	[tilespmem:s14], [sflag:$0x2] =	stream.indirect.gather [hbm4b:s2+s12], $0x80, s9, s12, $0xb8;
	[tilespmem:$0x1CC00] =	vst v63  }
0x45: {  	_ =	swait.ge [sflag:s15], $0x4000  }
0x46: {  	[sflag:s15] =	ssyncset.done $0x0  }
0x47: {  	s7 =	rddreg [dreg:$0x9];
	[sflag:s15] =	ssyncadd.s32 $0xFFFFC000  }
0x48: {  	[spmem:s3] =	stream.indirect.scatter.add.f32 [tilespmem:s13], [sflag:$0x3], $0x80, s7, s12, $0xb8;
	[tilespmem:$0x1CC00] =	vst v63  }
0x49: {  	_ =	swait.ge [sflag:s10], $0x4000  }
0x4a: {  	[sflag:s10] =	ssyncset.done $0x0  }
0x4b: {  	s8 =	rddreg [dreg:$0xa];
	[sflag:s10] =	ssyncadd.s32 $0xFFFFC000  }
0x4c: {  	[tilespmem:s13], [sflag:$0x1] =	stream.indirect.gather [hbm4b:s2+s12], $0x80, s8, s12, $0xb8;
	[tilespmem:$0x1CC00] =	vst v63  }
0x4d: {  	_ =	swait.ge [sflag:s16], $0x4000  }
0x4e: {  	[sflag:s16] =	ssyncset.done $0x0  }
0x4f: {  	s9 =	rddreg [dreg:$0xb];
	[sflag:s16] =	ssyncadd.s32 $0xFFFFC000  }
0x50: {  	[spmem:s3] =	stream.indirect.scatter.add.f32 [tilespmem:s14], [sflag:$0x3], $0x80, s9, s12, $0xb8;
	[tilespmem:$0x1CC00] =	vst v63  }
0x51: {  	_ =	swait.ge [sflag:s10], $0x4000  }
0x52: {  	[sflag:s10] =	ssyncset.done $0x0  }
0x53: {  	s7 =	rddreg [dreg:$0xc];
	[sflag:s10] =	ssyncadd.s32 $0xFFFFC000  }
0x54: {  	[tilespmem:s14], [sflag:$0x2] =	stream.indirect.gather [hbm4b:s2+s12], $0x80, s7, s12, $0xb8;
	[tilespmem:$0x1CC00] =	vst v63  }
0x55: {  	_ =	swait.ge [sflag:s15], $0x4000  }
0x56: {  	[sflag:s15] =	ssyncset.done $0x0  }
0x57: {  	s8 =	rddreg [dreg:$0xd];
	[sflag:s15] =	ssyncadd.s32 $0xFFFFC000  }
0x58: {  	[spmem:s3] =	stream.indirect.scatter.add.f32 [tilespmem:s13], [sflag:$0x3], $0x80, s8, s12, $0xb8;
	[tilespmem:$0x1CC00] =	vst v63  }
0x59: {  	_ =	swait.ge [sflag:s10], $0x4000  }
0x5a: {  	[sflag:s10] =	ssyncset.done $0x0  }
0x5b: {  	s9 =	rddreg [dreg:$0xe];
	[sflag:s10] =	ssyncadd.s32 $0xFFFFC000  }
0x5c: {  	[tilespmem:s13], [sflag:$0x1] =	stream.indirect.gather [hbm4b:s2+s12], $0x80, s9, s12, $0xb8;
	[tilespmem:$0x1CC00] =	vst v63  }
0x5d: {  	_ =	swait.ge [sflag:s16], $0x4000  }
0x5e: {  	[sflag:s16] =	ssyncset.done $0x0  }
0x5f: {  	s7 =	rddreg [dreg:$0xf];
	[sflag:s16] =	ssyncadd.s32 $0xFFFFC000  }
0x60: {  	[spmem:s3] =	stream.indirect.scatter.add.f32 [tilespmem:s14], [sflag:$0x3], $0x80, s7, s12, $0xb8;
	[tilespmem:$0x1CC00] =	vst v63  }
0x61: {  	_ =	swait.ge [sflag:s10], $0x4000  }
0x62: {  	[sflag:s10] =	ssyncset.done $0x0  }
0x63: {  	s8 =	rddreg [dreg:$0x10];
	[sflag:s10] =	ssyncadd.s32 $0xFFFFC000  }
0x64: {  	[tilespmem:s14], [sflag:$0x2] =	stream.indirect.gather [hbm4b:s2+s12], $0x80, s8, s12, $0xb8;
	[tilespmem:$0x1CC00] =	vst v63  }
0x65: {  	_ =	swait.ge [sflag:s15], $0x4000  }
0x66: {  	[sflag:s15] =	ssyncset.done $0x0  }
0x67: {  	s9 =	rddreg [dreg:$0x11];
	[sflag:s15] =	ssyncadd.s32 $0xFFFFC000  }
0x68: {  	[spmem:s3] =	stream.indirect.scatter.add.f32 [tilespmem:s13], [sflag:$0x3], $0x80, s9, s12, $0xb8;
	[tilespmem:$0x1CC00] =	vst v63  }
0x69: {  	_ =	swait.ge [sflag:s10], $0x4000  }
0x6a: {  	[sflag:s10] =	ssyncset.done $0x0  }
0x6b: {  	[sflag:s10] =	ssyncadd.s32 $0xFFFFC000  }
0x6c: {  	[tilespmem:s13], [sflag:$0x1] =	stream.indirect.gather [hbm4b:s2+s12], $0x80, s17, s12, $0xb8;
	[tilespmem:$0x1CC00] =	vst v63  }
0x6d: {  	_ =	swait.ge [sflag:s16], $0x4000  }
0x6e: {  	[sflag:s16] =	ssyncset.done $0x0  }
0x6f: {  	[sflag:s16] =	ssyncadd.s32 $0xFFFFC000  }
0x70: {  	[spmem:s3] =	stream.indirect.scatter.add.f32 [tilespmem:s14], [sflag:$0x3], $0x80, s18, s12, $0xb8;
	[tilespmem:$0x1CC00] =	vst v63  }
0x71: {  	_ =	swait.ge [sflag:s10], $0x4000  }
0x72: {  	[sflag:s10] =	ssyncset.done $0x0  }
0x73: {  	[sflag:s10] =	ssyncadd.s32 $0xFFFFC000  }
0x74: {  	[tilespmem:s14], [sflag:$0x2] =	stream.indirect.gather [hbm4b:s2+s12], $0x80, s19, s12, $0xb8;
	[tilespmem:$0x1CC00] =	vst v63  }
0x75: {  	_ =	swait.ge [sflag:s15], $0x4000  }
0x76: {  	[sflag:s15] =	ssyncset.done $0x0  }
0x77: {  	[sflag:s15] =	ssyncadd.s32 $0xFFFFC000  }
0x78: {  	[spmem:s3] =	stream.indirect.scatter.add.f32 [tilespmem:s13], [sflag:$0x3], $0x80, s20, s12, $0xb8;
	[tilespmem:$0x1CC00] =	vst v63  }
0x79: {  	_ =	swait.ge [sflag:s10], $0x4000  }
0x7a: {  	[sflag:s10] =	ssyncset.done $0x0  }
0x7b: {  	[sflag:s10] =	ssyncadd.s32 $0xFFFFC000  }
0x7c: {  	[tilespmem:s13], [sflag:$0x1] =	stream.indirect.gather [hbm4b:s2+s12], $0x80, s21, s12, $0xb8;
	[tilespmem:$0x1CC00] =	vst v63  }
0x7d: {  	_ =	swait.ge [sflag:s16], $0x4000  }
0x7e: {  	[sflag:s16] =	ssyncset.done $0x0  }
0x7f: {  	[sflag:s16] =	ssyncadd.s32 $0xFFFFC000  }
0x80: {  	[spmem:s3] =	stream.indirect.scatter.add.f32 [tilespmem:s14], [sflag:$0x3], $0x80, s22, s12, $0xb8;
	[tilespmem:$0x1CC00] =	vst v63  }
0x81: {  	_ =	swait.ge [sflag:s10], $0x4000  }
0x82: {  	[sflag:s10] =	ssyncset.done $0x0  }
0x83: {  	[sflag:s10] =	ssyncadd.s32 $0xFFFFC000  }
0x84: {  	[tilespmem:s14], [sflag:$0x2] =	stream.indirect.gather [hbm4b:s2+s12], $0x80, s23, s12, $0xb8;
	[tilespmem:$0x1CC00] =	vst v63  }
0x85: {  	_ =	swait.ge [sflag:s15], $0x4000  }
0x86: {  	[sflag:s15] =	ssyncset.done $0x0  }
0x87: {  	[sflag:s15] =	ssyncadd.s32 $0xFFFFC000  }
0x88: {  	[spmem:s3] =	stream.indirect.scatter.add.f32 [tilespmem:s13], [sflag:$0x3], $0x80, s24, s12, $0xb8;
	[tilespmem:$0x1CC00] =	vst v63  }
0x89: {  	_ =	swait.ge [sflag:s10], $0x4000  }
0x8a: {  	[sflag:s10] =	ssyncset.done $0x0  }
0x8b: {  	[sflag:s10] =	ssyncadd.s32 $0xFFFFC000  }
0x8c: {  	[tilespmem:s13], [sflag:$0x1] =	stream.indirect.gather [hbm4b:s2+s12], $0x80, s25, s12, $0xb8;
	[tilespmem:$0x1CC00] =	vst v63  }
0x8d: {  	_ =	swait.ge [sflag:s16], $0x4000  }
0x8e: {  	[sflag:s16] =	ssyncset.done $0x0  }
0x8f: {  	[sflag:s16] =	ssyncadd.s32 $0xFFFFC000  }
0x90: {  	[spmem:s3] =	stream.indirect.scatter.add.f32 [tilespmem:s14], [sflag:$0x3], $0x80, s26, s12, $0xb8;
	[tilespmem:$0x1CC00] =	vst v63  }
0x91: {  	_ =	swait.ge [sflag:s10], $0x4000  }
0x92: {  	[sflag:s10] =	ssyncset.done $0x0  }
0x93: {  	[sflag:s10] =	ssyncadd.s32 $0xFFFFC000  }
0x94: {  	[tilespmem:s14], [sflag:$0x2] =	stream.indirect.gather [hbm4b:s2+s12], $0x80, s28, s12, $0xb8;
	[tilespmem:$0x1CC00] =	vst v63  }
0x95: {  	_ =	swait.ge [sflag:s15], $0x4000  }
0x96: {  	[sflag:s15] =	ssyncset.done $0x0  }
0x97: {  	[sflag:s15] =	ssyncadd.s32 $0xFFFFC000  }
0x98: {  	[spmem:s3] =	stream.indirect.scatter.add.f32 [tilespmem:s13], [sflag:$0x3], $0x80, s29, s12, $0xb8;
	[tilespmem:$0x1CC00] =	vst v63  }
0x99: {  	_ =	swait.ge [sflag:s10], $0x4000  }
0x9a: {  	[sflag:s10] =	ssyncset.done $0x0  }
0x9b: {  	[sflag:s10] =	ssyncadd.s32 $0xFFFFC000  }
0x9c: {  	[tilespmem:s13], [sflag:$0x1] =	stream.indirect.gather [hbm4b:s2+s12], $0x80, s30, s12, $0xb8;
	[tilespmem:$0x1CC00] =	vst v63  }
0x9d: {  	_ =	swait.ge [sflag:s16], $0x4000  }
0x9e: {  	[sflag:s16] =	ssyncset.done $0x0  }
0x9f: {  	[sflag:s16] =	ssyncadd.s32 $0xFFFFC000  }
0xa0: {  	[spmem:s3] =	stream.indirect.scatter.add.f32 [tilespmem:s14], [sflag:$0x3], $0x80, s31, s12, $0xb8;
	[tilespmem:$0x1CC00] =	vst v63  }
0xa1: {  	_ =	swait.ge [sflag:s10], $0x4000  }
0xa2: {  	[sflag:s10] =	ssyncset.done $0x0  }
0xa3: {  	[sflag:s10] =	ssyncadd.s32 $0xFFFFC000  }
0xa4: {  	[tilespmem:s14], [sflag:$0x2] =	stream.indirect.gather [hbm4b:s2+s12], $0x80, s0, s12, $0xb8;
	[tilespmem:$0x1CC00] =	vst v63  }
0xa5: {  	_ =	swait.ge [sflag:s15], $0x4000  }
0xa6: {  	[sflag:s15] =	ssyncset.done $0x0  }
0xa7: {  	[sflag:s15] =	ssyncadd.s32 $0xFFFFC000  }
0xa8: {  	[spmem:s3] =	stream.indirect.scatter.add.f32 [tilespmem:s13], [sflag:$0x3], $0x80, s1, s12, $0xb8;
	[tilespmem:$0x1CC00] =	vst v63  }
0xa9: {  	_ =	swait.ge [sflag:s10], $0x4000  }
0xaa: {  	[sflag:s10] =	ssyncset.done $0x0  }
0xab: {  	[sflag:s10] =	ssyncadd.s32 $0xFFFFC000  }
0xac: {  	_ =	swait.ge [sflag:s16], $0x4000  }
0xad: {  	[sflag:s16] =	ssyncset.done $0x0  }
0xae: {  	[sflag:s16] =	ssyncadd.s32 $0xFFFFC000  }
0xaf: {  	[spmem:s3] =	stream.indirect.scatter.add.f32 [tilespmem:s14], [sflag:$0x3], $0x80, s5, s12, $0xb8;
	[tilespmem:$0x1CC00] =	vst v63  }
0xb0: {  	s6 =	simm.s32 $0x200;
	_ =	swait.ge [sflag:s10], $0x4000  }
0xb1: {  	s8 =	simm.s32 $0x100;
	s9 =	rddreg [dreg:$0x5];
	[sflag:s10] =	ssyncset.done $0x0  }
.LBB2_2:
0xb2: {  	[sflag:s10] =	ssyncadd.s32 $0xFFFFC000;
	s9 =	sadd.s32 s8, s9  }
0xb3: {  	[tilespmem:s4], [sflag:$0x3] =	stream.linear.gather [hbm4b:s9+s4], $0x800, $0x38;
	[tilespmem:$0x1CC00] =	vst v63  }
0xb4: {  	_ =	swait.ge [sflag:s10], $0x800  }
0xb5: {  	s9 =	rddreg [dreg:$0x4];
	[sflag:s10] =	ssyncset.done $0x0  }
0xb6: {  	[sflag:s10] =	ssyncadd.s32 $0xFFFFF800;
	s9 =	sadd.s32 s8, s9  }
0xb7: {  	[tilespmem:s11], [sflag:$0x3] =	stream.linear.gather [hbm4b:s9+s4], $0x800, $0x38;
	[tilespmem:$0x1CC00] =	vst v63  }
0xb8: {  	_ =	swait.ge [sflag:s10], $0x800  }
0xb9: {  	[sflag:s10] =	ssyncset.done $0x0  }
0xba: {  	[sflag:s10] =	ssyncadd.s32 $0xFFFFF800  }
0xbb: {  	[tilespmem:s13], [sflag:$0x1] =	stream.indirect.gather [hbm4b:s2+s12], $0x80, s4, s12, $0xb8;
	[tilespmem:$0x1CC00] =	vst v63  }
0xbc: {  	_ = 	snop  }
0xbd: {  	[tilespmem:s14], [sflag:$0x2] =	stream.indirect.gather [hbm4b:s2+s12], $0x80, s12, s12, $0xb8;
	[tilespmem:$0x1CC00] =	vst v63  }
0xbe: {  	_ =	swait.ge [sflag:s15], $0x4000  }
0xbf: {  	[sflag:s15] =	ssyncset.done $0x0  }
0xc0: {  	[sflag:s15] =	ssyncadd.s32 $0xFFFFC000  }
0xc1: {  	[spmem:s3] =	stream.indirect.scatter.add.f32 [tilespmem:s13], [sflag:$0x3], $0x80, s11, s12, $0xb8;
	[tilespmem:$0x1CC00] =	vst v63  }
0xc2: {  	_ =	swait.ge [sflag:s10], $0x4000  }
0xc3: {  	[sflag:s10] =	ssyncset.done $0x0  }
0xc4: {  	s9 =	rddreg [dreg:$0x6];
	[sflag:s10] =	ssyncadd.s32 $0xFFFFC000  }
0xc5: {  	[tilespmem:s13], [sflag:$0x1] =	stream.indirect.gather [hbm4b:s2+s12], $0x80, s9, s12, $0xb8;
	[tilespmem:$0x1CC00] =	vst v63  }
0xc6: {  	_ =	swait.ge [sflag:s16], $0x4000  }
0xc7: {  	[sflag:s16] =	ssyncset.done $0x0  }
0xc8: {  	s9 =	rddreg [dreg:$0x7];
	[sflag:s16] =	ssyncadd.s32 $0xFFFFC000  }
0xc9: {  	[spmem:s3] =	stream.indirect.scatter.add.f32 [tilespmem:s14], [sflag:$0x3], $0x80, s9, s12, $0xb8;
	[tilespmem:$0x1CC00] =	vst v63  }
0xca: {  	_ =	swait.ge [sflag:s10], $0x4000  }
0xcb: {  	[sflag:s10] =	ssyncset.done $0x0  }
0xcc: {  	s9 =	rddreg [dreg:$0x8];
	[sflag:s10] =	ssyncadd.s32 $0xFFFFC000  }
0xcd: {  	[tilespmem:s14], [sflag:$0x2] =	stream.indirect.gather [hbm4b:s2+s12], $0x80, s9, s12, $0xb8;
	[tilespmem:$0x1CC00] =	vst v63  }
0xce: {  	_ =	swait.ge [sflag:s15], $0x4000  }
0xcf: {  	[sflag:s15] =	ssyncset.done $0x0  }
0xd0: {  	s9 =	rddreg [dreg:$0x9];
	[sflag:s15] =	ssyncadd.s32 $0xFFFFC000  }
0xd1: {  	[spmem:s3] =	stream.indirect.scatter.add.f32 [tilespmem:s13], [sflag:$0x3], $0x80, s9, s12, $0xb8;
	[tilespmem:$0x1CC00] =	vst v63  }
0xd2: {  	_ =	swait.ge [sflag:s10], $0x4000  }
0xd3: {  	[sflag:s10] =	ssyncset.done $0x0  }
0xd4: {  	s9 =	rddreg [dreg:$0xa];
	[sflag:s10] =	ssyncadd.s32 $0xFFFFC000  }
0xd5: {  	[tilespmem:s13], [sflag:$0x1] =	stream.indirect.gather [hbm4b:s2+s12], $0x80, s9, s12, $0xb8;
	[tilespmem:$0x1CC00] =	vst v63  }
0xd6: {  	_ =	swait.ge [sflag:s16], $0x4000  }
0xd7: {  	[sflag:s16] =	ssyncset.done $0x0  }
0xd8: {  	s9 =	rddreg [dreg:$0xb];
	[sflag:s16] =	ssyncadd.s32 $0xFFFFC000  }
0xd9: {  	[spmem:s3] =	stream.indirect.scatter.add.f32 [tilespmem:s14], [sflag:$0x3], $0x80, s9, s12, $0xb8;
	[tilespmem:$0x1CC00] =	vst v63  }
0xda: {  	_ =	swait.ge [sflag:s10], $0x4000  }
0xdb: {  	[sflag:s10] =	ssyncset.done $0x0  }
0xdc: {  	s9 =	rddreg [dreg:$0xc];
	[sflag:s10] =	ssyncadd.s32 $0xFFFFC000  }
0xdd: {  	[tilespmem:s14], [sflag:$0x2] =	stream.indirect.gather [hbm4b:s2+s12], $0x80, s9, s12, $0xb8;
	[tilespmem:$0x1CC00] =	vst v63  }
0xde: {  	_ =	swait.ge [sflag:s15], $0x4000  }
0xdf: {  	[sflag:s15] =	ssyncset.done $0x0  }
0xe0: {  	s9 =	rddreg [dreg:$0xd];
	[sflag:s15] =	ssyncadd.s32 $0xFFFFC000  }
0xe1: {  	[spmem:s3] =	stream.indirect.scatter.add.f32 [tilespmem:s13], [sflag:$0x3], $0x80, s9, s12, $0xb8;
	[tilespmem:$0x1CC00] =	vst v63  }
0xe2: {  	_ =	swait.ge [sflag:s10], $0x4000  }
0xe3: {  	[sflag:s10] =	ssyncset.done $0x0  }
0xe4: {  	s9 =	rddreg [dreg:$0xe];
	[sflag:s10] =	ssyncadd.s32 $0xFFFFC000  }
0xe5: {  	[tilespmem:s13], [sflag:$0x1] =	stream.indirect.gather [hbm4b:s2+s12], $0x80, s9, s12, $0xb8;
	[tilespmem:$0x1CC00] =	vst v63  }
0xe6: {  	_ =	swait.ge [sflag:s16], $0x4000  }
0xe7: {  	[sflag:s16] =	ssyncset.done $0x0  }
0xe8: {  	s9 =	rddreg [dreg:$0xf];
	[sflag:s16] =	ssyncadd.s32 $0xFFFFC000  }
0xe9: {  	[spmem:s3] =	stream.indirect.scatter.add.f32 [tilespmem:s14], [sflag:$0x3], $0x80, s9, s12, $0xb8;
	[tilespmem:$0x1CC00] =	vst v63  }
0xea: {  	_ =	swait.ge [sflag:s10], $0x4000  }
0xeb: {  	[sflag:s10] =	ssyncset.done $0x0  }
0xec: {  	s9 =	rddreg [dreg:$0x10];
	[sflag:s10] =	ssyncadd.s32 $0xFFFFC000  }
0xed: {  	[tilespmem:s14], [sflag:$0x2] =	stream.indirect.gather [hbm4b:s2+s12], $0x80, s9, s12, $0xb8;
	[tilespmem:$0x1CC00] =	vst v63  }
0xee: {  	_ =	swait.ge [sflag:s15], $0x4000  }
0xef: {  	[sflag:s15] =	ssyncset.done $0x0  }
0xf0: {  	s9 =	rddreg [dreg:$0x11];
	[sflag:s15] =	ssyncadd.s32 $0xFFFFC000  }
0xf1: {  	[spmem:s3] =	stream.indirect.scatter.add.f32 [tilespmem:s13], [sflag:$0x3], $0x80, s9, s12, $0xb8;
	[tilespmem:$0x1CC00] =	vst v63  }
0xf2: {  	_ =	swait.ge [sflag:s10], $0x4000  }
0xf3: {  	[sflag:s10] =	ssyncset.done $0x0  }
0xf4: {  	[sflag:s10] =	ssyncadd.s32 $0xFFFFC000  }
0xf5: {  	[tilespmem:s13], [sflag:$0x1] =	stream.indirect.gather [hbm4b:s2+s12], $0x80, s17, s12, $0xb8;
	[tilespmem:$0x1CC00] =	vst v63  }
0xf6: {  	_ =	swait.ge [sflag:s16], $0x4000  }
0xf7: {  	[sflag:s16] =	ssyncset.done $0x0  }
0xf8: {  	[sflag:s16] =	ssyncadd.s32 $0xFFFFC000  }
0xf9: {  	[spmem:s3] =	stream.indirect.scatter.add.f32 [tilespmem:s14], [sflag:$0x3], $0x80, s18, s12, $0xb8;
	[tilespmem:$0x1CC00] =	vst v63  }
0xfa: {  	_ =	swait.ge [sflag:s10], $0x4000  }
0xfb: {  	[sflag:s10] =	ssyncset.done $0x0  }
0xfc: {  	[sflag:s10] =	ssyncadd.s32 $0xFFFFC000  }
0xfd: {  	[tilespmem:s14], [sflag:$0x2] =	stream.indirect.gather [hbm4b:s2+s12], $0x80, s19, s12, $0xb8;
	[tilespmem:$0x1CC00] =	vst v63  }
0xfe: {  	_ =	swait.ge [sflag:s15], $0x4000  }
0xff: {  	[sflag:s15] =	ssyncset.done $0x0  }
0x100: {  	[sflag:s15] =	ssyncadd.s32 $0xFFFFC000  }
0x101: {  	[spmem:s3] =	stream.indirect.scatter.add.f32 [tilespmem:s13], [sflag:$0x3], $0x80, s20, s12, $0xb8;
	[tilespmem:$0x1CC00] =	vst v63  }
0x102: {  	_ =	swait.ge [sflag:s10], $0x4000  }
0x103: {  	[sflag:s10] =	ssyncset.done $0x0  }
0x104: {  	[sflag:s10] =	ssyncadd.s32 $0xFFFFC000  }
0x105: {  	[tilespmem:s13], [sflag:$0x1] =	stream.indirect.gather [hbm4b:s2+s12], $0x80, s21, s12, $0xb8;
	[tilespmem:$0x1CC00] =	vst v63  }
0x106: {  	_ =	swait.ge [sflag:s16], $0x4000  }
0x107: {  	[sflag:s16] =	ssyncset.done $0x0  }
0x108: {  	[sflag:s16] =	ssyncadd.s32 $0xFFFFC000  }
0x109: {  	[spmem:s3] =	stream.indirect.scatter.add.f32 [tilespmem:s14], [sflag:$0x3], $0x80, s22, s12, $0xb8;
	[tilespmem:$0x1CC00] =	vst v63  }
0x10a: {  	_ =	swait.ge [sflag:s10], $0x4000  }
0x10b: {  	[sflag:s10] =	ssyncset.done $0x0  }
0x10c: {  	[sflag:s10] =	ssyncadd.s32 $0xFFFFC000  }
0x10d: {  	[tilespmem:s14], [sflag:$0x2] =	stream.indirect.gather [hbm4b:s2+s12], $0x80, s23, s12, $0xb8;
	[tilespmem:$0x1CC00] =	vst v63  }
0x10e: {  	_ =	swait.ge [sflag:s15], $0x4000  }
0x10f: {  	[sflag:s15] =	ssyncset.done $0x0  }
0x110: {  	[sflag:s15] =	ssyncadd.s32 $0xFFFFC000  }
0x111: {  	[spmem:s3] =	stream.indirect.scatter.add.f32 [tilespmem:s13], [sflag:$0x3], $0x80, s24, s12, $0xb8;
	[tilespmem:$0x1CC00] =	vst v63  }
0x112: {  	_ =	swait.ge [sflag:s10], $0x4000  }
0x113: {  	[sflag:s10] =	ssyncset.done $0x0  }
0x114: {  	[sflag:s10] =	ssyncadd.s32 $0xFFFFC000  }
0x115: {  	[tilespmem:s13], [sflag:$0x1] =	stream.indirect.gather [hbm4b:s2+s12], $0x80, s25, s12, $0xb8;
	[tilespmem:$0x1CC00] =	vst v63  }
0x116: {  	_ =	swait.ge [sflag:s16], $0x4000  }
0x117: {  	[sflag:s16] =	ssyncset.done $0x0  }
0x118: {  	[sflag:s16] =	ssyncadd.s32 $0xFFFFC000  }
0x119: {  	[spmem:s3] =	stream.indirect.scatter.add.f32 [tilespmem:s14], [sflag:$0x3], $0x80, s26, s12, $0xb8;
	[tilespmem:$0x1CC00] =	vst v63  }
0x11a: {  	_ =	swait.ge [sflag:s10], $0x4000  }
0x11b: {  	[sflag:s10] =	ssyncset.done $0x0  }
0x11c: {  	[sflag:s10] =	ssyncadd.s32 $0xFFFFC000  }
0x11d: {  	[tilespmem:s14], [sflag:$0x2] =	stream.indirect.gather [hbm4b:s2+s12], $0x80, s28, s12, $0xb8;
	[tilespmem:$0x1CC00] =	vst v63  }
0x11e: {  	_ =	swait.ge [sflag:s15], $0x4000  }
0x11f: {  	[sflag:s15] =	ssyncset.done $0x0  }
0x120: {  	[sflag:s15] =	ssyncadd.s32 $0xFFFFC000  }
0x121: {  	[spmem:s3] =	stream.indirect.scatter.add.f32 [tilespmem:s13], [sflag:$0x3], $0x80, s29, s12, $0xb8;
	[tilespmem:$0x1CC00] =	vst v63  }
0x122: {  	_ =	swait.ge [sflag:s10], $0x4000  }
0x123: {  	[sflag:s10] =	ssyncset.done $0x0  }
0x124: {  	[sflag:s10] =	ssyncadd.s32 $0xFFFFC000  }
0x125: {  	[tilespmem:s13], [sflag:$0x1] =	stream.indirect.gather [hbm4b:s2+s12], $0x80, s30, s12, $0xb8;
	[tilespmem:$0x1CC00] =	vst v63  }
0x126: {  	_ =	swait.ge [sflag:s16], $0x4000  }
0x127: {  	[sflag:s16] =	ssyncset.done $0x0  }
0x128: {  	[sflag:s16] =	ssyncadd.s32 $0xFFFFC000  }
0x129: {  	[spmem:s3] =	stream.indirect.scatter.add.f32 [tilespmem:s14], [sflag:$0x3], $0x80, s31, s12, $0xb8;
	[tilespmem:$0x1CC00] =	vst v63  }
0x12a: {  	_ =	swait.ge [sflag:s10], $0x4000  }
0x12b: {  	[sflag:s10] =	ssyncset.done $0x0  }
0x12c: {  	[sflag:s10] =	ssyncadd.s32 $0xFFFFC000  }
0x12d: {  	[tilespmem:s14], [sflag:$0x2] =	stream.indirect.gather [hbm4b:s2+s12], $0x80, s0, s12, $0xb8;
	[tilespmem:$0x1CC00] =	vst v63  }
0x12e: {  	_ =	swait.ge [sflag:s15], $0x4000  }
0x12f: {  	[sflag:s15] =	ssyncset.done $0x0  }
0x130: {  	[sflag:s15] =	ssyncadd.s32 $0xFFFFC000  }
0x131: {  	[spmem:s3] =	stream.indirect.scatter.add.f32 [tilespmem:s13], [sflag:$0x3], $0x80, s1, s12, $0xb8;
	[tilespmem:$0x1CC00] =	vst v63  }
0x132: {  	_ =	swait.ge [sflag:s10], $0x4000  }
0x133: {  	[sflag:s10] =	ssyncset.done $0x0  }
0x134: {  	[sflag:s10] =	ssyncadd.s32 $0xFFFFC000  }
0x135: {  	p0 =	sne.s32 s6, $0x400;
	_ =	swait.ge [sflag:s16], $0x4000  }
.Ltmp0:
0x136: {  	[sflag:s16] =	ssyncset.done $0x0;
	(pc) =	sbr.rel @p0 .LBB2_2-.Ltmp0, $4  }
0x137: {  	[sflag:s16] =	ssyncadd.s32 $0xFFFFC000  }
0x138: {  	[spmem:s3] =	stream.indirect.scatter.add.f32 [tilespmem:s14], [sflag:$0x3], $0x80, s5, s12, $0xb8;
	[tilespmem:$0x1CC00] =	vst v63  }
0x139: {  	s7 =	smov.u32 s6;
	s6 =	sadd.s32 $0x100, s6;
	_ =	swait.ge [sflag:s10], $0x4000  }
0x13a: {  	s8 =	smov.u32 s7;
	s9 =	rddreg [dreg:$0x5];
	[sflag:s10] =	ssyncset.done $0x0  }
0x13b: {  	[sflag:s10] =	ssyncadd.s32 $0xFFFFC000;
	s6 =	sadd.s32 s8, s9  }
0x13c: {  	[tilespmem:s4], [sflag:$0x3] =	stream.linear.gather [hbm4b:s6+s4], $0x800, $0x38;
	[tilespmem:$0x1CC00] =	vst v63  }
0x13d: {  	_ =	swait.ge [sflag:s10], $0x800  }
0x13e: {  	s7 =	rddreg [dreg:$0x4];
	[sflag:s10] =	ssyncset.done $0x0  }
0x13f: {  	s6 =	sadd.s32 s8, s7;
	[sflag:s10] =	ssyncadd.s32 $0xFFFFF800  }
0x140: {  	[tilespmem:s11], [sflag:$0x3] =	stream.linear.gather [hbm4b:s6+s4], $0x800, $0x38;
	[tilespmem:$0x1CC00] =	vst v63  }
0x141: {  	_ =	swait.ge [sflag:s10], $0x800  }
0x142: {  	[sflag:s10] =	ssyncset.done $0x0  }
0x143: {  	[sflag:s10] =	ssyncadd.s32 $0xFFFFF800  }
0x144: {  	[tilespmem:s13], [sflag:$0x1] =	stream.indirect.gather [hbm4b:s2+s12], $0x80, s4, s12, $0xb8;
	[tilespmem:$0x1CC00] =	vst v63  }
0x145: {  	_ = 	snop  }
0x146: {  	[tilespmem:s14], [sflag:$0x2] =	stream.indirect.gather [hbm4b:s2+s12], $0x80, s12, s12, $0xb8;
	[tilespmem:$0x1CC00] =	vst v63  }
0x147: {  	_ =	swait.ge [sflag:s15], $0x4000  }
0x148: {  	[sflag:s15] =	ssyncset.done $0x0  }
0x149: {  	[sflag:s15] =	ssyncadd.s32 $0xFFFFC000  }
0x14a: {  	[spmem:s3] =	stream.indirect.scatter.add.f32 [tilespmem:s13], [sflag:$0x3], $0x80, s11, s12, $0xb8;
	[tilespmem:$0x1CC00] =	vst v63  }
0x14b: {  	_ =	swait.ge [sflag:s10], $0x4000  }
0x14c: {  	[sflag:s10] =	ssyncset.done $0x0  }
0x14d: {  	s9 =	rddreg [dreg:$0x6];
	[sflag:s10] =	ssyncadd.s32 $0xFFFFC000  }
0x14e: {  	[tilespmem:s13], [sflag:$0x1] =	stream.indirect.gather [hbm4b:s2+s12], $0x80, s9, s12, $0xb8;
	[tilespmem:$0x1CC00] =	vst v63  }
0x14f: {  	_ =	swait.ge [sflag:s16], $0x4000  }
0x150: {  	[sflag:s16] =	ssyncset.done $0x0  }
0x151: {  	s7 =	rddreg [dreg:$0x7];
	[sflag:s16] =	ssyncadd.s32 $0xFFFFC000  }
0x152: {  	[spmem:s3] =	stream.indirect.scatter.add.f32 [tilespmem:s14], [sflag:$0x3], $0x80, s7, s12, $0xb8;
	[tilespmem:$0x1CC00] =	vst v63  }
0x153: {  	_ =	swait.ge [sflag:s10], $0x4000  }
0x154: {  	[sflag:s10] =	ssyncset.done $0x0  }
0x155: {  	s8 =	rddreg [dreg:$0x8];
	[sflag:s10] =	ssyncadd.s32 $0xFFFFC000  }
0x156: {  	[tilespmem:s14], [sflag:$0x2] =	stream.indirect.gather [hbm4b:s2+s12], $0x80, s8, s12, $0xb8;
	[tilespmem:$0x1CC00] =	vst v63  }
0x157: {  	_ =	swait.ge [sflag:s15], $0x4000  }
0x158: {  	[sflag:s15] =	ssyncset.done $0x0  }
0x159: {  	s9 =	rddreg [dreg:$0x9];
	[sflag:s15] =	ssyncadd.s32 $0xFFFFC000  }
0x15a: {  	[spmem:s3] =	stream.indirect.scatter.add.f32 [tilespmem:s13], [sflag:$0x3], $0x80, s9, s12, $0xb8;
	[tilespmem:$0x1CC00] =	vst v63  }
0x15b: {  	_ =	swait.ge [sflag:s10], $0x4000  }
0x15c: {  	[sflag:s10] =	ssyncset.done $0x0  }
0x15d: {  	s7 =	rddreg [dreg:$0xa];
	[sflag:s10] =	ssyncadd.s32 $0xFFFFC000  }
0x15e: {  	[tilespmem:s13], [sflag:$0x1] =	stream.indirect.gather [hbm4b:s2+s12], $0x80, s7, s12, $0xb8;
	[tilespmem:$0x1CC00] =	vst v63  }
0x15f: {  	_ =	swait.ge [sflag:s16], $0x4000  }
0x160: {  	[sflag:s16] =	ssyncset.done $0x0  }
0x161: {  	s8 =	rddreg [dreg:$0xb];
	[sflag:s16] =	ssyncadd.s32 $0xFFFFC000  }
0x162: {  	[spmem:s3] =	stream.indirect.scatter.add.f32 [tilespmem:s14], [sflag:$0x3], $0x80, s8, s12, $0xb8;
	[tilespmem:$0x1CC00] =	vst v63  }
0x163: {  	_ =	swait.ge [sflag:s10], $0x4000  }
0x164: {  	[sflag:s10] =	ssyncset.done $0x0  }
0x165: {  	s9 =	rddreg [dreg:$0xc];
	[sflag:s10] =	ssyncadd.s32 $0xFFFFC000  }
0x166: {  	[tilespmem:s14], [sflag:$0x2] =	stream.indirect.gather [hbm4b:s2+s12], $0x80, s9, s12, $0xb8;
	[tilespmem:$0x1CC00] =	vst v63  }
0x167: {  	_ =	swait.ge [sflag:s15], $0x4000  }
0x168: {  	[sflag:s15] =	ssyncset.done $0x0  }
0x169: {  	s7 =	rddreg [dreg:$0xd];
	[sflag:s15] =	ssyncadd.s32 $0xFFFFC000  }
0x16a: {  	[spmem:s3] =	stream.indirect.scatter.add.f32 [tilespmem:s13], [sflag:$0x3], $0x80, s7, s12, $0xb8;
	[tilespmem:$0x1CC00] =	vst v63  }
0x16b: {  	_ =	swait.ge [sflag:s10], $0x4000  }
0x16c: {  	[sflag:s10] =	ssyncset.done $0x0  }
0x16d: {  	s8 =	rddreg [dreg:$0xe];
	[sflag:s10] =	ssyncadd.s32 $0xFFFFC000  }
0x16e: {  	[tilespmem:s13], [sflag:$0x1] =	stream.indirect.gather [hbm4b:s2+s12], $0x80, s8, s12, $0xb8;
	[tilespmem:$0x1CC00] =	vst v63  }
0x16f: {  	_ =	swait.ge [sflag:s16], $0x4000  }
0x170: {  	[sflag:s16] =	ssyncset.done $0x0  }
0x171: {  	s9 =	rddreg [dreg:$0xf];
	[sflag:s16] =	ssyncadd.s32 $0xFFFFC000  }
0x172: {  	[spmem:s3] =	stream.indirect.scatter.add.f32 [tilespmem:s14], [sflag:$0x3], $0x80, s9, s12, $0xb8;
	[tilespmem:$0x1CC00] =	vst v63  }
0x173: {  	_ =	swait.ge [sflag:s10], $0x4000  }
0x174: {  	[sflag:s10] =	ssyncset.done $0x0  }
0x175: {  	s7 =	rddreg [dreg:$0x10];
	[sflag:s10] =	ssyncadd.s32 $0xFFFFC000  }
0x176: {  	[tilespmem:s14], [sflag:$0x2] =	stream.indirect.gather [hbm4b:s2+s12], $0x80, s7, s12, $0xb8;
	[tilespmem:$0x1CC00] =	vst v63  }
0x177: {  	_ =	swait.ge [sflag:s15], $0x4000  }
0x178: {  	[sflag:s15] =	ssyncset.done $0x0  }
0x179: {  	s8 =	rddreg [dreg:$0x11];
	[sflag:s15] =	ssyncadd.s32 $0xFFFFC000  }
0x17a: {  	[spmem:s3] =	stream.indirect.scatter.add.f32 [tilespmem:s13], [sflag:$0x3], $0x80, s8, s12, $0xb8;
	[tilespmem:$0x1CC00] =	vst v63  }
0x17b: {  	_ =	swait.ge [sflag:s10], $0x4000  }
0x17c: {  	[sflag:s10] =	ssyncset.done $0x0  }
0x17d: {  	[sflag:s10] =	ssyncadd.s32 $0xFFFFC000  }
0x17e: {  	[tilespmem:s13], [sflag:$0x1] =	stream.indirect.gather [hbm4b:s2+s12], $0x80, s17, s12, $0xb8;
	[tilespmem:$0x1CC00] =	vst v63  }
0x17f: {  	_ =	swait.ge [sflag:s16], $0x4000  }
0x180: {  	[sflag:s16] =	ssyncset.done $0x0  }
0x181: {  	[sflag:s16] =	ssyncadd.s32 $0xFFFFC000  }
0x182: {  	[spmem:s3] =	stream.indirect.scatter.add.f32 [tilespmem:s14], [sflag:$0x3], $0x80, s18, s12, $0xb8;
	[tilespmem:$0x1CC00] =	vst v63  }
0x183: {  	_ =	swait.ge [sflag:s10], $0x4000  }
0x184: {  	[sflag:s10] =	ssyncset.done $0x0  }
0x185: {  	[sflag:s10] =	ssyncadd.s32 $0xFFFFC000  }
0x186: {  	[tilespmem:s14], [sflag:$0x2] =	stream.indirect.gather [hbm4b:s2+s12], $0x80, s19, s12, $0xb8;
	[tilespmem:$0x1CC00] =	vst v63  }
0x187: {  	_ =	swait.ge [sflag:s15], $0x4000  }
0x188: {  	[sflag:s15] =	ssyncset.done $0x0  }
0x189: {  	[sflag:s15] =	ssyncadd.s32 $0xFFFFC000  }
0x18a: {  	[spmem:s3] =	stream.indirect.scatter.add.f32 [tilespmem:s13], [sflag:$0x3], $0x80, s20, s12, $0xb8;
	[tilespmem:$0x1CC00] =	vst v63  }
0x18b: {  	_ =	swait.ge [sflag:s10], $0x4000  }
0x18c: {  	[sflag:s10] =	ssyncset.done $0x0  }
0x18d: {  	[sflag:s10] =	ssyncadd.s32 $0xFFFFC000  }
0x18e: {  	[tilespmem:s13], [sflag:$0x1] =	stream.indirect.gather [hbm4b:s2+s12], $0x80, s21, s12, $0xb8;
	[tilespmem:$0x1CC00] =	vst v63  }
0x18f: {  	_ =	swait.ge [sflag:s16], $0x4000  }
0x190: {  	[sflag:s16] =	ssyncset.done $0x0  }
0x191: {  	[sflag:s16] =	ssyncadd.s32 $0xFFFFC000  }
0x192: {  	[spmem:s3] =	stream.indirect.scatter.add.f32 [tilespmem:s14], [sflag:$0x3], $0x80, s22, s12, $0xb8;
	[tilespmem:$0x1CC00] =	vst v63  }
0x193: {  	_ =	swait.ge [sflag:s10], $0x4000  }
0x194: {  	[sflag:s10] =	ssyncset.done $0x0  }
0x195: {  	[sflag:s10] =	ssyncadd.s32 $0xFFFFC000  }
0x196: {  	[tilespmem:s14], [sflag:$0x2] =	stream.indirect.gather [hbm4b:s2+s12], $0x80, s23, s12, $0xb8;
	[tilespmem:$0x1CC00] =	vst v63  }
0x197: {  	_ =	swait.ge [sflag:s15], $0x4000  }
0x198: {  	[sflag:s15] =	ssyncset.done $0x0  }
0x199: {  	[sflag:s15] =	ssyncadd.s32 $0xFFFFC000  }
0x19a: {  	[spmem:s3] =	stream.indirect.scatter.add.f32 [tilespmem:s13], [sflag:$0x3], $0x80, s24, s12, $0xb8;
	[tilespmem:$0x1CC00] =	vst v63  }
0x19b: {  	_ =	swait.ge [sflag:s10], $0x4000  }
0x19c: {  	[sflag:s10] =	ssyncset.done $0x0  }
0x19d: {  	[sflag:s10] =	ssyncadd.s32 $0xFFFFC000  }
0x19e: {  	[tilespmem:s13], [sflag:$0x1] =	stream.indirect.gather [hbm4b:s2+s12], $0x80, s25, s12, $0xb8;
	[tilespmem:$0x1CC00] =	vst v63  }
0x19f: {  	_ =	swait.ge [sflag:s16], $0x4000  }
0x1a0: {  	[sflag:s16] =	ssyncset.done $0x0  }
0x1a1: {  	[sflag:s16] =	ssyncadd.s32 $0xFFFFC000  }
0x1a2: {  	[spmem:s3] =	stream.indirect.scatter.add.f32 [tilespmem:s14], [sflag:$0x3], $0x80, s26, s12, $0xb8;
	[tilespmem:$0x1CC00] =	vst v63  }
0x1a3: {  	_ =	swait.ge [sflag:s10], $0x4000  }
0x1a4: {  	[sflag:s10] =	ssyncset.done $0x0  }
0x1a5: {  	[sflag:s10] =	ssyncadd.s32 $0xFFFFC000  }
0x1a6: {  	[tilespmem:s14], [sflag:$0x2] =	stream.indirect.gather [hbm4b:s2+s12], $0x80, s28, s12, $0xb8;
	[tilespmem:$0x1CC00] =	vst v63  }
0x1a7: {  	_ =	swait.ge [sflag:s15], $0x4000  }
0x1a8: {  	[sflag:s15] =	ssyncset.done $0x0  }
0x1a9: {  	[sflag:s15] =	ssyncadd.s32 $0xFFFFC000  }
0x1aa: {  	[spmem:s3] =	stream.indirect.scatter.add.f32 [tilespmem:s13], [sflag:$0x3], $0x80, s29, s12, $0xb8;
	[tilespmem:$0x1CC00] =	vst v63  }
0x1ab: {  	_ =	swait.ge [sflag:s10], $0x4000  }
0x1ac: {  	[sflag:s10] =	ssyncset.done $0x0  }
0x1ad: {  	[sflag:s10] =	ssyncadd.s32 $0xFFFFC000  }
0x1ae: {  	[tilespmem:s13], [sflag:$0x1] =	stream.indirect.gather [hbm4b:s2+s12], $0x80, s30, s12, $0xb8;
	[tilespmem:$0x1CC00] =	vst v63  }
0x1af: {  	_ =	swait.ge [sflag:s16], $0x4000  }
0x1b0: {  	[sflag:s16] =	ssyncset.done $0x0  }
0x1b1: {  	[sflag:s16] =	ssyncadd.s32 $0xFFFFC000  }
0x1b2: {  	[spmem:s3] =	stream.indirect.scatter.add.f32 [tilespmem:s14], [sflag:$0x3], $0x80, s31, s12, $0xb8;
	[tilespmem:$0x1CC00] =	vst v63  }
0x1b3: {  	_ =	swait.ge [sflag:s10], $0x4000  }
0x1b4: {  	[sflag:s10] =	ssyncset.done $0x0  }
0x1b5: {  	[sflag:s10] =	ssyncadd.s32 $0xFFFFC000  }
0x1b6: {  	[tilespmem:s14], [sflag:$0x2] =	stream.indirect.gather [hbm4b:s2+s12], $0x80, s0, s12, $0xb8;
	[tilespmem:$0x1CC00] =	vst v63  }
0x1b7: {  	_ =	swait.ge [sflag:s15], $0x4000  }
0x1b8: {  	[sflag:s15] =	ssyncset.done $0x0  }
0x1b9: {  	[sflag:s15] =	ssyncadd.s32 $0xFFFFC000  }
0x1ba: {  	[spmem:s3] =	stream.indirect.scatter.add.f32 [tilespmem:s13], [sflag:$0x3], $0x80, s1, s12, $0xb8;
	[tilespmem:$0x1CC00] =	vst v63  }
0x1bb: {  	_ =	swait.ge [sflag:s10], $0x4000  }
0x1bc: {  	[sflag:s10] =	ssyncset.done $0x0  }
0x1bd: {  	[sflag:s10] =	ssyncadd.s32 $0xFFFFC000  }
0x1be: {  	_ =	swait.ge [sflag:s16], $0x4000  }
0x1bf: {  	[sflag:s16] =	ssyncset.done $0x0  }
0x1c0: {  	[sflag:s16] =	ssyncadd.s32 $0xFFFFC000  }
0x1c1: {  	[spmem:s3] =	stream.indirect.scatter.add.f32 [tilespmem:s14], [sflag:$0x3], $0x80, s5, s12, $0xb8;
	[tilespmem:$0x1CC00] =	vst v63  }
0x1c2: {  	_ =	swait.ge [sflag:s10], $0x4000  }
0x1c3: {  	[sflag:s10] =	ssyncset.done $0x0  }
0x1c4: {  	[sflag:s10] =	ssyncadd.s32 $0xFFFFC000  }
0x1c5: {  	[bflag:$0x0] =	sbarrier.arrive $0xFFFF  }
0x1c6: {  	s7 =	rddreg [dreg:$0x13]  }
0x1c7: {  	s9 =	rddreg [dreg:$0x14]  }
0x1c8: {  	s8 =	rddreg [dreg:$0x16]  }
0x1c9: {  	[hbm:s9], [sflag:s7] =	dma.local [spmem:s8], $0x2780  }
0x1ca: {  	_ =	swait.ge [sflag:s10], $0x2780  }
0x1cb: {  	s6 =	rddreg [dreg:$0x17]  }
0x1cc: {  	s9 =	sadd.s32 $0x1, s6;
	s6 =	rddreg [dreg:$0x15]  }
0x1cd: {  	p0 =	sne.s32 s9, s6  }
.Ltmp1:
0x1ce: {  	_ = 	snop;
	(pc) =	sbr.rel @p0 .LBB2_1-.Ltmp1, $3  }
0x1cf: {  	_ =	sdelay $0x1  }
0x1d0: {  	[sflag:s10] =	ssyncset.done $0x0  }
0x1d1: {  	[sflag:s10] =	ssyncadd.s32 $0xFFFFD880  }
0x1d2: {  	_ =	sfence.sel $0x180000  }
0x1d3: {  	[bflag:$0x0] =	sbarrier.arrive $0xFFFF  }
0x1d4: {  	_ =	strace $0x9000004A  }
0x1d5: {  	s0 =	stileid.u32;
	[bflag:$0x2] =	sbarrier.arrive $0xFFFF  }
0x1d6: {  	p0 =	sne.s32 s0, $0x0;
	s0 =	rddreg [dreg:$0x3]  }
0x1d7: {  	s0 =	sadd.s32 @!p0 $0x100000, s0  }
0x1d8: {  	[sflag:s0] =	ssyncadd.tile.s32 @!p0 $0x1;
	_ =	shalt  }
.Lfunc_end2:
_tile_overlayer_lowered:
.L_overlay_start_2:
0x1d9: {  	(tag) =	ssettag $0x2  }
0x1da: {  	s0 =	rddreg [dreg:$0x0];
	s2 =	stileid.u32  }
0x1db: {  	s1 =	rddreg [dreg:$0x1];
	p0 =	sne.s32 s2, $0x0  }
0x1dc: {  	s3 =	rddreg [dreg:$0x2];
	[bflag:$0x3] =	sbarrier.arrive $0xFFFF;
	s2 =	simm.s32 @!p0 $0x1C03  }
0x1dd: {  	[timem:s3], [sflag:s2] =	dma.local @!p0 [hbm:s0], s1  }
0x1de: {  	s0 =	simm.s32 @!p0 $0x3  }
0x1df: {  	_ =	swait.ge @!p0 [sflag:s0], s1  }
0x1e0: {  	s1 =	ssub.s32 @!p0 $0x0, s1;
	[sflag:s0] =	ssyncset.done @!p0 $0x0  }
0x1e1: {  	[sflag:s0] =	ssyncadd.s32 @!p0 s1  }
0x1e2: {  	[bflag:$0x3] =	sbarrier.arrive $0xFFFF  }
0x1e3: {  	_ =	shalt  }

// kernel: kernel.14.cloned.1.call-start
scs
__scs_entry_jumppad:
0x0: {  	(pc) =	sbr.rel $0x88, $3  }
0x1: {  	(tag) =	ssettag $0x0;
	lr =	simm.s32 $0x1  }
0x2: {  	[smem:$0x3F9B] =	sst lr;
	_ =	strace $0xD0000000  }
0x3: {  	_ = 	snop  }
0x4: {  	_ = 	snop  }
0x5: {  	_ = 	snop  }
0x6: {  	_ = 	snop  }
0x7: {  	_ = 	snop  }
__scs_overlays_trampoline_lowered:
0x8: {  	[smem:$0x3FAA] =	sst s0  }
0x9: {  	[smem:$0x3FAB] =	sst s1  }
0xa: {  	[smem:$0x3FAC] =	sst s2  }
0xb: {  	[smem:$0x3FAD] =	sst s3  }
0xc: {  	[smem:$0x3FAE] =	sst s4  }
0xd: {  	[smem:$0x3FAF] =	sst s5  }
0xe: {  	[smem:$0x3FB0] =	sst s6  }
0xf: {  	[smem:$0x3FB1] =	sst s7  }
0x10: {  	[smem:$0x3FB2] =	sst s8  }
0x11: {  	[smem:$0x3FB3] =	sst s9;
	s0 =	simm.s32 @!p0 $0x0  }
0x12: {  	s1 =	sld [smem:$0x3F99];
	s0 =	simm.s32 @p0 $0x1  }
0x13: {  	[smem:$0x3FB4] =	sst s0;
	s0 =	simm.s32 @!p1 $0x0  }
0x14: {  	s2 =	sld [smem:$0x3F98];
	s0 =	simm.s32 @p1 $0x1  }
0x15: {  	[smem:$0x3FB5] =	sst s0;
	s0 =	simm.s32 @!p2 $0x0  }
0x16: {  	s3 =	sld [smem:$0x3FDB];
	s0 =	simm.s32 @p2 $0x1  }
0x17: {  	s4 =	simm.s32 $0x1BF5;
	[smem:$0x3FB7] =	sst s0  }
0x18: {  	s0 =	sld [smem:$0x3F9A];
	_ =	swait.ge [sflag:s4], $0x0  }
0x19: {  	s7 =	sld [smem:$0x3F9B]  }
0x1a: {  	s8 =	sadd.s32 $0xFFFFE003, lr  }
0x1b: {  	s9 =	sadd.s32 $0xFFFFFEF7, lr;
	s5 =	simm.s32 $0xFFFFFFFF;
	p2 =	slt.u32 s8, $0xFFFFF086  }
0x1c: {  	p1 =	slt.u32 s9, $0xF7A;
	s5 =	simm.s32 @!p2 $0x0  }
0x1d: {  	s5 =	simm.s32 @p1 $0x1;
	p0 =	seq.s32 s7, s2  }
0x1e: {  	s7 =	smul.u32 @!p0 $0xF7A, s2;
	p2 =	seq.s32 @!p0 s5, $0x0  }
0x1f: {  	s9 =	smul.u32 $0xF7A, s1;
	s8 =	simm.s32 @!p0 $0x1BF5;
	p2 =	por !p2, p0  }
0x20: {  	[sflag:s8] =	ssyncset.s32 @!p0 $0xFFFFF086;
	s6 =	sadd.s32 @!p0 s3, s7;
	s7 =	simm.s32 @!p0 $0x108  }
0x21: {  	s3 =	sadd.s32 s3, s9;
	s6 =	sadd.s32 @!p0 $0x88, s6;
	s7 =	simm.s32 @p2 $0x1082  }
0x22: {  	[simem:s7], [sflag:s8] =	dma.local @!p0 [hbm:s6], $0xF7A  }
0x23: {  	s9 =	sor.u32 $0xD0000000, s2;
	s6 =	simm.s32 $0x108;
	_ =	swait.ge @!p0 [sflag:s8], $0x0  }
0x24: {  	s3 =	sadd.s32 $0x88, s3;
	s6 =	simm.s32 @!p1 $0x1082;
	[sflag:s4] =	ssyncset.s32 $0xFFFFF086  }
0x25: {  	[simem:s6], [sflag:s4] =	dma.local [hbm:s3], $0xF7A  }
0x26: {  	[smem:$0x3F9B] =	sst s1;
	(tag) =	ssettag s2;
	_ =	strace s9  }
0x27: {  	s1 =	sld [smem:$0x3FAB]  }
0x28: {  	s2 =	sld [smem:$0x3FAC]  }
0x29: {  	s4 =	sld [smem:$0x3FAE]  }
0x2a: {  	p0 =	seq.s32 s5, $0x0;
	s5 =	sld [smem:$0x3FAF]  }
0x2b: {  	s6 =	sld [smem:$0x3FB0]  }
0x2c: {  	s7 =	sld [smem:$0x3FB1]  }
0x2d: {  	s3 =	simm.s32 $0x108;
	s8 =	sld [smem:$0x3FB2]  }
0x2e: {  	s3 =	simm.s32 @!p0 $0x1082;
	s9 =	sld [smem:$0x3FB3]  }
0x2f: {  	lr =	sadd.s32 s0, s3;
	s0 =	sld [smem:$0x3FAA]  }
0x30: {  	s3 =	sld [smem:$0x3FAD]  }
0x31: {  	[smem:$0x3FB6] =	sst s10  }
0x32: {  	s10 =	sld [smem:$0x3FB4];
	_ =	sdelay $0x3  }
0x33: {  	p0 =	seq.s32 s10, $0x1;
	s10 =	sld [smem:$0x3FB6];
	_ =	sdelay $0x3  }
0x34: {  	[smem:$0x3FB6] =	sst s10  }
0x35: {  	s10 =	sld [smem:$0x3FB5];
	_ =	sdelay $0x3  }
0x36: {  	p1 =	seq.s32 s10, $0x1;
	s10 =	sld [smem:$0x3FB6];
	_ =	sdelay $0x3  }
0x37: {  	[smem:$0x3FB6] =	sst s10  }
0x38: {  	s10 =	sld [smem:$0x3FB7]  }
0x39: {  	_ = 	snop;
	(pc) =	sbr.ind lr, $3  }
0x3a: {  	_ = 	snop  }
0x3b: {  	_ = 	snop  }
0x3c: {  	p2 =	seq.s32 s10, $0x1;
	s10 =	sld [smem:$0x3FB6]  }
0x3d: {  	_ =	shalt  }
0x3e: {  	_ =	shalt  }
0x3f: {  	_ =	shalt  }
0x40: {  	_ =	shalt  }
0x41: {  	_ =	shalt  }
0x42: {  	_ =	shalt  }
0x43: {  	_ =	shalt  }
0x44: {  	_ =	shalt  }
0x45: {  	_ =	shalt  }
0x46: {  	_ =	shalt  }
0x47: {  	_ =	shalt  }
0x48: {  	_ =	shalt  }
0x49: {  	_ =	shalt  }
0x4a: {  	_ =	shalt  }
0x4b: {  	_ =	shalt  }
0x4c: {  	_ =	shalt  }
0x4d: {  	_ =	shalt  }
0x4e: {  	_ =	shalt  }
0x4f: {  	_ =	shalt  }
0x50: {  	_ =	shalt  }
0x51: {  	_ =	shalt  }
0x52: {  	_ =	shalt  }
0x53: {  	_ =	shalt  }
0x54: {  	_ =	shalt  }
0x55: {  	_ =	shalt  }
0x56: {  	_ =	shalt  }
0x57: {  	_ =	shalt  }
0x58: {  	_ =	shalt  }
0x59: {  	_ =	shalt  }
0x5a: {  	_ =	shalt  }
0x5b: {  	_ =	shalt  }
0x5c: {  	_ =	shalt  }
0x5d: {  	_ =	shalt  }
0x5e: {  	_ =	shalt  }
0x5f: {  	_ =	shalt  }
0x60: {  	_ =	shalt  }
0x61: {  	_ =	shalt  }
0x62: {  	_ =	shalt  }
0x63: {  	_ =	shalt  }
0x64: {  	_ =	shalt  }
0x65: {  	_ =	shalt  }
0x66: {  	_ =	shalt  }
0x67: {  	_ =	shalt  }
0x68: {  	_ =	shalt  }
0x69: {  	_ =	shalt  }
0x6a: {  	_ =	shalt  }
0x6b: {  	_ =	shalt  }
0x6c: {  	_ =	shalt  }
0x6d: {  	_ =	shalt  }
0x6e: {  	_ =	shalt  }
0x6f: {  	_ =	shalt  }
0x70: {  	_ =	shalt  }
0x71: {  	_ =	shalt  }
0x72: {  	_ =	shalt  }
0x73: {  	_ =	shalt  }
0x74: {  	_ =	shalt  }
0x75: {  	_ =	shalt  }
0x76: {  	_ =	shalt  }
0x77: {  	_ =	shalt  }
0x78: {  	_ =	shalt  }
0x79: {  	_ =	shalt  }
0x7a: {  	_ =	shalt  }
0x7b: {  	_ =	shalt  }
0x7c: {  	_ =	shalt  }
0x7d: {  	_ =	shalt  }
0x7e: {  	_ =	shalt  }
0x7f: {  	_ =	shalt  }
0x80: {  	_ =	shalt  }
0x81: {  	_ =	shalt  }
0x82: {  	_ =	shalt  }
0x83: {  	_ =	shalt  }
0x84: {  	_ =	shalt  }
0x85: {  	_ =	shalt  }
0x86: {  	_ =	shalt  }
0x87: {  	_ =	shalt  }
.Lfunc_end0:
.L_simem_size_0:
called_computation.2_lowered:
.L_overlay_start_0:
0x88: {  	s2 =	sld [smem:$0x3FD9]  }
0x89: {  	s3 =	sld [smem:$0x3FFE];
	_ =	sdelay $0x1  }
0x8a: {  	s1 =	srdreg.scid  }
0x8b: {  	s0 =	sand.u32 $0x1, s1  }
0x8c: {  	s17 =	sshll.u32 s0, $0xA;
	s2 =	sadd.s32 s3, s2  }
0x8d: {  	s2 =	sadd.s32 s2, s17  }
0x8e: {  	[smem:$0x3FC2] =	sst s2  }
0x8f: {  	_ = 	snop  }
0x90: {  	s2 =	sld [smem:$0x3FD0];
	(tm) =	ssettm $0x1  }
0x91: {  	s18 =	sld [smem:$0x3FFB];
	_ =	sdelay $0x3  }
0x92: {  	_ =	strace s18  }
0x93: {  	s3 =	sld [smem:$0x3FFC];
	_ =	sdelay $0x3  }
0x94: {  	_ =	strace s3  }
0x95: {  	s3 =	sld [smem:$0x3FFD];
	_ =	sdelay $0x3  }
0x96: {  	_ =	strace s3  }
0x97: {  	_ =	strace $0x8FFFFFFF  }
0x98: {  	s19 =	sld [smem:$0x3FDB];
	_ =	sdelay $0x1  }
0x99: {  	s4 =	simm.s32 $_scs_section_size  }
0x9a: {  	s5 =	simm.s32 $_size__tile_overlayer_lowered;
	s6 =	simm.s32 $_tile_overlayer_lowered  }
0x9b: {  	s22 =	simm.s32 $0x1BFF;
	s21 =	sshll.u32 s6, $0x1;
	s3 =	sadd.s32 s4, s19  }
0x9c: {  	s7 =	simm.s32 $0x0;
	s20 =	sshll.u32 s5, $0x1;
	s5 =	sadd.s32 s21, s3  }
0x9d: {  	[timem:s7], [sflag:s22] =	dma.local [hbm:s5], s20  }
0x9e: {  	_ =	swait.ge [sflag:s22], s20  }
0x9f: {  	s4 =	ssub.s32 $0x0, s20;
	[sflag:s22] =	ssyncset.done $0x0  }
0xa0: {  	[sflag:s22] =	ssyncadd.s32 s4;
	_ =	sdelay $0x1  }
0xa1: {  	s23 =	simm.s32 $0x1B8B  }
0xa2: {  	_ =	swait.ge [sflag:s23], $0x1  }
0xa3: {  	[sflag:s23] =	ssyncset.done $0x0  }
0xa4: {  	s25 =	simm.s32 $0x1B8E;
	s24 =	sld [smem:$0x3FFE];
	[sflag:s23] =	ssyncadd.s32 $0xFFFFFFFF  }
0xa5: {  	s26 =	simm.s32 $execute0_lowered;
	[smem:$0x3FD2] =	sst s25  }
0xa6: {  	s5 =	sshll.u32 s26, $0x1;
	_ =	strace $0x8000004C;
	[dreg:$0x1] =	wrdreg $0xFFFFFFFF  }
0xa7: {  	s28 =	simm.s32 $_size_execute0_lowered;
	s3 =	sadd.s32 s3, s5;
	[dreg:$0x0] =	wrdreg $0x0  }
0xa8: {  	s5 =	sshll.u32 s28, $0x1;
	[dreg:$0x2] =	wrdreg s3  }
0xa9: {  	[dreg:$0x3] =	wrdreg s5  }
0xaa: {  	[dreg:$0x4] =	wrdreg $0xC0  }
0xab: {  	_ =	task [dreg:s7], $0x5FFFF  }
0xac: {  	[dreg:$0x1] =	wrdreg $0xFFFFFFFF  }
0xad: {  	[dreg:$0x0] =	wrdreg $0x60  }
0xae: {  	[dreg:$0x2] =	wrdreg s2  }
0xaf: {  	[dreg:$0x3] =	wrdreg s24  }
0xb0: {  	[dreg:$0x4] =	wrdreg $0x90000  }
0xb1: {  	[dreg:$0x5] =	wrdreg $0x9  }
0xb2: {  	_ =	task.clear_ibuf [dreg:s7], $0x6FFFF;
	_ =	strace $0x9000004C  }
0xb3: {  	s29 =	simm.s32 $0x9;
	_ =	strace $0x8000004E  }
0xb4: {  	_ =	swait.ge [sflag:s29], $0x1  }
0xb5: {  	[sflag:s29] =	ssyncadd.s32 $0xFFFFFFFF  }
0xb6: {  	_ =	strace $0x9000004E  }
0xb7: {  	_ =	sfence  }
0xb8: {  	s30 =	sld [smem:$0x0];
	_ =	sdelay $0x2  }
0xb9: {  	s31 =	sshll.u32 s1, $0xD;
	s1 =	sshrl.u32 s1, $0x2  }
0xba: {  	s3 =	sand.u32 $0x4000, s31;
	s1 =	sadd.s32 s1, s30  }
0xbb: {  	s0 =	sor.u32 s3, s0;
	s1 =	sshll.u32 s1, $0x11  }
0xbc: {  	s0 =	sor.u32 s1, s0  }
0xbd: {  	s0 =	sadd.s32 $0x8F2B, s0  }
0xbe: {  	[sflag:s0] =	ssyncadd.remote.s32 $0x1  }
0xbf: {  	_ =	sfence.sel $0xFFFF  }
0xc0: {  	[dreg:$0x0] =	wrdreg $0xFFFFFFFF;
	(pc) =	sbr.abs _section_cstart, $3  }
0xc1: {  	[dreg:$0x1] =	wrdreg $0xFFFFFFFF  }
0xc2: {  	_ =	task.clear_ibuf [dreg:s7], $0x2FFFF;
	_ =	strace $0x9FFFFFFF  }
0xc3: {  	(tm) =	ssettm $0x7FFFFFFF  }
tec
execute0_lowered:
.L_overlay_start_1:
0x0: {  	(tag) =	ssettag $0x1  }
0x1: {  	s2 =	rddreg [dreg:$0x0]  }
0x2: {  	s0 =	rddreg [dreg:$0x1]  }
0x3: {  	s3 =	rddreg [dreg:$0x2]  }
0x4: {  	s11 =	stileid.u32;
	s5 =	srdreg.scid;
	s4 =	simm.s32 $0x0  }
0x5: {  	s12 =	simm.s32 $0x100;
	s14 =	simm.s32 $0x880;
	s16 =	simm.s32 $0x180  }
0x6: {  	s17 =	simm.s32 $0x900;
	s18 =	simm.s32 $0x200;
	[smem:$0x7FF] =	sst s4  }
0x7: {  	s20 =	simm.s32 $0x980;
	_ =	strace $0x8000004D;
	[dreg:$0x6] =	wrdreg s12  }
0x8: {  	s21 =	simm.s32 $0x280;
	s22 =	simm.s32 $0xA00;
	[dreg:$0x7] =	wrdreg s14  }
0x9: {  	s23 =	simm.s32 $0x300;
	s24 =	simm.s32 $0xA80;
	[dreg:$0x8] =	wrdreg s16  }
0xa: {  	s25 =	simm.s32 $0x380;
	s28 =	simm.s32 $0x680;
	[dreg:$0x9] =	wrdreg s17  }
0xb: {  	s29 =	simm.s32 $0xE00;
	s30 =	simm.s32 $0x700;
	[dreg:$0xa] =	wrdreg s18  }
0xc: {  	s31 =	simm.s32 $0xE80;
	s1 =	smul.u32 $0xA00, s11;
	[dreg:$0xb] =	wrdreg s20  }
0xd: {  	s6 =	smul.u32 $0x13C00, s11;
	s5 =	sand.u32 $0x1, s5;
	[dreg:$0xc] =	wrdreg s21  }
0xe: {  	s10 =	smul.u32 $0x4F000, s11;
	s15 =	sshll.u32 s11, $0x6;
	[dreg:$0xd] =	wrdreg s22  }
0xf: {  	s11 =	simm.s32 $0x800;
	s7 =	smul.u32 $0x13C000, s5;
	[dreg:$0xe] =	wrdreg s23  }
0x10: {  	s26 =	smul.u32 $0x500, s5;
	s5 =	ssub.s32 $0x2, s5;
	[dreg:$0xf] =	wrdreg s24  }
0x11: {  	s12 =	simm.s32 $0x80;
	s14 =	simm.s32 $0x5000;
	[dreg:$0x10] =	wrdreg s25  }
0x12: {  	s16 =	simm.s32 $0x2;
	s17 =	simm.s32 $0x400;
	s18 =	simm.s32 $0xB80  }
0x13: {  	s20 =	simm.s32 $0xC00;
	s21 =	simm.s32 $0x500;
	s22 =	simm.s32 $0xC80  }
0x14: {  	s23 =	simm.s32 $0x580;
	s24 =	simm.s32 $0xD00;
	s25 =	simm.s32 $0x600  }
0x15: {  	s1 =	sadd.s32 s1, s0;
	s8 =	sshrl.u32 s6, $0x3;
	s9 =	sshrl.u32 s5, $0x1  }
0x16: {  	s6 =	sadd.s32 s6, s7;
	s8 =	sadd.s32 s8, s0;
	s1 =	sadd.s32 s26, s1  }
0x17: {  	s5 =	ssub.s32 s5, s9;
	s9 =	sshrl.u32 s10, $0x2;
	s26 =	simm.s32 $0xB00  }
0x18: {  	s6 =	sshrl.u32 s6, $0x3;
	s7 =	sadd.s32 $0x2400, s1;
	s1 =	sadd.s32 $0xC400, s1  }
0x19: {  	s10 =	sadd.s32 s9, s3;
	s13 =	sadd.s32 $0x16400, s8;
	[dreg:$0x11] =	wrdreg s26  }
0x1a: {  	s19 =	smax.u32 s5, $0x1;
	s26 =	simm.s32 $0xD80;
	[dreg:$0x4] =	wrdreg s7  }
0x1b: {  	s5 =	simm.s32 $0xF80;
	s9 =	simm.s32 $0x0;
	[dreg:$0x5] =	wrdreg s1  }
0x1c: {  	s0 =	sadd.s32 s6, s0;
	[dreg:$0x12] =	wrdreg s13;
	s7 =	sor.u32 $0x1C03, s15  }
0x1d: {  	[dreg:$0x15] =	wrdreg s19;
	s8 =	sshrl.u32 s10, $0x3;
	s10 =	simm.s32 $0x3  }
0x1e: {  	s13 =	simm.s32 $0x1000;
	s15 =	simm.s32 $0x1;
	[dreg:$0x13] =	wrdreg s7  }
0x1f: {  	s19 =	simm.s32 $0x480;
	s0 =	sadd.s32 $0x3DC00, s0;
	[dreg:$0x16] =	wrdreg s8  }
0x20: {  	s1 =	simm.s32 $0xF00;
	[dreg:$0x14] =	wrdreg s0;
	s0 =	simm.s32 $0x780  }
.LBB2_1:
0x21: {  	[dreg:$0x17] =	wrdreg s9  }
0x22: {  	s6 =	rddreg [dreg:$0x12]  }
0x23: {  	[spmem:s8], [sflag:s7] =	dma.local [hbm:s6], $0x2780  }
0x24: {  	_ =	swait.ge [sflag:s10], $0x2780  }
0x25: {  	[sflag:s10] =	ssyncset.done $0x0  }
0x26: {  	[sflag:s10] =	ssyncadd.s32 $0xFFFFD880  }
0x27: {  	[bflag:$0x0] =	sbarrier.arrive $0xFFFF  }
0x28: {  	s8 =	rddreg [dreg:$0x5]  }
0x29: {  	s6 =	sadd.s32 $0x0, s8  }
0x2a: {  	[tilespmem:s4], [sflag:$0x3] =	stream.linear.gather [hbm4b:s6+s4], $0x800, $0x38;
	[tilespmem:$0x1CC00] =	vst v63  }
0x2b: {  	_ =	swait.ge [sflag:s10], $0x800  }
0x2c: {  	s9 =	rddreg [dreg:$0x4];
	[sflag:s10] =	ssyncset.done $0x0  }
0x2d: {  	[sflag:s10] =	ssyncadd.s32 $0xFFFFF800;
	s6 =	sadd.s32 $0x0, s9  }
0x2e: {  	[tilespmem:s11], [sflag:$0x3] =	stream.linear.gather [hbm4b:s6+s4], $0x800, $0x38;
	[tilespmem:$0x1CC00] =	vst v63  }
0x2f: {  	_ =	swait.ge [sflag:s10], $0x800  }
0x30: {  	[sflag:s10] =	ssyncset.done $0x0  }
0x31: {  	[sflag:s10] =	ssyncadd.s32 $0xFFFFF800  }
0x32: {  	[tilespmem:s13], [sflag:$0x1] =	stream.indirect.gather [hbm4b:s2+s12], $0x80, s4, s12, $0xb8;
	[tilespmem:$0x1CC00] =	vst v63  }
0x33: {  	_ = 	snop  }
0x34: {  	[tilespmem:s14], [sflag:$0x2] =	stream.indirect.gather [hbm4b:s2+s12], $0x80, s12, s12, $0xb8;
	[tilespmem:$0x1CC00] =	vst v63  }
0x35: {  	_ =	swait.ge [sflag:s15], $0x4000  }
0x36: {  	[sflag:s15] =	ssyncset.done $0x0  }
0x37: {  	[sflag:s15] =	ssyncadd.s32 $0xFFFFC000  }
0x38: {  	[spmem:s3] =	stream.indirect.scatter.add.f32 [tilespmem:s13], [sflag:$0x3], $0x80, s11, s12, $0xb8;
	[tilespmem:$0x1CC00] =	vst v63  }
0x39: {  	_ =	swait.ge [sflag:s10], $0x4000  }
0x3a: {  	[sflag:s10] =	ssyncset.done $0x0  }
0x3b: {  	s7 =	rddreg [dreg:$0x6];
	[sflag:s10] =	ssyncadd.s32 $0xFFFFC000  }
0x3c: {  	[tilespmem:s13], [sflag:$0x1] =	stream.indirect.gather [hbm4b:s2+s12], $0x80, s7, s12, $0xb8;
	[tilespmem:$0x1CC00] =	vst v63  }
0x3d: {  	_ =	swait.ge [sflag:s16], $0x4000  }
0x3e: {  	[sflag:s16] =	ssyncset.done $0x0  }
0x3f: {  	s8 =	rddreg [dreg:$0x7];
	[sflag:s16] =	ssyncadd.s32 $0xFFFFC000  }
0x40: {  	[spmem:s3] =	stream.indirect.scatter.add.f32 [tilespmem:s14], [sflag:$0x3], $0x80, s8, s12, $0xb8;
	[tilespmem:$0x1CC00] =	vst v63  }
0x41: {  	_ =	swait.ge [sflag:s10], $0x4000  }
0x42: {  	[sflag:s10] =	ssyncset.done $0x0  }
0x43: {  	s9 =	rddreg [dreg:$0x8];
	[sflag:s10] =	ssyncadd.s32 $0xFFFFC000  }
0x44: {  	[tilespmem:s14], [sflag:$0x2] =	stream.indirect.gather [hbm4b:s2+s12], $0x80, s9, s12, $0xb8;
	[tilespmem:$0x1CC00] =	vst v63  }
0x45: {  	_ =	swait.ge [sflag:s15], $0x4000  }
0x46: {  	[sflag:s15] =	ssyncset.done $0x0  }
0x47: {  	s7 =	rddreg [dreg:$0x9];
	[sflag:s15] =	ssyncadd.s32 $0xFFFFC000  }
0x48: {  	[spmem:s3] =	stream.indirect.scatter.add.f32 [tilespmem:s13], [sflag:$0x3], $0x80, s7, s12, $0xb8;
	[tilespmem:$0x1CC00] =	vst v63  }
0x49: {  	_ =	swait.ge [sflag:s10], $0x4000  }
0x4a: {  	[sflag:s10] =	ssyncset.done $0x0  }
0x4b: {  	s8 =	rddreg [dreg:$0xa];
	[sflag:s10] =	ssyncadd.s32 $0xFFFFC000  }
0x4c: {  	[tilespmem:s13], [sflag:$0x1] =	stream.indirect.gather [hbm4b:s2+s12], $0x80, s8, s12, $0xb8;
	[tilespmem:$0x1CC00] =	vst v63  }
0x4d: {  	_ =	swait.ge [sflag:s16], $0x4000  }
0x4e: {  	[sflag:s16] =	ssyncset.done $0x0  }
0x4f: {  	s9 =	rddreg [dreg:$0xb];
	[sflag:s16] =	ssyncadd.s32 $0xFFFFC000  }
0x50: {  	[spmem:s3] =	stream.indirect.scatter.add.f32 [tilespmem:s14], [sflag:$0x3], $0x80, s9, s12, $0xb8;
	[tilespmem:$0x1CC00] =	vst v63  }
0x51: {  	_ =	swait.ge [sflag:s10], $0x4000  }
0x52: {  	[sflag:s10] =	ssyncset.done $0x0  }
0x53: {  	s7 =	rddreg [dreg:$0xc];
	[sflag:s10] =	ssyncadd.s32 $0xFFFFC000  }
0x54: {  	[tilespmem:s14], [sflag:$0x2] =	stream.indirect.gather [hbm4b:s2+s12], $0x80, s7, s12, $0xb8;
	[tilespmem:$0x1CC00] =	vst v63  }
0x55: {  	_ =	swait.ge [sflag:s15], $0x4000  }
0x56: {  	[sflag:s15] =	ssyncset.done $0x0  }
0x57: {  	s8 =	rddreg [dreg:$0xd];
	[sflag:s15] =	ssyncadd.s32 $0xFFFFC000  }
0x58: {  	[spmem:s3] =	stream.indirect.scatter.add.f32 [tilespmem:s13], [sflag:$0x3], $0x80, s8, s12, $0xb8;
	[tilespmem:$0x1CC00] =	vst v63  }
0x59: {  	_ =	swait.ge [sflag:s10], $0x4000  }
0x5a: {  	[sflag:s10] =	ssyncset.done $0x0  }
0x5b: {  	s9 =	rddreg [dreg:$0xe];
	[sflag:s10] =	ssyncadd.s32 $0xFFFFC000  }
0x5c: {  	[tilespmem:s13], [sflag:$0x1] =	stream.indirect.gather [hbm4b:s2+s12], $0x80, s9, s12, $0xb8;
	[tilespmem:$0x1CC00] =	vst v63  }
0x5d: {  	_ =	swait.ge [sflag:s16], $0x4000  }
0x5e: {  	[sflag:s16] =	ssyncset.done $0x0  }
0x5f: {  	s7 =	rddreg [dreg:$0xf];
	[sflag:s16] =	ssyncadd.s32 $0xFFFFC000  }
0x60: {  	[spmem:s3] =	stream.indirect.scatter.add.f32 [tilespmem:s14], [sflag:$0x3], $0x80, s7, s12, $0xb8;
	[tilespmem:$0x1CC00] =	vst v63  }
0x61: {  	_ =	swait.ge [sflag:s10], $0x4000  }
0x62: {  	[sflag:s10] =	ssyncset.done $0x0  }
0x63: {  	s8 =	rddreg [dreg:$0x10];
	[sflag:s10] =	ssyncadd.s32 $0xFFFFC000  }
0x64: {  	[tilespmem:s14], [sflag:$0x2] =	stream.indirect.gather [hbm4b:s2+s12], $0x80, s8, s12, $0xb8;
	[tilespmem:$0x1CC00] =	vst v63  }
0x65: {  	_ =	swait.ge [sflag:s15], $0x4000  }
0x66: {  	[sflag:s15] =	ssyncset.done $0x0  }
0x67: {  	s9 =	rddreg [dreg:$0x11];
	[sflag:s15] =	ssyncadd.s32 $0xFFFFC000  }
0x68: {  	[spmem:s3] =	stream.indirect.scatter.add.f32 [tilespmem:s13], [sflag:$0x3], $0x80, s9, s12, $0xb8;
	[tilespmem:$0x1CC00] =	vst v63  }
0x69: {  	_ =	swait.ge [sflag:s10], $0x4000  }
0x6a: {  	[sflag:s10] =	ssyncset.done $0x0  }
0x6b: {  	[sflag:s10] =	ssyncadd.s32 $0xFFFFC000  }
0x6c: {  	[tilespmem:s13], [sflag:$0x1] =	stream.indirect.gather [hbm4b:s2+s12], $0x80, s17, s12, $0xb8;
	[tilespmem:$0x1CC00] =	vst v63  }
0x6d: {  	_ =	swait.ge [sflag:s16], $0x4000  }
0x6e: {  	[sflag:s16] =	ssyncset.done $0x0  }
0x6f: {  	[sflag:s16] =	ssyncadd.s32 $0xFFFFC000  }
0x70: {  	[spmem:s3] =	stream.indirect.scatter.add.f32 [tilespmem:s14], [sflag:$0x3], $0x80, s18, s12, $0xb8;
	[tilespmem:$0x1CC00] =	vst v63  }
0x71: {  	_ =	swait.ge [sflag:s10], $0x4000  }
0x72: {  	[sflag:s10] =	ssyncset.done $0x0  }
0x73: {  	[sflag:s10] =	ssyncadd.s32 $0xFFFFC000  }
0x74: {  	[tilespmem:s14], [sflag:$0x2] =	stream.indirect.gather [hbm4b:s2+s12], $0x80, s19, s12, $0xb8;
	[tilespmem:$0x1CC00] =	vst v63  }
0x75: {  	_ =	swait.ge [sflag:s15], $0x4000  }
0x76: {  	[sflag:s15] =	ssyncset.done $0x0  }
0x77: {  	[sflag:s15] =	ssyncadd.s32 $0xFFFFC000  }
0x78: {  	[spmem:s3] =	stream.indirect.scatter.add.f32 [tilespmem:s13], [sflag:$0x3], $0x80, s20, s12, $0xb8;
	[tilespmem:$0x1CC00] =	vst v63  }
0x79: {  	_ =	swait.ge [sflag:s10], $0x4000  }
0x7a: {  	[sflag:s10] =	ssyncset.done $0x0  }
0x7b: {  	[sflag:s10] =	ssyncadd.s32 $0xFFFFC000  }
0x7c: {  	[tilespmem:s13], [sflag:$0x1] =	stream.indirect.gather [hbm4b:s2+s12], $0x80, s21, s12, $0xb8;
	[tilespmem:$0x1CC00] =	vst v63  }
0x7d: {  	_ =	swait.ge [sflag:s16], $0x4000  }
0x7e: {  	[sflag:s16] =	ssyncset.done $0x0  }
0x7f: {  	[sflag:s16] =	ssyncadd.s32 $0xFFFFC000  }
0x80: {  	[spmem:s3] =	stream.indirect.scatter.add.f32 [tilespmem:s14], [sflag:$0x3], $0x80, s22, s12, $0xb8;
	[tilespmem:$0x1CC00] =	vst v63  }
0x81: {  	_ =	swait.ge [sflag:s10], $0x4000  }
0x82: {  	[sflag:s10] =	ssyncset.done $0x0  }
0x83: {  	[sflag:s10] =	ssyncadd.s32 $0xFFFFC000  }
0x84: {  	[tilespmem:s14], [sflag:$0x2] =	stream.indirect.gather [hbm4b:s2+s12], $0x80, s23, s12, $0xb8;
	[tilespmem:$0x1CC00] =	vst v63  }
0x85: {  	_ =	swait.ge [sflag:s15], $0x4000  }
0x86: {  	[sflag:s15] =	ssyncset.done $0x0  }
0x87: {  	[sflag:s15] =	ssyncadd.s32 $0xFFFFC000  }
0x88: {  	[spmem:s3] =	stream.indirect.scatter.add.f32 [tilespmem:s13], [sflag:$0x3], $0x80, s24, s12, $0xb8;
	[tilespmem:$0x1CC00] =	vst v63  }
0x89: {  	_ =	swait.ge [sflag:s10], $0x4000  }
0x8a: {  	[sflag:s10] =	ssyncset.done $0x0  }
0x8b: {  	[sflag:s10] =	ssyncadd.s32 $0xFFFFC000  }
0x8c: {  	[tilespmem:s13], [sflag:$0x1] =	stream.indirect.gather [hbm4b:s2+s12], $0x80, s25, s12, $0xb8;
	[tilespmem:$0x1CC00] =	vst v63  }
0x8d: {  	_ =	swait.ge [sflag:s16], $0x4000  }
0x8e: {  	[sflag:s16] =	ssyncset.done $0x0  }
0x8f: {  	[sflag:s16] =	ssyncadd.s32 $0xFFFFC000  }
0x90: {  	[spmem:s3] =	stream.indirect.scatter.add.f32 [tilespmem:s14], [sflag:$0x3], $0x80, s26, s12, $0xb8;
	[tilespmem:$0x1CC00] =	vst v63  }
0x91: {  	_ =	swait.ge [sflag:s10], $0x4000  }
0x92: {  	[sflag:s10] =	ssyncset.done $0x0  }
0x93: {  	[sflag:s10] =	ssyncadd.s32 $0xFFFFC000  }
0x94: {  	[tilespmem:s14], [sflag:$0x2] =	stream.indirect.gather [hbm4b:s2+s12], $0x80, s28, s12, $0xb8;
	[tilespmem:$0x1CC00] =	vst v63  }
0x95: {  	_ =	swait.ge [sflag:s15], $0x4000  }
0x96: {  	[sflag:s15] =	ssyncset.done $0x0  }
0x97: {  	[sflag:s15] =	ssyncadd.s32 $0xFFFFC000  }
0x98: {  	[spmem:s3] =	stream.indirect.scatter.add.f32 [tilespmem:s13], [sflag:$0x3], $0x80, s29, s12, $0xb8;
	[tilespmem:$0x1CC00] =	vst v63  }
0x99: {  	_ =	swait.ge [sflag:s10], $0x4000  }
0x9a: {  	[sflag:s10] =	ssyncset.done $0x0  }
0x9b: {  	[sflag:s10] =	ssyncadd.s32 $0xFFFFC000  }
0x9c: {  	[tilespmem:s13], [sflag:$0x1] =	stream.indirect.gather [hbm4b:s2+s12], $0x80, s30, s12, $0xb8;
	[tilespmem:$0x1CC00] =	vst v63  }
0x9d: {  	_ =	swait.ge [sflag:s16], $0x4000  }
0x9e: {  	[sflag:s16] =	ssyncset.done $0x0  }
0x9f: {  	[sflag:s16] =	ssyncadd.s32 $0xFFFFC000  }
0xa0: {  	[spmem:s3] =	stream.indirect.scatter.add.f32 [tilespmem:s14], [sflag:$0x3], $0x80, s31, s12, $0xb8;
	[tilespmem:$0x1CC00] =	vst v63  }
0xa1: {  	_ =	swait.ge [sflag:s10], $0x4000  }
0xa2: {  	[sflag:s10] =	ssyncset.done $0x0  }
0xa3: {  	[sflag:s10] =	ssyncadd.s32 $0xFFFFC000  }
0xa4: {  	[tilespmem:s14], [sflag:$0x2] =	stream.indirect.gather [hbm4b:s2+s12], $0x80, s0, s12, $0xb8;
	[tilespmem:$0x1CC00] =	vst v63  }
0xa5: {  	_ =	swait.ge [sflag:s15], $0x4000  }
0xa6: {  	[sflag:s15] =	ssyncset.done $0x0  }
0xa7: {  	[sflag:s15] =	ssyncadd.s32 $0xFFFFC000  }
0xa8: {  	[spmem:s3] =	stream.indirect.scatter.add.f32 [tilespmem:s13], [sflag:$0x3], $0x80, s1, s12, $0xb8;
	[tilespmem:$0x1CC00] =	vst v63  }
0xa9: {  	_ =	swait.ge [sflag:s10], $0x4000  }
0xaa: {  	[sflag:s10] =	ssyncset.done $0x0  }
0xab: {  	[sflag:s10] =	ssyncadd.s32 $0xFFFFC000  }
0xac: {  	_ =	swait.ge [sflag:s16], $0x4000  }
0xad: {  	[sflag:s16] =	ssyncset.done $0x0  }
0xae: {  	[sflag:s16] =	ssyncadd.s32 $0xFFFFC000  }
0xaf: {  	[spmem:s3] =	stream.indirect.scatter.add.f32 [tilespmem:s14], [sflag:$0x3], $0x80, s5, s12, $0xb8;
	[tilespmem:$0x1CC00] =	vst v63  }
0xb0: {  	s6 =	simm.s32 $0x200;
	_ =	swait.ge [sflag:s10], $0x4000  }
0xb1: {  	s8 =	simm.s32 $0x100;
	s9 =	rddreg [dreg:$0x5];
	[sflag:s10] =	ssyncset.done $0x0  }
.LBB2_2:
0xb2: {  	[sflag:s10] =	ssyncadd.s32 $0xFFFFC000;
	s9 =	sadd.s32 s8, s9  }
0xb3: {  	[tilespmem:s4], [sflag:$0x3] =	stream.linear.gather [hbm4b:s9+s4], $0x800, $0x38;
	[tilespmem:$0x1CC00] =	vst v63  }
0xb4: {  	_ =	swait.ge [sflag:s10], $0x800  }
0xb5: {  	s9 =	rddreg [dreg:$0x4];
	[sflag:s10] =	ssyncset.done $0x0  }
0xb6: {  	[sflag:s10] =	ssyncadd.s32 $0xFFFFF800;
	s9 =	sadd.s32 s8, s9  }
0xb7: {  	[tilespmem:s11], [sflag:$0x3] =	stream.linear.gather [hbm4b:s9+s4], $0x800, $0x38;
	[tilespmem:$0x1CC00] =	vst v63  }
0xb8: {  	_ =	swait.ge [sflag:s10], $0x800  }
0xb9: {  	[sflag:s10] =	ssyncset.done $0x0  }
0xba: {  	[sflag:s10] =	ssyncadd.s32 $0xFFFFF800  }
0xbb: {  	[tilespmem:s13], [sflag:$0x1] =	stream.indirect.gather [hbm4b:s2+s12], $0x80, s4, s12, $0xb8;
	[tilespmem:$0x1CC00] =	vst v63  }
0xbc: {  	_ = 	snop  }
0xbd: {  	[tilespmem:s14], [sflag:$0x2] =	stream.indirect.gather [hbm4b:s2+s12], $0x80, s12, s12, $0xb8;
	[tilespmem:$0x1CC00] =	vst v63  }
0xbe: {  	_ =	swait.ge [sflag:s15], $0x4000  }
0xbf: {  	[sflag:s15] =	ssyncset.done $0x0  }
0xc0: {  	[sflag:s15] =	ssyncadd.s32 $0xFFFFC000  }
0xc1: {  	[spmem:s3] =	stream.indirect.scatter.add.f32 [tilespmem:s13], [sflag:$0x3], $0x80, s11, s12, $0xb8;
	[tilespmem:$0x1CC00] =	vst v63  }
0xc2: {  	_ =	swait.ge [sflag:s10], $0x4000  }
0xc3: {  	[sflag:s10] =	ssyncset.done $0x0  }
0xc4: {  	s9 =	rddreg [dreg:$0x6];
	[sflag:s10] =	ssyncadd.s32 $0xFFFFC000  }
0xc5: {  	[tilespmem:s13], [sflag:$0x1] =	stream.indirect.gather [hbm4b:s2+s12], $0x80, s9, s12, $0xb8;
	[tilespmem:$0x1CC00] =	vst v63  }
0xc6: {  	_ =	swait.ge [sflag:s16], $0x4000  }
0xc7: {  	[sflag:s16] =	ssyncset.done $0x0  }
0xc8: {  	s9 =	rddreg [dreg:$0x7];
	[sflag:s16] =	ssyncadd.s32 $0xFFFFC000  }
0xc9: {  	[spmem:s3] =	stream.indirect.scatter.add.f32 [tilespmem:s14], [sflag:$0x3], $0x80, s9, s12, $0xb8;
	[tilespmem:$0x1CC00] =	vst v63  }
0xca: {  	_ =	swait.ge [sflag:s10], $0x4000  }
0xcb: {  	[sflag:s10] =	ssyncset.done $0x0  }
0xcc: {  	s9 =	rddreg [dreg:$0x8];
	[sflag:s10] =	ssyncadd.s32 $0xFFFFC000  }
0xcd: {  	[tilespmem:s14], [sflag:$0x2] =	stream.indirect.gather [hbm4b:s2+s12], $0x80, s9, s12, $0xb8;
	[tilespmem:$0x1CC00] =	vst v63  }
0xce: {  	_ =	swait.ge [sflag:s15], $0x4000  }
0xcf: {  	[sflag:s15] =	ssyncset.done $0x0  }
0xd0: {  	s9 =	rddreg [dreg:$0x9];
	[sflag:s15] =	ssyncadd.s32 $0xFFFFC000  }
0xd1: {  	[spmem:s3] =	stream.indirect.scatter.add.f32 [tilespmem:s13], [sflag:$0x3], $0x80, s9, s12, $0xb8;
	[tilespmem:$0x1CC00] =	vst v63  }
0xd2: {  	_ =	swait.ge [sflag:s10], $0x4000  }
0xd3: {  	[sflag:s10] =	ssyncset.done $0x0  }
0xd4: {  	s9 =	rddreg [dreg:$0xa];
	[sflag:s10] =	ssyncadd.s32 $0xFFFFC000  }
0xd5: {  	[tilespmem:s13], [sflag:$0x1] =	stream.indirect.gather [hbm4b:s2+s12], $0x80, s9, s12, $0xb8;
	[tilespmem:$0x1CC00] =	vst v63  }
0xd6: {  	_ =	swait.ge [sflag:s16], $0x4000  }
0xd7: {  	[sflag:s16] =	ssyncset.done $0x0  }
0xd8: {  	s9 =	rddreg [dreg:$0xb];
	[sflag:s16] =	ssyncadd.s32 $0xFFFFC000  }
0xd9: {  	[spmem:s3] =	stream.indirect.scatter.add.f32 [tilespmem:s14], [sflag:$0x3], $0x80, s9, s12, $0xb8;
	[tilespmem:$0x1CC00] =	vst v63  }
0xda: {  	_ =	swait.ge [sflag:s10], $0x4000  }
0xdb: {  	[sflag:s10] =	ssyncset.done $0x0  }
0xdc: {  	s9 =	rddreg [dreg:$0xc];
	[sflag:s10] =	ssyncadd.s32 $0xFFFFC000  }
0xdd: {  	[tilespmem:s14], [sflag:$0x2] =	stream.indirect.gather [hbm4b:s2+s12], $0x80, s9, s12, $0xb8;
	[tilespmem:$0x1CC00] =	vst v63  }
0xde: {  	_ =	swait.ge [sflag:s15], $0x4000  }
0xdf: {  	[sflag:s15] =	ssyncset.done $0x0  }
0xe0: {  	s9 =	rddreg [dreg:$0xd];
	[sflag:s15] =	ssyncadd.s32 $0xFFFFC000  }
0xe1: {  	[spmem:s3] =	stream.indirect.scatter.add.f32 [tilespmem:s13], [sflag:$0x3], $0x80, s9, s12, $0xb8;
	[tilespmem:$0x1CC00] =	vst v63  }
0xe2: {  	_ =	swait.ge [sflag:s10], $0x4000  }
0xe3: {  	[sflag:s10] =	ssyncset.done $0x0  }
0xe4: {  	s9 =	rddreg [dreg:$0xe];
	[sflag:s10] =	ssyncadd.s32 $0xFFFFC000  }
0xe5: {  	[tilespmem:s13], [sflag:$0x1] =	stream.indirect.gather [hbm4b:s2+s12], $0x80, s9, s12, $0xb8;
	[tilespmem:$0x1CC00] =	vst v63  }
0xe6: {  	_ =	swait.ge [sflag:s16], $0x4000  }
0xe7: {  	[sflag:s16] =	ssyncset.done $0x0  }
0xe8: {  	s9 =	rddreg [dreg:$0xf];
	[sflag:s16] =	ssyncadd.s32 $0xFFFFC000  }
0xe9: {  	[spmem:s3] =	stream.indirect.scatter.add.f32 [tilespmem:s14], [sflag:$0x3], $0x80, s9, s12, $0xb8;
	[tilespmem:$0x1CC00] =	vst v63  }
0xea: {  	_ =	swait.ge [sflag:s10], $0x4000  }
0xeb: {  	[sflag:s10] =	ssyncset.done $0x0  }
0xec: {  	s9 =	rddreg [dreg:$0x10];
	[sflag:s10] =	ssyncadd.s32 $0xFFFFC000  }
0xed: {  	[tilespmem:s14], [sflag:$0x2] =	stream.indirect.gather [hbm4b:s2+s12], $0x80, s9, s12, $0xb8;
	[tilespmem:$0x1CC00] =	vst v63  }
0xee: {  	_ =	swait.ge [sflag:s15], $0x4000  }
0xef: {  	[sflag:s15] =	ssyncset.done $0x0  }
0xf0: {  	s9 =	rddreg [dreg:$0x11];
	[sflag:s15] =	ssyncadd.s32 $0xFFFFC000  }
0xf1: {  	[spmem:s3] =	stream.indirect.scatter.add.f32 [tilespmem:s13], [sflag:$0x3], $0x80, s9, s12, $0xb8;
	[tilespmem:$0x1CC00] =	vst v63  }
0xf2: {  	_ =	swait.ge [sflag:s10], $0x4000  }
0xf3: {  	[sflag:s10] =	ssyncset.done $0x0  }
0xf4: {  	[sflag:s10] =	ssyncadd.s32 $0xFFFFC000  }
0xf5: {  	[tilespmem:s13], [sflag:$0x1] =	stream.indirect.gather [hbm4b:s2+s12], $0x80, s17, s12, $0xb8;
	[tilespmem:$0x1CC00] =	vst v63  }
0xf6: {  	_ =	swait.ge [sflag:s16], $0x4000  }
0xf7: {  	[sflag:s16] =	ssyncset.done $0x0  }
0xf8: {  	[sflag:s16] =	ssyncadd.s32 $0xFFFFC000  }
0xf9: {  	[spmem:s3] =	stream.indirect.scatter.add.f32 [tilespmem:s14], [sflag:$0x3], $0x80, s18, s12, $0xb8;
	[tilespmem:$0x1CC00] =	vst v63  }
0xfa: {  	_ =	swait.ge [sflag:s10], $0x4000  }
0xfb: {  	[sflag:s10] =	ssyncset.done $0x0  }
0xfc: {  	[sflag:s10] =	ssyncadd.s32 $0xFFFFC000  }
0xfd: {  	[tilespmem:s14], [sflag:$0x2] =	stream.indirect.gather [hbm4b:s2+s12], $0x80, s19, s12, $0xb8;
	[tilespmem:$0x1CC00] =	vst v63  }
0xfe: {  	_ =	swait.ge [sflag:s15], $0x4000  }
0xff: {  	[sflag:s15] =	ssyncset.done $0x0  }
0x100: {  	[sflag:s15] =	ssyncadd.s32 $0xFFFFC000  }
0x101: {  	[spmem:s3] =	stream.indirect.scatter.add.f32 [tilespmem:s13], [sflag:$0x3], $0x80, s20, s12, $0xb8;
	[tilespmem:$0x1CC00] =	vst v63  }
0x102: {  	_ =	swait.ge [sflag:s10], $0x4000  }
0x103: {  	[sflag:s10] =	ssyncset.done $0x0  }
0x104: {  	[sflag:s10] =	ssyncadd.s32 $0xFFFFC000  }
0x105: {  	[tilespmem:s13], [sflag:$0x1] =	stream.indirect.gather [hbm4b:s2+s12], $0x80, s21, s12, $0xb8;
	[tilespmem:$0x1CC00] =	vst v63  }
0x106: {  	_ =	swait.ge [sflag:s16], $0x4000  }
0x107: {  	[sflag:s16] =	ssyncset.done $0x0  }
0x108: {  	[sflag:s16] =	ssyncadd.s32 $0xFFFFC000  }
0x109: {  	[spmem:s3] =	stream.indirect.scatter.add.f32 [tilespmem:s14], [sflag:$0x3], $0x80, s22, s12, $0xb8;
	[tilespmem:$0x1CC00] =	vst v63  }
0x10a: {  	_ =	swait.ge [sflag:s10], $0x4000  }
0x10b: {  	[sflag:s10] =	ssyncset.done $0x0  }
0x10c: {  	[sflag:s10] =	ssyncadd.s32 $0xFFFFC000  }
0x10d: {  	[tilespmem:s14], [sflag:$0x2] =	stream.indirect.gather [hbm4b:s2+s12], $0x80, s23, s12, $0xb8;
	[tilespmem:$0x1CC00] =	vst v63  }
0x10e: {  	_ =	swait.ge [sflag:s15], $0x4000  }
0x10f: {  	[sflag:s15] =	ssyncset.done $0x0  }
0x110: {  	[sflag:s15] =	ssyncadd.s32 $0xFFFFC000  }
0x111: {  	[spmem:s3] =	stream.indirect.scatter.add.f32 [tilespmem:s13], [sflag:$0x3], $0x80, s24, s12, $0xb8;
	[tilespmem:$0x1CC00] =	vst v63  }
0x112: {  	_ =	swait.ge [sflag:s10], $0x4000  }
0x113: {  	[sflag:s10] =	ssyncset.done $0x0  }
0x114: {  	[sflag:s10] =	ssyncadd.s32 $0xFFFFC000  }
0x115: {  	[tilespmem:s13], [sflag:$0x1] =	stream.indirect.gather [hbm4b:s2+s12], $0x80, s25, s12, $0xb8;
	[tilespmem:$0x1CC00] =	vst v63  }
0x116: {  	_ =	swait.ge [sflag:s16], $0x4000  }
0x117: {  	[sflag:s16] =	ssyncset.done $0x0  }
0x118: {  	[sflag:s16] =	ssyncadd.s32 $0xFFFFC000  }
0x119: {  	[spmem:s3] =	stream.indirect.scatter.add.f32 [tilespmem:s14], [sflag:$0x3], $0x80, s26, s12, $0xb8;
	[tilespmem:$0x1CC00] =	vst v63  }
0x11a: {  	_ =	swait.ge [sflag:s10], $0x4000  }
0x11b: {  	[sflag:s10] =	ssyncset.done $0x0  }
0x11c: {  	[sflag:s10] =	ssyncadd.s32 $0xFFFFC000  }
0x11d: {  	[tilespmem:s14], [sflag:$0x2] =	stream.indirect.gather [hbm4b:s2+s12], $0x80, s28, s12, $0xb8;
	[tilespmem:$0x1CC00] =	vst v63  }
0x11e: {  	_ =	swait.ge [sflag:s15], $0x4000  }
0x11f: {  	[sflag:s15] =	ssyncset.done $0x0  }
0x120: {  	[sflag:s15] =	ssyncadd.s32 $0xFFFFC000  }
0x121: {  	[spmem:s3] =	stream.indirect.scatter.add.f32 [tilespmem:s13], [sflag:$0x3], $0x80, s29, s12, $0xb8;
	[tilespmem:$0x1CC00] =	vst v63  }
0x122: {  	_ =	swait.ge [sflag:s10], $0x4000  }
0x123: {  	[sflag:s10] =	ssyncset.done $0x0  }
0x124: {  	[sflag:s10] =	ssyncadd.s32 $0xFFFFC000  }
0x125: {  	[tilespmem:s13], [sflag:$0x1] =	stream.indirect.gather [hbm4b:s2+s12], $0x80, s30, s12, $0xb8;
	[tilespmem:$0x1CC00] =	vst v63  }
0x126: {  	_ =	swait.ge [sflag:s16], $0x4000  }
0x127: {  	[sflag:s16] =	ssyncset.done $0x0  }
0x128: {  	[sflag:s16] =	ssyncadd.s32 $0xFFFFC000  }
0x129: {  	[spmem:s3] =	stream.indirect.scatter.add.f32 [tilespmem:s14], [sflag:$0x3], $0x80, s31, s12, $0xb8;
	[tilespmem:$0x1CC00] =	vst v63  }
0x12a: {  	_ =	swait.ge [sflag:s10], $0x4000  }
0x12b: {  	[sflag:s10] =	ssyncset.done $0x0  }
0x12c: {  	[sflag:s10] =	ssyncadd.s32 $0xFFFFC000  }
0x12d: {  	[tilespmem:s14], [sflag:$0x2] =	stream.indirect.gather [hbm4b:s2+s12], $0x80, s0, s12, $0xb8;
	[tilespmem:$0x1CC00] =	vst v63  }
0x12e: {  	_ =	swait.ge [sflag:s15], $0x4000  }
0x12f: {  	[sflag:s15] =	ssyncset.done $0x0  }
0x130: {  	[sflag:s15] =	ssyncadd.s32 $0xFFFFC000  }
0x131: {  	[spmem:s3] =	stream.indirect.scatter.add.f32 [tilespmem:s13], [sflag:$0x3], $0x80, s1, s12, $0xb8;
	[tilespmem:$0x1CC00] =	vst v63  }
0x132: {  	_ =	swait.ge [sflag:s10], $0x4000  }
0x133: {  	[sflag:s10] =	ssyncset.done $0x0  }
0x134: {  	[sflag:s10] =	ssyncadd.s32 $0xFFFFC000  }
0x135: {  	p0 =	sne.s32 s6, $0x400;
	_ =	swait.ge [sflag:s16], $0x4000  }
.Ltmp0:
0x136: {  	[sflag:s16] =	ssyncset.done $0x0;
	(pc) =	sbr.rel @p0 .LBB2_2-.Ltmp0, $4  }
0x137: {  	[sflag:s16] =	ssyncadd.s32 $0xFFFFC000  }
0x138: {  	[spmem:s3] =	stream.indirect.scatter.add.f32 [tilespmem:s14], [sflag:$0x3], $0x80, s5, s12, $0xb8;
	[tilespmem:$0x1CC00] =	vst v63  }
0x139: {  	s7 =	smov.u32 s6;
	s6 =	sadd.s32 $0x100, s6;
	_ =	swait.ge [sflag:s10], $0x4000  }
0x13a: {  	s8 =	smov.u32 s7;
	s9 =	rddreg [dreg:$0x5];
	[sflag:s10] =	ssyncset.done $0x0  }
0x13b: {  	[sflag:s10] =	ssyncadd.s32 $0xFFFFC000;
	s6 =	sadd.s32 s8, s9  }
0x13c: {  	[tilespmem:s4], [sflag:$0x3] =	stream.linear.gather [hbm4b:s6+s4], $0x800, $0x38;
	[tilespmem:$0x1CC00] =	vst v63  }
0x13d: {  	_ =	swait.ge [sflag:s10], $0x800  }
0x13e: {  	s7 =	rddreg [dreg:$0x4];
	[sflag:s10] =	ssyncset.done $0x0  }
0x13f: {  	s6 =	sadd.s32 s8, s7;
	[sflag:s10] =	ssyncadd.s32 $0xFFFFF800  }
0x140: {  	[tilespmem:s11], [sflag:$0x3] =	stream.linear.gather [hbm4b:s6+s4], $0x800, $0x38;
	[tilespmem:$0x1CC00] =	vst v63  }
0x141: {  	_ =	swait.ge [sflag:s10], $0x800  }
0x142: {  	[sflag:s10] =	ssyncset.done $0x0  }
0x143: {  	[sflag:s10] =	ssyncadd.s32 $0xFFFFF800  }
0x144: {  	[tilespmem:s13], [sflag:$0x1] =	stream.indirect.gather [hbm4b:s2+s12], $0x80, s4, s12, $0xb8;
	[tilespmem:$0x1CC00] =	vst v63  }
0x145: {  	_ = 	snop  }
0x146: {  	[tilespmem:s14], [sflag:$0x2] =	stream.indirect.gather [hbm4b:s2+s12], $0x80, s12, s12, $0xb8;
	[tilespmem:$0x1CC00] =	vst v63  }
0x147: {  	_ =	swait.ge [sflag:s15], $0x4000  }
0x148: {  	[sflag:s15] =	ssyncset.done $0x0  }
0x149: {  	[sflag:s15] =	ssyncadd.s32 $0xFFFFC000  }
0x14a: {  	[spmem:s3] =	stream.indirect.scatter.add.f32 [tilespmem:s13], [sflag:$0x3], $0x80, s11, s12, $0xb8;
	[tilespmem:$0x1CC00] =	vst v63  }
0x14b: {  	_ =	swait.ge [sflag:s10], $0x4000  }
0x14c: {  	[sflag:s10] =	ssyncset.done $0x0  }
0x14d: {  	s9 =	rddreg [dreg:$0x6];
	[sflag:s10] =	ssyncadd.s32 $0xFFFFC000  }
0x14e: {  	[tilespmem:s13], [sflag:$0x1] =	stream.indirect.gather [hbm4b:s2+s12], $0x80, s9, s12, $0xb8;
	[tilespmem:$0x1CC00] =	vst v63  }
0x14f: {  	_ =	swait.ge [sflag:s16], $0x4000  }
0x150: {  	[sflag:s16] =	ssyncset.done $0x0  }
0x151: {  	s7 =	rddreg [dreg:$0x7];
	[sflag:s16] =	ssyncadd.s32 $0xFFFFC000  }
0x152: {  	[spmem:s3] =	stream.indirect.scatter.add.f32 [tilespmem:s14], [sflag:$0x3], $0x80, s7, s12, $0xb8;
	[tilespmem:$0x1CC00] =	vst v63  }
0x153: {  	_ =	swait.ge [sflag:s10], $0x4000  }
0x154: {  	[sflag:s10] =	ssyncset.done $0x0  }
0x155: {  	s8 =	rddreg [dreg:$0x8];
	[sflag:s10] =	ssyncadd.s32 $0xFFFFC000  }
0x156: {  	[tilespmem:s14], [sflag:$0x2] =	stream.indirect.gather [hbm4b:s2+s12], $0x80, s8, s12, $0xb8;
	[tilespmem:$0x1CC00] =	vst v63  }
0x157: {  	_ =	swait.ge [sflag:s15], $0x4000  }
0x158: {  	[sflag:s15] =	ssyncset.done $0x0  }
0x159: {  	s9 =	rddreg [dreg:$0x9];
	[sflag:s15] =	ssyncadd.s32 $0xFFFFC000  }
0x15a: {  	[spmem:s3] =	stream.indirect.scatter.add.f32 [tilespmem:s13], [sflag:$0x3], $0x80, s9, s12, $0xb8;
	[tilespmem:$0x1CC00] =	vst v63  }
0x15b: {  	_ =	swait.ge [sflag:s10], $0x4000  }
0x15c: {  	[sflag:s10] =	ssyncset.done $0x0  }
0x15d: {  	s7 =	rddreg [dreg:$0xa];
	[sflag:s10] =	ssyncadd.s32 $0xFFFFC000  }
0x15e: {  	[tilespmem:s13], [sflag:$0x1] =	stream.indirect.gather [hbm4b:s2+s12], $0x80, s7, s12, $0xb8;
	[tilespmem:$0x1CC00] =	vst v63  }
0x15f: {  	_ =	swait.ge [sflag:s16], $0x4000  }
0x160: {  	[sflag:s16] =	ssyncset.done $0x0  }
0x161: {  	s8 =	rddreg [dreg:$0xb];
	[sflag:s16] =	ssyncadd.s32 $0xFFFFC000  }
0x162: {  	[spmem:s3] =	stream.indirect.scatter.add.f32 [tilespmem:s14], [sflag:$0x3], $0x80, s8, s12, $0xb8;
	[tilespmem:$0x1CC00] =	vst v63  }
0x163: {  	_ =	swait.ge [sflag:s10], $0x4000  }
0x164: {  	[sflag:s10] =	ssyncset.done $0x0  }
0x165: {  	s9 =	rddreg [dreg:$0xc];
	[sflag:s10] =	ssyncadd.s32 $0xFFFFC000  }
0x166: {  	[tilespmem:s14], [sflag:$0x2] =	stream.indirect.gather [hbm4b:s2+s12], $0x80, s9, s12, $0xb8;
	[tilespmem:$0x1CC00] =	vst v63  }
0x167: {  	_ =	swait.ge [sflag:s15], $0x4000  }
0x168: {  	[sflag:s15] =	ssyncset.done $0x0  }
0x169: {  	s7 =	rddreg [dreg:$0xd];
	[sflag:s15] =	ssyncadd.s32 $0xFFFFC000  }
0x16a: {  	[spmem:s3] =	stream.indirect.scatter.add.f32 [tilespmem:s13], [sflag:$0x3], $0x80, s7, s12, $0xb8;
	[tilespmem:$0x1CC00] =	vst v63  }
0x16b: {  	_ =	swait.ge [sflag:s10], $0x4000  }
0x16c: {  	[sflag:s10] =	ssyncset.done $0x0  }
0x16d: {  	s8 =	rddreg [dreg:$0xe];
	[sflag:s10] =	ssyncadd.s32 $0xFFFFC000  }
0x16e: {  	[tilespmem:s13], [sflag:$0x1] =	stream.indirect.gather [hbm4b:s2+s12], $0x80, s8, s12, $0xb8;
	[tilespmem:$0x1CC00] =	vst v63  }
0x16f: {  	_ =	swait.ge [sflag:s16], $0x4000  }
0x170: {  	[sflag:s16] =	ssyncset.done $0x0  }
0x171: {  	s9 =	rddreg [dreg:$0xf];
	[sflag:s16] =	ssyncadd.s32 $0xFFFFC000  }
0x172: {  	[spmem:s3] =	stream.indirect.scatter.add.f32 [tilespmem:s14], [sflag:$0x3], $0x80, s9, s12, $0xb8;
	[tilespmem:$0x1CC00] =	vst v63  }
0x173: {  	_ =	swait.ge [sflag:s10], $0x4000  }
0x174: {  	[sflag:s10] =	ssyncset.done $0x0  }
0x175: {  	s7 =	rddreg [dreg:$0x10];
	[sflag:s10] =	ssyncadd.s32 $0xFFFFC000  }
0x176: {  	[tilespmem:s14], [sflag:$0x2] =	stream.indirect.gather [hbm4b:s2+s12], $0x80, s7, s12, $0xb8;
	[tilespmem:$0x1CC00] =	vst v63  }
0x177: {  	_ =	swait.ge [sflag:s15], $0x4000  }
0x178: {  	[sflag:s15] =	ssyncset.done $0x0  }
0x179: {  	s8 =	rddreg [dreg:$0x11];
	[sflag:s15] =	ssyncadd.s32 $0xFFFFC000  }
0x17a: {  	[spmem:s3] =	stream.indirect.scatter.add.f32 [tilespmem:s13], [sflag:$0x3], $0x80, s8, s12, $0xb8;
	[tilespmem:$0x1CC00] =	vst v63  }
0x17b: {  	_ =	swait.ge [sflag:s10], $0x4000  }
0x17c: {  	[sflag:s10] =	ssyncset.done $0x0  }
0x17d: {  	[sflag:s10] =	ssyncadd.s32 $0xFFFFC000  }
0x17e: {  	[tilespmem:s13], [sflag:$0x1] =	stream.indirect.gather [hbm4b:s2+s12], $0x80, s17, s12, $0xb8;
	[tilespmem:$0x1CC00] =	vst v63  }
0x17f: {  	_ =	swait.ge [sflag:s16], $0x4000  }
0x180: {  	[sflag:s16] =	ssyncset.done $0x0  }
0x181: {  	[sflag:s16] =	ssyncadd.s32 $0xFFFFC000  }
0x182: {  	[spmem:s3] =	stream.indirect.scatter.add.f32 [tilespmem:s14], [sflag:$0x3], $0x80, s18, s12, $0xb8;
	[tilespmem:$0x1CC00] =	vst v63  }
0x183: {  	_ =	swait.ge [sflag:s10], $0x4000  }
0x184: {  	[sflag:s10] =	ssyncset.done $0x0  }
0x185: {  	[sflag:s10] =	ssyncadd.s32 $0xFFFFC000  }
0x186: {  	[tilespmem:s14], [sflag:$0x2] =	stream.indirect.gather [hbm4b:s2+s12], $0x80, s19, s12, $0xb8;
	[tilespmem:$0x1CC00] =	vst v63  }
0x187: {  	_ =	swait.ge [sflag:s15], $0x4000  }
0x188: {  	[sflag:s15] =	ssyncset.done $0x0  }
0x189: {  	[sflag:s15] =	ssyncadd.s32 $0xFFFFC000  }
0x18a: {  	[spmem:s3] =	stream.indirect.scatter.add.f32 [tilespmem:s13], [sflag:$0x3], $0x80, s20, s12, $0xb8;
	[tilespmem:$0x1CC00] =	vst v63  }
0x18b: {  	_ =	swait.ge [sflag:s10], $0x4000  }
0x18c: {  	[sflag:s10] =	ssyncset.done $0x0  }
0x18d: {  	[sflag:s10] =	ssyncadd.s32 $0xFFFFC000  }
0x18e: {  	[tilespmem:s13], [sflag:$0x1] =	stream.indirect.gather [hbm4b:s2+s12], $0x80, s21, s12, $0xb8;
	[tilespmem:$0x1CC00] =	vst v63  }
0x18f: {  	_ =	swait.ge [sflag:s16], $0x4000  }
0x190: {  	[sflag:s16] =	ssyncset.done $0x0  }
0x191: {  	[sflag:s16] =	ssyncadd.s32 $0xFFFFC000  }
0x192: {  	[spmem:s3] =	stream.indirect.scatter.add.f32 [tilespmem:s14], [sflag:$0x3], $0x80, s22, s12, $0xb8;
	[tilespmem:$0x1CC00] =	vst v63  }
0x193: {  	_ =	swait.ge [sflag:s10], $0x4000  }
0x194: {  	[sflag:s10] =	ssyncset.done $0x0  }
0x195: {  	[sflag:s10] =	ssyncadd.s32 $0xFFFFC000  }
0x196: {  	[tilespmem:s14], [sflag:$0x2] =	stream.indirect.gather [hbm4b:s2+s12], $0x80, s23, s12, $0xb8;
	[tilespmem:$0x1CC00] =	vst v63  }
0x197: {  	_ =	swait.ge [sflag:s15], $0x4000  }
0x198: {  	[sflag:s15] =	ssyncset.done $0x0  }
0x199: {  	[sflag:s15] =	ssyncadd.s32 $0xFFFFC000  }
0x19a: {  	[spmem:s3] =	stream.indirect.scatter.add.f32 [tilespmem:s13], [sflag:$0x3], $0x80, s24, s12, $0xb8;
	[tilespmem:$0x1CC00] =	vst v63  }
0x19b: {  	_ =	swait.ge [sflag:s10], $0x4000  }
0x19c: {  	[sflag:s10] =	ssyncset.done $0x0  }
0x19d: {  	[sflag:s10] =	ssyncadd.s32 $0xFFFFC000  }
0x19e: {  	[tilespmem:s13], [sflag:$0x1] =	stream.indirect.gather [hbm4b:s2+s12], $0x80, s25, s12, $0xb8;
	[tilespmem:$0x1CC00] =	vst v63  }
0x19f: {  	_ =	swait.ge [sflag:s16], $0x4000  }
0x1a0: {  	[sflag:s16] =	ssyncset.done $0x0  }
0x1a1: {  	[sflag:s16] =	ssyncadd.s32 $0xFFFFC000  }
0x1a2: {  	[spmem:s3] =	stream.indirect.scatter.add.f32 [tilespmem:s14], [sflag:$0x3], $0x80, s26, s12, $0xb8;
	[tilespmem:$0x1CC00] =	vst v63  }
0x1a3: {  	_ =	swait.ge [sflag:s10], $0x4000  }
0x1a4: {  	[sflag:s10] =	ssyncset.done $0x0  }
0x1a5: {  	[sflag:s10] =	ssyncadd.s32 $0xFFFFC000  }
0x1a6: {  	[tilespmem:s14], [sflag:$0x2] =	stream.indirect.gather [hbm4b:s2+s12], $0x80, s28, s12, $0xb8;
	[tilespmem:$0x1CC00] =	vst v63  }
0x1a7: {  	_ =	swait.ge [sflag:s15], $0x4000  }
0x1a8: {  	[sflag:s15] =	ssyncset.done $0x0  }
0x1a9: {  	[sflag:s15] =	ssyncadd.s32 $0xFFFFC000  }
0x1aa: {  	[spmem:s3] =	stream.indirect.scatter.add.f32 [tilespmem:s13], [sflag:$0x3], $0x80, s29, s12, $0xb8;
	[tilespmem:$0x1CC00] =	vst v63  }
0x1ab: {  	_ =	swait.ge [sflag:s10], $0x4000  }
0x1ac: {  	[sflag:s10] =	ssyncset.done $0x0  }
0x1ad: {  	[sflag:s10] =	ssyncadd.s32 $0xFFFFC000  }
0x1ae: {  	[tilespmem:s13], [sflag:$0x1] =	stream.indirect.gather [hbm4b:s2+s12], $0x80, s30, s12, $0xb8;
	[tilespmem:$0x1CC00] =	vst v63  }
0x1af: {  	_ =	swait.ge [sflag:s16], $0x4000  }
0x1b0: {  	[sflag:s16] =	ssyncset.done $0x0  }
0x1b1: {  	[sflag:s16] =	ssyncadd.s32 $0xFFFFC000  }
0x1b2: {  	[spmem:s3] =	stream.indirect.scatter.add.f32 [tilespmem:s14], [sflag:$0x3], $0x80, s31, s12, $0xb8;
	[tilespmem:$0x1CC00] =	vst v63  }
0x1b3: {  	_ =	swait.ge [sflag:s10], $0x4000  }
0x1b4: {  	[sflag:s10] =	ssyncset.done $0x0  }
0x1b5: {  	[sflag:s10] =	ssyncadd.s32 $0xFFFFC000  }
0x1b6: {  	[tilespmem:s14], [sflag:$0x2] =	stream.indirect.gather [hbm4b:s2+s12], $0x80, s0, s12, $0xb8;
	[tilespmem:$0x1CC00] =	vst v63  }
0x1b7: {  	_ =	swait.ge [sflag:s15], $0x4000  }
0x1b8: {  	[sflag:s15] =	ssyncset.done $0x0  }
0x1b9: {  	[sflag:s15] =	ssyncadd.s32 $0xFFFFC000  }
0x1ba: {  	[spmem:s3] =	stream.indirect.scatter.add.f32 [tilespmem:s13], [sflag:$0x3], $0x80, s1, s12, $0xb8;
	[tilespmem:$0x1CC00] =	vst v63  }
0x1bb: {  	_ =	swait.ge [sflag:s10], $0x4000  }
0x1bc: {  	[sflag:s10] =	ssyncset.done $0x0  }
0x1bd: {  	[sflag:s10] =	ssyncadd.s32 $0xFFFFC000  }
0x1be: {  	_ =	swait.ge [sflag:s16], $0x4000  }
0x1bf: {  	[sflag:s16] =	ssyncset.done $0x0  }
0x1c0: {  	[sflag:s16] =	ssyncadd.s32 $0xFFFFC000  }
0x1c1: {  	[spmem:s3] =	stream.indirect.scatter.add.f32 [tilespmem:s14], [sflag:$0x3], $0x80, s5, s12, $0xb8;
	[tilespmem:$0x1CC00] =	vst v63  }
0x1c2: {  	_ =	swait.ge [sflag:s10], $0x4000  }
0x1c3: {  	[sflag:s10] =	ssyncset.done $0x0  }
0x1c4: {  	[sflag:s10] =	ssyncadd.s32 $0xFFFFC000  }
0x1c5: {  	[bflag:$0x0] =	sbarrier.arrive $0xFFFF  }
0x1c6: {  	s7 =	rddreg [dreg:$0x13]  }
0x1c7: {  	s9 =	rddreg [dreg:$0x14]  }
0x1c8: {  	s8 =	rddreg [dreg:$0x16]  }
0x1c9: {  	[hbm:s9], [sflag:s7] =	dma.local [spmem:s8], $0x2780  }
0x1ca: {  	_ =	swait.ge [sflag:s10], $0x2780  }
0x1cb: {  	s6 =	rddreg [dreg:$0x17]  }
0x1cc: {  	s9 =	sadd.s32 $0x1, s6;
	s6 =	rddreg [dreg:$0x15]  }
0x1cd: {  	p0 =	sne.s32 s9, s6  }
.Ltmp1:
0x1ce: {  	_ = 	snop;
	(pc) =	sbr.rel @p0 .LBB2_1-.Ltmp1, $3  }
0x1cf: {  	_ =	sdelay $0x1  }
0x1d0: {  	[sflag:s10] =	ssyncset.done $0x0  }
0x1d1: {  	[sflag:s10] =	ssyncadd.s32 $0xFFFFD880  }
0x1d2: {  	_ =	sfence.sel $0x180000  }
0x1d3: {  	[bflag:$0x0] =	sbarrier.arrive $0xFFFF  }
0x1d4: {  	_ =	strace $0x9000004D  }
0x1d5: {  	s0 =	stileid.u32;
	[bflag:$0x2] =	sbarrier.arrive $0xFFFF  }
0x1d6: {  	p0 =	sne.s32 s0, $0x0;
	s0 =	rddreg [dreg:$0x3]  }
0x1d7: {  	s0 =	sadd.s32 @!p0 $0x100000, s0  }
0x1d8: {  	[sflag:s0] =	ssyncadd.tile.s32 @!p0 $0x1;
	_ =	shalt  }
.Lfunc_end2:
_tile_overlayer_lowered:
.L_overlay_start_2:
0x1d9: {  	(tag) =	ssettag $0x2  }
0x1da: {  	s0 =	rddreg [dreg:$0x0];
	s2 =	stileid.u32  }
0x1db: {  	s1 =	rddreg [dreg:$0x1];
	p0 =	sne.s32 s2, $0x0  }
0x1dc: {  	s3 =	rddreg [dreg:$0x2];
	[bflag:$0x3] =	sbarrier.arrive $0xFFFF;
	s2 =	simm.s32 @!p0 $0x1C03  }
0x1dd: {  	[timem:s3], [sflag:s2] =	dma.local @!p0 [hbm:s0], s1  }
0x1de: {  	s0 =	simm.s32 @!p0 $0x3  }
0x1df: {  	_ =	swait.ge @!p0 [sflag:s0], s1  }
0x1e0: {  	s1 =	ssub.s32 @!p0 $0x0, s1;
	[sflag:s0] =	ssyncset.done @!p0 $0x0  }
0x1e1: {  	[sflag:s0] =	ssyncadd.s32 @!p0 s1  }
0x1e2: {  	[bflag:$0x3] =	sbarrier.arrive $0xFFFF  }
0x1e3: {  	_ =	shalt  }

// kernel: kernel.8.cloned.1.call-start
scs
__scs_entry_jumppad:
0x0: {  	(pc) =	sbr.rel $0x88, $3  }
0x1: {  	(tag) =	ssettag $0x0;
	lr =	simm.s32 $0x1  }
0x2: {  	[smem:$0x3F9B] =	sst lr;
	_ =	strace $0xD0000000  }
0x3: {  	_ = 	snop  }
0x4: {  	_ = 	snop  }
0x5: {  	_ = 	snop  }
0x6: {  	_ = 	snop  }
0x7: {  	_ = 	snop  }
__scs_overlays_trampoline_lowered:
0x8: {  	[smem:$0x3FAA] =	sst s0  }
0x9: {  	[smem:$0x3FAB] =	sst s1  }
0xa: {  	[smem:$0x3FAC] =	sst s2  }
0xb: {  	[smem:$0x3FAD] =	sst s3  }
0xc: {  	[smem:$0x3FAE] =	sst s4  }
0xd: {  	[smem:$0x3FAF] =	sst s5  }
0xe: {  	[smem:$0x3FB0] =	sst s6  }
0xf: {  	[smem:$0x3FB1] =	sst s7  }
0x10: {  	[smem:$0x3FB2] =	sst s8  }
0x11: {  	[smem:$0x3FB3] =	sst s9;
	s0 =	simm.s32 @!p0 $0x0  }
0x12: {  	s1 =	sld [smem:$0x3F99];
	s0 =	simm.s32 @p0 $0x1  }
0x13: {  	[smem:$0x3FB4] =	sst s0;
	s0 =	simm.s32 @!p1 $0x0  }
0x14: {  	s2 =	sld [smem:$0x3F98];
	s0 =	simm.s32 @p1 $0x1  }
0x15: {  	[smem:$0x3FB5] =	sst s0;
	s0 =	simm.s32 @!p2 $0x0  }
0x16: {  	s3 =	sld [smem:$0x3FDB];
	s0 =	simm.s32 @p2 $0x1  }
0x17: {  	s4 =	simm.s32 $0x1BF5;
	[smem:$0x3FB7] =	sst s0  }
0x18: {  	s0 =	sld [smem:$0x3F9A];
	_ =	swait.ge [sflag:s4], $0x0  }
0x19: {  	s7 =	sld [smem:$0x3F9B]  }
0x1a: {  	s8 =	sadd.s32 $0xFFFFE003, lr  }
0x1b: {  	s9 =	sadd.s32 $0xFFFFFEF7, lr;
	s5 =	simm.s32 $0xFFFFFFFF;
	p2 =	slt.u32 s8, $0xFFFFF086  }
0x1c: {  	p1 =	slt.u32 s9, $0xF7A;
	s5 =	simm.s32 @!p2 $0x0  }
0x1d: {  	s5 =	simm.s32 @p1 $0x1;
	p0 =	seq.s32 s7, s2  }
0x1e: {  	s7 =	smul.u32 @!p0 $0xF7A, s2;
	p2 =	seq.s32 @!p0 s5, $0x0  }
0x1f: {  	s9 =	smul.u32 $0xF7A, s1;
	s8 =	simm.s32 @!p0 $0x1BF5;
	p2 =	por !p2, p0  }
0x20: {  	[sflag:s8] =	ssyncset.s32 @!p0 $0xFFFFF086;
	s6 =	sadd.s32 @!p0 s3, s7;
	s7 =	simm.s32 @!p0 $0x108  }
0x21: {  	s3 =	sadd.s32 s3, s9;
	s6 =	sadd.s32 @!p0 $0x88, s6;
	s7 =	simm.s32 @p2 $0x1082  }
0x22: {  	[simem:s7], [sflag:s8] =	dma.local @!p0 [hbm:s6], $0xF7A  }
0x23: {  	s9 =	sor.u32 $0xD0000000, s2;
	s6 =	simm.s32 $0x108;
	_ =	swait.ge @!p0 [sflag:s8], $0x0  }
0x24: {  	s3 =	sadd.s32 $0x88, s3;
	s6 =	simm.s32 @!p1 $0x1082;
	[sflag:s4] =	ssyncset.s32 $0xFFFFF086  }
0x25: {  	[simem:s6], [sflag:s4] =	dma.local [hbm:s3], $0xF7A  }
0x26: {  	[smem:$0x3F9B] =	sst s1;
	(tag) =	ssettag s2;
	_ =	strace s9  }
0x27: {  	s1 =	sld [smem:$0x3FAB]  }
0x28: {  	s2 =	sld [smem:$0x3FAC]  }
0x29: {  	s4 =	sld [smem:$0x3FAE]  }
0x2a: {  	p0 =	seq.s32 s5, $0x0;
	s5 =	sld [smem:$0x3FAF]  }
0x2b: {  	s6 =	sld [smem:$0x3FB0]  }
0x2c: {  	s7 =	sld [smem:$0x3FB1]  }
0x2d: {  	s3 =	simm.s32 $0x108;
	s8 =	sld [smem:$0x3FB2]  }
0x2e: {  	s3 =	simm.s32 @!p0 $0x1082;
	s9 =	sld [smem:$0x3FB3]  }
0x2f: {  	lr =	sadd.s32 s0, s3;
	s0 =	sld [smem:$0x3FAA]  }
0x30: {  	s3 =	sld [smem:$0x3FAD]  }
0x31: {  	[smem:$0x3FB6] =	sst s10  }
0x32: {  	s10 =	sld [smem:$0x3FB4];
	_ =	sdelay $0x3  }
0x33: {  	p0 =	seq.s32 s10, $0x1;
	s10 =	sld [smem:$0x3FB6];
	_ =	sdelay $0x3  }
0x34: {  	[smem:$0x3FB6] =	sst s10  }
0x35: {  	s10 =	sld [smem:$0x3FB5];
	_ =	sdelay $0x3  }
0x36: {  	p1 =	seq.s32 s10, $0x1;
	s10 =	sld [smem:$0x3FB6];
	_ =	sdelay $0x3  }
0x37: {  	[smem:$0x3FB6] =	sst s10  }
0x38: {  	s10 =	sld [smem:$0x3FB7]  }
0x39: {  	_ = 	snop;
	(pc) =	sbr.ind lr, $3  }
0x3a: {  	_ = 	snop  }
0x3b: {  	_ = 	snop  }
0x3c: {  	p2 =	seq.s32 s10, $0x1;
	s10 =	sld [smem:$0x3FB6]  }
0x3d: {  	_ =	shalt  }
0x3e: {  	_ =	shalt  }
0x3f: {  	_ =	shalt  }
0x40: {  	_ =	shalt  }
0x41: {  	_ =	shalt  }
0x42: {  	_ =	shalt  }
0x43: {  	_ =	shalt  }
0x44: {  	_ =	shalt  }
0x45: {  	_ =	shalt  }
0x46: {  	_ =	shalt  }
0x47: {  	_ =	shalt  }
0x48: {  	_ =	shalt  }
0x49: {  	_ =	shalt  }
0x4a: {  	_ =	shalt  }
0x4b: {  	_ =	shalt  }
0x4c: {  	_ =	shalt  }
0x4d: {  	_ =	shalt  }
0x4e: {  	_ =	shalt  }
0x4f: {  	_ =	shalt  }
0x50: {  	_ =	shalt  }
0x51: {  	_ =	shalt  }
0x52: {  	_ =	shalt  }
0x53: {  	_ =	shalt  }
0x54: {  	_ =	shalt  }
0x55: {  	_ =	shalt  }
0x56: {  	_ =	shalt  }
0x57: {  	_ =	shalt  }
0x58: {  	_ =	shalt  }
0x59: {  	_ =	shalt  }
0x5a: {  	_ =	shalt  }
0x5b: {  	_ =	shalt  }
0x5c: {  	_ =	shalt  }
0x5d: {  	_ =	shalt  }
0x5e: {  	_ =	shalt  }
0x5f: {  	_ =	shalt  }
0x60: {  	_ =	shalt  }
0x61: {  	_ =	shalt  }
0x62: {  	_ =	shalt  }
0x63: {  	_ =	shalt  }
0x64: {  	_ =	shalt  }
0x65: {  	_ =	shalt  }
0x66: {  	_ =	shalt  }
0x67: {  	_ =	shalt  }
0x68: {  	_ =	shalt  }
0x69: {  	_ =	shalt  }
0x6a: {  	_ =	shalt  }
0x6b: {  	_ =	shalt  }
0x6c: {  	_ =	shalt  }
0x6d: {  	_ =	shalt  }
0x6e: {  	_ =	shalt  }
0x6f: {  	_ =	shalt  }
0x70: {  	_ =	shalt  }
0x71: {  	_ =	shalt  }
0x72: {  	_ =	shalt  }
0x73: {  	_ =	shalt  }
0x74: {  	_ =	shalt  }
0x75: {  	_ =	shalt  }
0x76: {  	_ =	shalt  }
0x77: {  	_ =	shalt  }
0x78: {  	_ =	shalt  }
0x79: {  	_ =	shalt  }
0x7a: {  	_ =	shalt  }
0x7b: {  	_ =	shalt  }
0x7c: {  	_ =	shalt  }
0x7d: {  	_ =	shalt  }
0x7e: {  	_ =	shalt  }
0x7f: {  	_ =	shalt  }
0x80: {  	_ =	shalt  }
0x81: {  	_ =	shalt  }
0x82: {  	_ =	shalt  }
0x83: {  	_ =	shalt  }
0x84: {  	_ =	shalt  }
0x85: {  	_ =	shalt  }
0x86: {  	_ =	shalt  }
0x87: {  	_ =	shalt  }
.Lfunc_end0:
.L_simem_size_0:
called_computation_lowered:
.L_overlay_start_0:
0x88: {  	s2 =	sld [smem:$0x3FD9]  }
0x89: {  	s3 =	sld [smem:$0x3FFE];
	_ =	sdelay $0x1  }
0x8a: {  	s1 =	srdreg.scid  }
0x8b: {  	s0 =	sand.u32 $0x1, s1  }
0x8c: {  	s17 =	sshll.u32 s0, $0xA;
	s2 =	sadd.s32 s3, s2  }
0x8d: {  	s2 =	sadd.s32 s2, s17  }
0x8e: {  	[smem:$0x3FC2] =	sst s2  }
0x8f: {  	_ = 	snop  }
0x90: {  	s2 =	sld [smem:$0x3FD0];
	(tm) =	ssettm $0x1  }
0x91: {  	s18 =	sld [smem:$0x3FFB];
	_ =	sdelay $0x3  }
0x92: {  	_ =	strace s18  }
0x93: {  	s3 =	sld [smem:$0x3FFC];
	_ =	sdelay $0x3  }
0x94: {  	_ =	strace s3  }
0x95: {  	s3 =	sld [smem:$0x3FFD];
	_ =	sdelay $0x3  }
0x96: {  	_ =	strace s3  }
0x97: {  	_ =	strace $0x8FFFFFFF  }
0x98: {  	s19 =	sld [smem:$0x3FDB];
	_ =	sdelay $0x1  }
0x99: {  	s4 =	simm.s32 $_scs_section_size  }
0x9a: {  	s5 =	simm.s32 $_size__tile_overlayer_lowered;
	s6 =	simm.s32 $_tile_overlayer_lowered  }
0x9b: {  	s22 =	simm.s32 $0x1BFF;
	s21 =	sshll.u32 s6, $0x1;
	s3 =	sadd.s32 s4, s19  }
0x9c: {  	s7 =	simm.s32 $0x0;
	s20 =	sshll.u32 s5, $0x1;
	s5 =	sadd.s32 s21, s3  }
0x9d: {  	[timem:s7], [sflag:s22] =	dma.local [hbm:s5], s20  }
0x9e: {  	_ =	swait.ge [sflag:s22], s20  }
0x9f: {  	s4 =	ssub.s32 $0x0, s20;
	[sflag:s22] =	ssyncset.done $0x0  }
0xa0: {  	[sflag:s22] =	ssyncadd.s32 s4;
	_ =	sdelay $0x1  }
0xa1: {  	s23 =	simm.s32 $0x1B8B  }
0xa2: {  	_ =	swait.ge [sflag:s23], $0x1  }
0xa3: {  	[sflag:s23] =	ssyncset.done $0x0  }
0xa4: {  	s25 =	simm.s32 $0x1B8E;
	s24 =	sld [smem:$0x3FFE];
	[sflag:s23] =	ssyncadd.s32 $0xFFFFFFFF  }
0xa5: {  	s26 =	simm.s32 $execute0_lowered;
	[smem:$0x3FD2] =	sst s25  }
0xa6: {  	s5 =	sshll.u32 s26, $0x1;
	_ =	strace $0x80000046;
	[dreg:$0x1] =	wrdreg $0xFFFFFFFF  }
0xa7: {  	s28 =	simm.s32 $_size_execute0_lowered;
	s3 =	sadd.s32 s3, s5;
	[dreg:$0x0] =	wrdreg $0x0  }
0xa8: {  	s5 =	sshll.u32 s28, $0x1;
	[dreg:$0x2] =	wrdreg s3  }
0xa9: {  	[dreg:$0x3] =	wrdreg s5  }
0xaa: {  	[dreg:$0x4] =	wrdreg $0xC0  }
0xab: {  	_ =	task [dreg:s7], $0x5FFFF  }
0xac: {  	[dreg:$0x1] =	wrdreg $0xFFFFFFFF  }
0xad: {  	[dreg:$0x0] =	wrdreg $0x60  }
0xae: {  	[dreg:$0x2] =	wrdreg s24  }
0xaf: {  	[dreg:$0x3] =	wrdreg s2  }
0xb0: {  	[dreg:$0x4] =	wrdreg $0xB000  }
0xb1: {  	[dreg:$0x5] =	wrdreg $0x9  }
0xb2: {  	_ =	task.clear_ibuf [dreg:s7], $0x6FFFF;
	_ =	strace $0x90000046  }
0xb3: {  	s29 =	simm.s32 $0x9;
	_ =	strace $0x80000048  }
0xb4: {  	_ =	swait.ge [sflag:s29], $0x1  }
0xb5: {  	[sflag:s29] =	ssyncadd.s32 $0xFFFFFFFF  }
0xb6: {  	_ =	strace $0x90000048  }
0xb7: {  	_ =	sfence  }
0xb8: {  	s30 =	sld [smem:$0x0];
	_ =	sdelay $0x2  }
0xb9: {  	s31 =	sshll.u32 s1, $0xD;
	s1 =	sshrl.u32 s1, $0x2  }
0xba: {  	s3 =	sand.u32 $0x4000, s31;
	s1 =	sadd.s32 s1, s30  }
0xbb: {  	s0 =	sor.u32 s3, s0;
	s1 =	sshll.u32 s1, $0x11  }
0xbc: {  	s0 =	sor.u32 s1, s0  }
0xbd: {  	s0 =	sadd.s32 $0x8F2B, s0  }
0xbe: {  	[sflag:s0] =	ssyncadd.remote.s32 $0x1  }
0xbf: {  	_ =	sfence.sel $0xFFFF  }
0xc0: {  	[dreg:$0x0] =	wrdreg $0xFFFFFFFF;
	(pc) =	sbr.abs _section_cstart, $3  }
0xc1: {  	[dreg:$0x1] =	wrdreg $0xFFFFFFFF  }
0xc2: {  	_ =	task.clear_ibuf [dreg:s7], $0x2FFFF;
	_ =	strace $0x9FFFFFFF  }
0xc3: {  	(tm) =	ssettm $0x7FFFFFFF  }
tec
execute0_lowered:
.L_overlay_start_1:
0x0: {  	(tag) =	ssettag $0x1  }
0x1: {  	s0 =	rddreg [dreg:$0x0]  }
0x2: {  	s7 =	rddreg [dreg:$0x1]  }
0x3: {  	s2 =	rddreg [dreg:$0x2];
	s3 =	simm.s32 $0x0;
	s1 =	stileid.u32  }
0x4: {  	s5 =	srdreg.scid;
	s13 =	simm.s32 $0x80;
	s14 =	simm.s32 $0x100  }
0x5: {  	s15 =	simm.s32 $0x180;
	s16 =	simm.s32 $0x200;
	s17 =	simm.s32 $0x280  }
0x6: {  	s18 =	simm.s32 $0x300;
	s19 =	simm.s32 $0x380;
	s20 =	simm.s32 $0x400  }
0x7: {  	s21 =	simm.s32 $0x480;
	s22 =	simm.s32 $0x500;
	s23 =	simm.s32 $0x580  }
0x8: {  	s24 =	simm.s32 $0x600;
	s25 =	simm.s32 $0x680;
	s4 =	smul.u32 $0xA00, s1  }
0x9: {  	s28 =	simm.s32 $0x780;
	s6 =	smul.u32 $0x278, s1;
	s5 =	sand.u32 $0x1, s5  }
0xa: {  	s29 =	simm.s32 $0x0;
	[smem:$0x7FF] =	sst s3;
	s10 =	smul.u32 $0x2780, s5  }
0xb: {  	_ =	strace $0x80000047;
	s26 =	ssub.s32 $0x2, s5;
	s12 =	smul.u32 $0x500, s5  }
0xc: {  	s8 =	sadd.s32 s4, s0;
	s9 =	sshrl.u32 s6, $0x3;
	s4 =	sadd.s32 $0x16400, s0  }
0xd: {  	s11 =	sshrl.u32 s26, $0x1;
	s0 =	sadd.s32 s9, s0;
	s10 =	sadd.s32 s6, s10  }
0xe: {  	s9 =	ssub.s32 s26, s11;
	s6 =	sadd.s32 s6, s2;
	s31 =	sadd.s32 s12, s8  }
0xf: {  	s11 =	simm.s32 $0x1;
	s12 =	simm.s32 $0x800;
	s26 =	simm.s32 $0x700  }
0x10: {  	s5 =	sadd.s32 $0x16600, s0;
	s30 =	sshrl.u32 s10, $0x3;
	s8 =	smax.u32 s9, $0x1  }
0x11: {  	s9 =	sadd.s32 $0x2400, s31;
	s10 =	simm.s32 $0x880;
	s7 =	sadd.s32 s7, s30  }
.LBB2_1:
0x12: {  	[tilespmem:s10], [sflag:$0x1] =	stream.linear.gather [hbm4b:s5+s3], $0x278, $0x38;
	[tilespmem:$0xD78] =	vst v63  }
0x13: {  	_ =	swait.ge [sflag:s11], $0x278  }
0x14: {  	[sflag:s11] =	ssyncset.done $0x0  }
0x15: {  	[sflag:s11] =	ssyncadd.s32 $0xFFFFFD88  }
0x16: {  	[spmem:s6] =	stream.linear.scatter [tilespmem:s10], [sflag:$0x1], $0x278, $0x38;
	[tilespmem:$0xD78] =	vst v63  }
0x17: {  	_ =	swait.ge [sflag:s11], $0x278  }
0x18: {  	[sflag:s11] =	ssyncset.done $0x0  }
0x19: {  	[sflag:s11] =	ssyncadd.s32 $0xFFFFFD88  }
0x1a: {  	[tilespmem:s12], [sflag:$0x1] =	stream.linear.gather [hbm4b:s4+s3], $0x80, $0x38;
	[tilespmem:$0xD78] =	vst v63  }
0x1b: {  	_ =	swait.ge [sflag:s11], $0x80  }
0x1c: {  	[sflag:s11] =	ssyncset.done $0x0  }
0x1d: {  	[sflag:s11] =	ssyncadd.s32 $0xFFFFFF80  }
0x1e: {  	s0 =	sadd.s32 $0x0, s9;
	[bflag:$0x0] =	sbarrier.arrive $0xFFFF  }
0x1f: {  	[tilespmem:s3], [sflag:$0x1] =	stream.linear.gather [hbm4b:s0+s3], $0x800, $0x38;
	[tilespmem:$0xD78] =	vst v63  }
0x20: {  	_ =	swait.ge [sflag:s11], $0x800  }
0x21: {  	[sflag:s11] =	ssyncset.done $0x0  }
0x22: {  	[sflag:s11] =	ssyncadd.s32 $0xFFFFF800  }
0x23: {  	[spmem:s2] =	stream.indirect.scatter.add.f32 [tilespmem:s12], [sflag:$0x1], $0x1, s3, s13, $0xb8;
	[tilespmem:$0xD78] =	vst v63  }
0x24: {  	_ =	swait.ge [sflag:s11], $0x80  }
0x25: {  	[sflag:s11] =	ssyncset.done $0x0  }
0x26: {  	[sflag:s11] =	ssyncadd.s32 $0xFFFFFF80  }
0x27: {  	[spmem:s2] =	stream.indirect.scatter.add.f32 [tilespmem:s12], [sflag:$0x1], $0x1, s13, s13, $0xb8;
	[tilespmem:$0xD78] =	vst v63  }
0x28: {  	_ =	swait.ge [sflag:s11], $0x80  }
0x29: {  	[sflag:s11] =	ssyncset.done $0x0  }
0x2a: {  	[sflag:s11] =	ssyncadd.s32 $0xFFFFFF80  }
0x2b: {  	[spmem:s2] =	stream.indirect.scatter.add.f32 [tilespmem:s12], [sflag:$0x1], $0x1, s14, s13, $0xb8;
	[tilespmem:$0xD78] =	vst v63  }
0x2c: {  	_ =	swait.ge [sflag:s11], $0x80  }
0x2d: {  	[sflag:s11] =	ssyncset.done $0x0  }
0x2e: {  	[sflag:s11] =	ssyncadd.s32 $0xFFFFFF80  }
0x2f: {  	[spmem:s2] =	stream.indirect.scatter.add.f32 [tilespmem:s12], [sflag:$0x1], $0x1, s15, s13, $0xb8;
	[tilespmem:$0xD78] =	vst v63  }
0x30: {  	_ =	swait.ge [sflag:s11], $0x80  }
0x31: {  	[sflag:s11] =	ssyncset.done $0x0  }
0x32: {  	[sflag:s11] =	ssyncadd.s32 $0xFFFFFF80  }
0x33: {  	[spmem:s2] =	stream.indirect.scatter.add.f32 [tilespmem:s12], [sflag:$0x1], $0x1, s16, s13, $0xb8;
	[tilespmem:$0xD78] =	vst v63  }
0x34: {  	_ =	swait.ge [sflag:s11], $0x80  }
0x35: {  	[sflag:s11] =	ssyncset.done $0x0  }
0x36: {  	[sflag:s11] =	ssyncadd.s32 $0xFFFFFF80  }
0x37: {  	[spmem:s2] =	stream.indirect.scatter.add.f32 [tilespmem:s12], [sflag:$0x1], $0x1, s17, s13, $0xb8;
	[tilespmem:$0xD78] =	vst v63  }
0x38: {  	_ =	swait.ge [sflag:s11], $0x80  }
0x39: {  	[sflag:s11] =	ssyncset.done $0x0  }
0x3a: {  	[sflag:s11] =	ssyncadd.s32 $0xFFFFFF80  }
0x3b: {  	[spmem:s2] =	stream.indirect.scatter.add.f32 [tilespmem:s12], [sflag:$0x1], $0x1, s18, s13, $0xb8;
	[tilespmem:$0xD78] =	vst v63  }
0x3c: {  	_ =	swait.ge [sflag:s11], $0x80  }
0x3d: {  	[sflag:s11] =	ssyncset.done $0x0  }
0x3e: {  	[sflag:s11] =	ssyncadd.s32 $0xFFFFFF80  }
0x3f: {  	[spmem:s2] =	stream.indirect.scatter.add.f32 [tilespmem:s12], [sflag:$0x1], $0x1, s19, s13, $0xb8;
	[tilespmem:$0xD78] =	vst v63  }
0x40: {  	_ =	swait.ge [sflag:s11], $0x80  }
0x41: {  	[sflag:s11] =	ssyncset.done $0x0  }
0x42: {  	[sflag:s11] =	ssyncadd.s32 $0xFFFFFF80  }
0x43: {  	[spmem:s2] =	stream.indirect.scatter.add.f32 [tilespmem:s12], [sflag:$0x1], $0x1, s20, s13, $0xb8;
	[tilespmem:$0xD78] =	vst v63  }
0x44: {  	_ =	swait.ge [sflag:s11], $0x80  }
0x45: {  	[sflag:s11] =	ssyncset.done $0x0  }
0x46: {  	[sflag:s11] =	ssyncadd.s32 $0xFFFFFF80  }
0x47: {  	[spmem:s2] =	stream.indirect.scatter.add.f32 [tilespmem:s12], [sflag:$0x1], $0x1, s21, s13, $0xb8;
	[tilespmem:$0xD78] =	vst v63  }
0x48: {  	_ =	swait.ge [sflag:s11], $0x80  }
0x49: {  	[sflag:s11] =	ssyncset.done $0x0  }
0x4a: {  	[sflag:s11] =	ssyncadd.s32 $0xFFFFFF80  }
0x4b: {  	[spmem:s2] =	stream.indirect.scatter.add.f32 [tilespmem:s12], [sflag:$0x1], $0x1, s22, s13, $0xb8;
	[tilespmem:$0xD78] =	vst v63  }
0x4c: {  	_ =	swait.ge [sflag:s11], $0x80  }
0x4d: {  	[sflag:s11] =	ssyncset.done $0x0  }
0x4e: {  	[sflag:s11] =	ssyncadd.s32 $0xFFFFFF80  }
0x4f: {  	[spmem:s2] =	stream.indirect.scatter.add.f32 [tilespmem:s12], [sflag:$0x1], $0x1, s23, s13, $0xb8;
	[tilespmem:$0xD78] =	vst v63  }
0x50: {  	_ =	swait.ge [sflag:s11], $0x80  }
0x51: {  	[sflag:s11] =	ssyncset.done $0x0  }
0x52: {  	[sflag:s11] =	ssyncadd.s32 $0xFFFFFF80  }
0x53: {  	[spmem:s2] =	stream.indirect.scatter.add.f32 [tilespmem:s12], [sflag:$0x1], $0x1, s24, s13, $0xb8;
	[tilespmem:$0xD78] =	vst v63  }
0x54: {  	_ =	swait.ge [sflag:s11], $0x80  }
0x55: {  	[sflag:s11] =	ssyncset.done $0x0  }
0x56: {  	[sflag:s11] =	ssyncadd.s32 $0xFFFFFF80  }
0x57: {  	[spmem:s2] =	stream.indirect.scatter.add.f32 [tilespmem:s12], [sflag:$0x1], $0x1, s25, s13, $0xb8;
	[tilespmem:$0xD78] =	vst v63  }
0x58: {  	_ =	swait.ge [sflag:s11], $0x80  }
0x59: {  	[sflag:s11] =	ssyncset.done $0x0  }
0x5a: {  	[sflag:s11] =	ssyncadd.s32 $0xFFFFFF80  }
0x5b: {  	[spmem:s2] =	stream.indirect.scatter.add.f32 [tilespmem:s12], [sflag:$0x1], $0x1, s26, s13, $0xb8;
	[tilespmem:$0xD78] =	vst v63  }
0x5c: {  	_ =	swait.ge [sflag:s11], $0x80  }
0x5d: {  	[sflag:s11] =	ssyncset.done $0x0  }
0x5e: {  	[sflag:s11] =	ssyncadd.s32 $0xFFFFFF80  }
0x5f: {  	[spmem:s2] =	stream.indirect.scatter.add.f32 [tilespmem:s12], [sflag:$0x1], $0x1, s28, s13, $0xb8;
	[tilespmem:$0xD78] =	vst v63  }
0x60: {  	_ =	swait.ge [sflag:s11], $0x80  }
0x61: {  	s30 =	simm.s32 $0x100;
	s31 =	simm.s32 $0x200;
	[sflag:s11] =	ssyncset.done $0x0  }
.LBB2_2:
0x62: {  	s1 =	sadd.s32 s30, s9  }
0x63: {  	[sflag:s11] =	ssyncadd.s32 $0xFFFFFF80;
	s30 =	smov.u32 s31;
	s0 =	sadd.s32 $0x100, s31  }
0x64: {  	[tilespmem:s3], [sflag:$0x1] =	stream.linear.gather [hbm4b:s1+s3], $0x800, $0x38;
	[tilespmem:$0xD78] =	vst v63  }
0x65: {  	p0 =	sne.s32 s31, $0x400;
	_ =	swait.ge [sflag:s11], $0x800  }
0x66: {  	[sflag:s11] =	ssyncset.done $0x0  }
0x67: {  	[sflag:s11] =	ssyncadd.s32 $0xFFFFF800  }
0x68: {  	[spmem:s2] =	stream.indirect.scatter.add.f32 [tilespmem:s12], [sflag:$0x1], $0x1, s3, s13, $0xb8;
	[tilespmem:$0xD78] =	vst v63  }
0x69: {  	_ =	swait.ge [sflag:s11], $0x80  }
0x6a: {  	[sflag:s11] =	ssyncset.done $0x0  }
0x6b: {  	[sflag:s11] =	ssyncadd.s32 $0xFFFFFF80  }
0x6c: {  	[spmem:s2] =	stream.indirect.scatter.add.f32 [tilespmem:s12], [sflag:$0x1], $0x1, s13, s13, $0xb8;
	[tilespmem:$0xD78] =	vst v63  }
0x6d: {  	_ =	swait.ge [sflag:s11], $0x80  }
0x6e: {  	[sflag:s11] =	ssyncset.done $0x0  }
0x6f: {  	[sflag:s11] =	ssyncadd.s32 $0xFFFFFF80  }
0x70: {  	[spmem:s2] =	stream.indirect.scatter.add.f32 [tilespmem:s12], [sflag:$0x1], $0x1, s14, s13, $0xb8;
	[tilespmem:$0xD78] =	vst v63  }
0x71: {  	_ =	swait.ge [sflag:s11], $0x80  }
0x72: {  	[sflag:s11] =	ssyncset.done $0x0  }
0x73: {  	[sflag:s11] =	ssyncadd.s32 $0xFFFFFF80  }
0x74: {  	[spmem:s2] =	stream.indirect.scatter.add.f32 [tilespmem:s12], [sflag:$0x1], $0x1, s15, s13, $0xb8;
	[tilespmem:$0xD78] =	vst v63  }
0x75: {  	_ =	swait.ge [sflag:s11], $0x80  }
0x76: {  	[sflag:s11] =	ssyncset.done $0x0  }
0x77: {  	[sflag:s11] =	ssyncadd.s32 $0xFFFFFF80  }
0x78: {  	[spmem:s2] =	stream.indirect.scatter.add.f32 [tilespmem:s12], [sflag:$0x1], $0x1, s16, s13, $0xb8;
	[tilespmem:$0xD78] =	vst v63  }
0x79: {  	_ =	swait.ge [sflag:s11], $0x80  }
0x7a: {  	[sflag:s11] =	ssyncset.done $0x0  }
0x7b: {  	[sflag:s11] =	ssyncadd.s32 $0xFFFFFF80  }
0x7c: {  	[spmem:s2] =	stream.indirect.scatter.add.f32 [tilespmem:s12], [sflag:$0x1], $0x1, s17, s13, $0xb8;
	[tilespmem:$0xD78] =	vst v63  }
0x7d: {  	_ =	swait.ge [sflag:s11], $0x80  }
0x7e: {  	[sflag:s11] =	ssyncset.done $0x0  }
0x7f: {  	[sflag:s11] =	ssyncadd.s32 $0xFFFFFF80  }
0x80: {  	[spmem:s2] =	stream.indirect.scatter.add.f32 [tilespmem:s12], [sflag:$0x1], $0x1, s18, s13, $0xb8;
	[tilespmem:$0xD78] =	vst v63  }
0x81: {  	_ =	swait.ge [sflag:s11], $0x80  }
0x82: {  	[sflag:s11] =	ssyncset.done $0x0  }
0x83: {  	[sflag:s11] =	ssyncadd.s32 $0xFFFFFF80  }
0x84: {  	[spmem:s2] =	stream.indirect.scatter.add.f32 [tilespmem:s12], [sflag:$0x1], $0x1, s19, s13, $0xb8;
	[tilespmem:$0xD78] =	vst v63  }
0x85: {  	_ =	swait.ge [sflag:s11], $0x80  }
0x86: {  	[sflag:s11] =	ssyncset.done $0x0  }
0x87: {  	[sflag:s11] =	ssyncadd.s32 $0xFFFFFF80  }
0x88: {  	[spmem:s2] =	stream.indirect.scatter.add.f32 [tilespmem:s12], [sflag:$0x1], $0x1, s20, s13, $0xb8;
	[tilespmem:$0xD78] =	vst v63  }
0x89: {  	_ =	swait.ge [sflag:s11], $0x80  }
0x8a: {  	[sflag:s11] =	ssyncset.done $0x0  }
0x8b: {  	[sflag:s11] =	ssyncadd.s32 $0xFFFFFF80  }
0x8c: {  	[spmem:s2] =	stream.indirect.scatter.add.f32 [tilespmem:s12], [sflag:$0x1], $0x1, s21, s13, $0xb8;
	[tilespmem:$0xD78] =	vst v63  }
0x8d: {  	_ =	swait.ge [sflag:s11], $0x80  }
0x8e: {  	[sflag:s11] =	ssyncset.done $0x0  }
0x8f: {  	[sflag:s11] =	ssyncadd.s32 $0xFFFFFF80  }
0x90: {  	[spmem:s2] =	stream.indirect.scatter.add.f32 [tilespmem:s12], [sflag:$0x1], $0x1, s22, s13, $0xb8;
	[tilespmem:$0xD78] =	vst v63  }
0x91: {  	_ =	swait.ge [sflag:s11], $0x80  }
0x92: {  	[sflag:s11] =	ssyncset.done $0x0  }
0x93: {  	[sflag:s11] =	ssyncadd.s32 $0xFFFFFF80  }
0x94: {  	[spmem:s2] =	stream.indirect.scatter.add.f32 [tilespmem:s12], [sflag:$0x1], $0x1, s23, s13, $0xb8;
	[tilespmem:$0xD78] =	vst v63  }
0x95: {  	_ =	swait.ge [sflag:s11], $0x80  }
0x96: {  	[sflag:s11] =	ssyncset.done $0x0  }
0x97: {  	[sflag:s11] =	ssyncadd.s32 $0xFFFFFF80  }
0x98: {  	[spmem:s2] =	stream.indirect.scatter.add.f32 [tilespmem:s12], [sflag:$0x1], $0x1, s24, s13, $0xb8;
	[tilespmem:$0xD78] =	vst v63  }
0x99: {  	_ =	swait.ge [sflag:s11], $0x80  }
0x9a: {  	[sflag:s11] =	ssyncset.done $0x0  }
0x9b: {  	[sflag:s11] =	ssyncadd.s32 $0xFFFFFF80  }
0x9c: {  	[spmem:s2] =	stream.indirect.scatter.add.f32 [tilespmem:s12], [sflag:$0x1], $0x1, s25, s13, $0xb8;
	[tilespmem:$0xD78] =	vst v63  }
0x9d: {  	_ =	swait.ge [sflag:s11], $0x80  }
0x9e: {  	[sflag:s11] =	ssyncset.done $0x0  }
0x9f: {  	[sflag:s11] =	ssyncadd.s32 $0xFFFFFF80  }
0xa0: {  	[spmem:s2] =	stream.indirect.scatter.add.f32 [tilespmem:s12], [sflag:$0x1], $0x1, s26, s13, $0xb8;
	[tilespmem:$0xD78] =	vst v63  }
0xa1: {  	_ =	swait.ge [sflag:s11], $0x80  }
.Ltmp0:
0xa2: {  	[sflag:s11] =	ssyncset.done $0x0;
	(pc) =	sbr.rel @p0 .LBB2_2-.Ltmp0, $4  }
0xa3: {  	[sflag:s11] =	ssyncadd.s32 $0xFFFFFF80  }
0xa4: {  	[spmem:s2] =	stream.indirect.scatter.add.f32 [tilespmem:s12], [sflag:$0x1], $0x1, s28, s13, $0xb8;
	[tilespmem:$0xD78] =	vst v63  }
0xa5: {  	_ =	swait.ge [sflag:s11], $0x80  }
0xa6: {  	s31 =	smov.u32 s0;
	[sflag:s11] =	ssyncset.done $0x0  }
0xa7: {  	s0 =	sadd.s32 s30, s9;
	[sflag:s11] =	ssyncadd.s32 $0xFFFFFF80  }
0xa8: {  	[tilespmem:s3], [sflag:$0x1] =	stream.linear.gather [hbm4b:s0+s3], $0x800, $0x38;
	[tilespmem:$0xD78] =	vst v63  }
0xa9: {  	_ =	swait.ge [sflag:s11], $0x800  }
0xaa: {  	[sflag:s11] =	ssyncset.done $0x0  }
0xab: {  	[sflag:s11] =	ssyncadd.s32 $0xFFFFF800  }
0xac: {  	[spmem:s2] =	stream.indirect.scatter.add.f32 [tilespmem:s12], [sflag:$0x1], $0x1, s3, s13, $0xb8;
	[tilespmem:$0xD78] =	vst v63  }
0xad: {  	_ =	swait.ge [sflag:s11], $0x80  }
0xae: {  	[sflag:s11] =	ssyncset.done $0x0  }
0xaf: {  	[sflag:s11] =	ssyncadd.s32 $0xFFFFFF80  }
0xb0: {  	[spmem:s2] =	stream.indirect.scatter.add.f32 [tilespmem:s12], [sflag:$0x1], $0x1, s13, s13, $0xb8;
	[tilespmem:$0xD78] =	vst v63  }
0xb1: {  	_ =	swait.ge [sflag:s11], $0x80  }
0xb2: {  	[sflag:s11] =	ssyncset.done $0x0  }
0xb3: {  	[sflag:s11] =	ssyncadd.s32 $0xFFFFFF80  }
0xb4: {  	[spmem:s2] =	stream.indirect.scatter.add.f32 [tilespmem:s12], [sflag:$0x1], $0x1, s14, s13, $0xb8;
	[tilespmem:$0xD78] =	vst v63  }
0xb5: {  	_ =	swait.ge [sflag:s11], $0x80  }
0xb6: {  	[sflag:s11] =	ssyncset.done $0x0  }
0xb7: {  	[sflag:s11] =	ssyncadd.s32 $0xFFFFFF80  }
0xb8: {  	[spmem:s2] =	stream.indirect.scatter.add.f32 [tilespmem:s12], [sflag:$0x1], $0x1, s15, s13, $0xb8;
	[tilespmem:$0xD78] =	vst v63  }
0xb9: {  	_ =	swait.ge [sflag:s11], $0x80  }
0xba: {  	[sflag:s11] =	ssyncset.done $0x0  }
0xbb: {  	[sflag:s11] =	ssyncadd.s32 $0xFFFFFF80  }
0xbc: {  	[spmem:s2] =	stream.indirect.scatter.add.f32 [tilespmem:s12], [sflag:$0x1], $0x1, s16, s13, $0xb8;
	[tilespmem:$0xD78] =	vst v63  }
0xbd: {  	_ =	swait.ge [sflag:s11], $0x80  }
0xbe: {  	[sflag:s11] =	ssyncset.done $0x0  }
0xbf: {  	[sflag:s11] =	ssyncadd.s32 $0xFFFFFF80  }
0xc0: {  	[spmem:s2] =	stream.indirect.scatter.add.f32 [tilespmem:s12], [sflag:$0x1], $0x1, s17, s13, $0xb8;
	[tilespmem:$0xD78] =	vst v63  }
0xc1: {  	_ =	swait.ge [sflag:s11], $0x80  }
0xc2: {  	[sflag:s11] =	ssyncset.done $0x0  }
0xc3: {  	[sflag:s11] =	ssyncadd.s32 $0xFFFFFF80  }
0xc4: {  	[spmem:s2] =	stream.indirect.scatter.add.f32 [tilespmem:s12], [sflag:$0x1], $0x1, s18, s13, $0xb8;
	[tilespmem:$0xD78] =	vst v63  }
0xc5: {  	_ =	swait.ge [sflag:s11], $0x80  }
0xc6: {  	[sflag:s11] =	ssyncset.done $0x0  }
0xc7: {  	[sflag:s11] =	ssyncadd.s32 $0xFFFFFF80  }
0xc8: {  	[spmem:s2] =	stream.indirect.scatter.add.f32 [tilespmem:s12], [sflag:$0x1], $0x1, s19, s13, $0xb8;
	[tilespmem:$0xD78] =	vst v63  }
0xc9: {  	_ =	swait.ge [sflag:s11], $0x80  }
0xca: {  	[sflag:s11] =	ssyncset.done $0x0  }
0xcb: {  	[sflag:s11] =	ssyncadd.s32 $0xFFFFFF80  }
0xcc: {  	[spmem:s2] =	stream.indirect.scatter.add.f32 [tilespmem:s12], [sflag:$0x1], $0x1, s20, s13, $0xb8;
	[tilespmem:$0xD78] =	vst v63  }
0xcd: {  	_ =	swait.ge [sflag:s11], $0x80  }
0xce: {  	[sflag:s11] =	ssyncset.done $0x0  }
0xcf: {  	[sflag:s11] =	ssyncadd.s32 $0xFFFFFF80  }
0xd0: {  	[spmem:s2] =	stream.indirect.scatter.add.f32 [tilespmem:s12], [sflag:$0x1], $0x1, s21, s13, $0xb8;
	[tilespmem:$0xD78] =	vst v63  }
0xd1: {  	_ =	swait.ge [sflag:s11], $0x80  }
0xd2: {  	[sflag:s11] =	ssyncset.done $0x0  }
0xd3: {  	[sflag:s11] =	ssyncadd.s32 $0xFFFFFF80  }
0xd4: {  	[spmem:s2] =	stream.indirect.scatter.add.f32 [tilespmem:s12], [sflag:$0x1], $0x1, s22, s13, $0xb8;
	[tilespmem:$0xD78] =	vst v63  }
0xd5: {  	_ =	swait.ge [sflag:s11], $0x80  }
0xd6: {  	[sflag:s11] =	ssyncset.done $0x0  }
0xd7: {  	[sflag:s11] =	ssyncadd.s32 $0xFFFFFF80  }
0xd8: {  	[spmem:s2] =	stream.indirect.scatter.add.f32 [tilespmem:s12], [sflag:$0x1], $0x1, s23, s13, $0xb8;
	[tilespmem:$0xD78] =	vst v63  }
0xd9: {  	_ =	swait.ge [sflag:s11], $0x80  }
0xda: {  	[sflag:s11] =	ssyncset.done $0x0  }
0xdb: {  	[sflag:s11] =	ssyncadd.s32 $0xFFFFFF80  }
0xdc: {  	[spmem:s2] =	stream.indirect.scatter.add.f32 [tilespmem:s12], [sflag:$0x1], $0x1, s24, s13, $0xb8;
	[tilespmem:$0xD78] =	vst v63  }
0xdd: {  	_ =	swait.ge [sflag:s11], $0x80  }
0xde: {  	[sflag:s11] =	ssyncset.done $0x0  }
0xdf: {  	[sflag:s11] =	ssyncadd.s32 $0xFFFFFF80  }
0xe0: {  	[spmem:s2] =	stream.indirect.scatter.add.f32 [tilespmem:s12], [sflag:$0x1], $0x1, s25, s13, $0xb8;
	[tilespmem:$0xD78] =	vst v63  }
0xe1: {  	_ =	swait.ge [sflag:s11], $0x80  }
0xe2: {  	[sflag:s11] =	ssyncset.done $0x0  }
0xe3: {  	[sflag:s11] =	ssyncadd.s32 $0xFFFFFF80  }
0xe4: {  	[spmem:s2] =	stream.indirect.scatter.add.f32 [tilespmem:s12], [sflag:$0x1], $0x1, s26, s13, $0xb8;
	[tilespmem:$0xD78] =	vst v63  }
0xe5: {  	_ =	swait.ge [sflag:s11], $0x80  }
0xe6: {  	[sflag:s11] =	ssyncset.done $0x0  }
0xe7: {  	[sflag:s11] =	ssyncadd.s32 $0xFFFFFF80  }
0xe8: {  	[spmem:s2] =	stream.indirect.scatter.add.f32 [tilespmem:s12], [sflag:$0x1], $0x1, s28, s13, $0xb8;
	[tilespmem:$0xD78] =	vst v63  }
0xe9: {  	_ =	swait.ge [sflag:s11], $0x80  }
0xea: {  	[sflag:s11] =	ssyncset.done $0x0  }
0xeb: {  	[sflag:s11] =	ssyncadd.s32 $0xFFFFFF80  }
0xec: {  	[bflag:$0x0] =	sbarrier.arrive $0xFFFF  }
0xed: {  	[tilespmem:s10], [sflag:$0x1] =	stream.linear.gather [spmem:s6], $0x278, $0x38;
	[tilespmem:$0xD78] =	vst v63  }
0xee: {  	s29 =	sadd.s32 $0x1, s29;
	_ =	swait.ge [sflag:s11], $0x278  }
0xef: {  	p0 =	sne.s32 s29, s8;
	[sflag:s11] =	ssyncset.done $0x0  }
.Ltmp1:
0xf0: {  	[sflag:s11] =	ssyncadd.s32 $0xFFFFFD88;
	(pc) =	sbr.rel @p0 .LBB2_1-.Ltmp1, $4  }
0xf1: {  	[hbm4b:s7+s3] =	stream.linear.scatter [tilespmem:s10], [sflag:$0x1], $0x278, $0x38;
	[tilespmem:$0xD78] =	vst v63  }
0xf2: {  	_ =	swait.ge [sflag:s11], $0x278  }
0xf3: {  	[sflag:s11] =	ssyncset.done $0x0  }
0xf4: {  	[sflag:s11] =	ssyncadd.s32 $0xFFFFFD88  }
0xf5: {  	_ =	sfence.sel $0x180000  }
0xf6: {  	[bflag:$0x0] =	sbarrier.arrive $0xFFFF  }
0xf7: {  	_ =	strace $0x90000047  }
0xf8: {  	s0 =	stileid.u32;
	[bflag:$0x2] =	sbarrier.arrive $0xFFFF  }
0xf9: {  	p0 =	sne.s32 s0, $0x0;
	s0 =	rddreg [dreg:$0x3]  }
0xfa: {  	s0 =	sadd.s32 @!p0 $0x100000, s0  }
0xfb: {  	[sflag:s0] =	ssyncadd.tile.s32 @!p0 $0x1;
	_ =	shalt  }
.Lfunc_end2:
_tile_overlayer_lowered:
.L_overlay_start_2:
0xfc: {  	(tag) =	ssettag $0x2  }
0xfd: {  	s0 =	rddreg [dreg:$0x0];
	s2 =	stileid.u32  }
0xfe: {  	s1 =	rddreg [dreg:$0x1];
	p0 =	sne.s32 s2, $0x0  }
0xff: {  	s3 =	rddreg [dreg:$0x2];
	[bflag:$0x3] =	sbarrier.arrive $0xFFFF;
	s2 =	simm.s32 @!p0 $0x1C01  }
0x100: {  	[timem:s3], [sflag:s2] =	dma.local @!p0 [hbm:s0], s1  }
0x101: {  	s0 =	simm.s32 @!p0 $0x1  }
0x102: {  	_ =	swait.ge @!p0 [sflag:s0], s1  }
0x103: {  	s1 =	ssub.s32 @!p0 $0x0, s1;
	[sflag:s0] =	ssyncset.done @!p0 $0x0  }
0x104: {  	[sflag:s0] =	ssyncadd.s32 @!p0 s1  }
0x105: {  	[bflag:$0x3] =	sbarrier.arrive $0xFFFF  }
0x106: {  	_ =	shalt  }

</sc_bundles>
